<compile_context>
chip_gen: v7x
topology: tpu7x:2x2x1
jax: 0.10.2.dev20260603
libtpu: 0.0.44.dev20260713+nightly
codegen_flags: <defaults>
</compile_context>

<pallas_src>
import functools

import numpy as np

import jax
import jax.numpy as jnp
from jax import lax
from jax.experimental import pallas as pl
from jax.experimental.pallas import tpu as pltpu
from jax.experimental.pallas import tpu_sc as plsc

_N = 10000
_NP = 10240
_E = 320000
_CH = 120
_NC = 2
_NS = 16
_NW = _NC * _NS
_CPW = 84
_EP = _NW * _CPW * _CH
_RPT = _NP // _NS
_DW = 128


_NBUF = 3


def _make_agg(d):
    mesh = plsc.VectorSubcoreMesh(
        core_axis_name="c", subcore_axis_name="s", num_cores=_NC, num_subcores=_NS
    )

    @functools.partial(
        pl.kernel,
        out_type=jax.ShapeDtypeStruct((_NC, _NP, d), jnp.float32),
        mesh=mesh,
        scratch_types=[
            [pltpu.VMEM((_CH,), jnp.int32)] * _NBUF,
            [pltpu.VMEM((_CH,), jnp.int32)] * _NBUF,
            [pltpu.VMEM((_CH, d), jnp.float32)] * _NBUF,
            [pltpu.SemaphoreType.DMA] * _NBUF,
            [pltpu.SemaphoreType.DMA] * _NBUF,
            pltpu.VMEM_SHARED((_NP, d), jnp.float32),
        ],
    )
    def agg(table, src, dst, zeros, out, sidxs, didxs, rbufs, sgs, sss, acc):
        cid = lax.axis_index("c")
        sid = lax.axis_index("s")
        w = cid * _NS + sid
        r0 = sid * _RPT
        pltpu.sync_copy(zeros.at[pl.ds(r0, _RPT)], acc.at[pl.ds(r0, _RPT)])
        plsc.subcore_barrier()

        for u in range(_NBUF - 1):
            pltpu.sync_copy(src.at[w, u], sidxs[u])
            pltpu.sync_copy(dst.at[w, u], didxs[u])
            pltpu.async_copy(table.at[sidxs[u]], rbufs[u], sgs[u])

        def body(t, carry):
            for u in range(_NBUF):
                i = t * _NBUF + u
                pltpu.make_async_copy(table.at[sidxs[u]], rbufs[u], sgs[u]).wait()
                pltpu.async_copy(rbufs[u], acc.at[didxs[u]], sss[u], add=True)
                j = i + _NBUF - 1
                pb = (u - 1) % _NBUF

                @pl.when(j < _CPW)
                def _():
                    @pl.when(i >= 1)
                    def _():
                        pltpu.make_async_copy(
                            rbufs[pb], acc.at[didxs[pb]], sss[pb]
                        ).wait()

                    pltpu.sync_copy(src.at[w, j], sidxs[pb])
                    pltpu.sync_copy(dst.at[w, j], didxs[pb])
                    pltpu.async_copy(table.at[sidxs[pb]], rbufs[pb], sgs[pb])
            return carry

        lax.fori_loop(0, _CPW // _NBUF, body, 0)
        for u in range(_NBUF):
            pltpu.make_async_copy(
                rbufs[u], acc.at[didxs[u]], sss[u]
            ).wait()
        plsc.subcore_barrier()
        pltpu.sync_copy(acc.at[pl.ds(r0, _RPT)], out.at[cid, pl.ds(r0, _RPT)])

    return agg


def _make_deg():
    mesh = plsc.VectorSubcoreMesh(
        core_axis_name="c", subcore_axis_name="s", num_cores=_NC, num_subcores=_NS
    )

    grp = 6
    dw = _DW

    @functools.partial(
        pl.kernel,
        out_type=jax.ShapeDtypeStruct((_NC, _NP, dw), jnp.float32),
        mesh=mesh,
        scratch_types=[
            pltpu.VMEM((_CPW, _CH), jnp.int32),
            pltpu.VMEM((_CH, dw), jnp.float32),
            pltpu.SemaphoreType.DMA,
            pltpu.VMEM_SHARED((_NP, dw), jnp.float32),
        ],
    )
    def deg(ones_blk, dst, zeros, out, didx, rbuf, sem, acc):
        cid = lax.axis_index("c")
        sid = lax.axis_index("s")
        w = cid * _NS + sid
        r0 = sid * _RPT
        pltpu.sync_copy(dst.at[w], didx)
        pltpu.sync_copy(ones_blk, rbuf)
        pltpu.sync_copy(zeros.at[pl.ds(r0, _RPT)], acc.at[pl.ds(r0, _RPT)])
        plsc.subcore_barrier()

        def body(t, carry):
            for u in range(grp):
                pltpu.async_copy(rbuf, acc.at[didx.at[t * grp + u]], sem, add=True)
            for u in range(grp):
                pltpu.make_async_copy(rbuf, acc.at[didx.at[t * grp + u]], sem).wait()
            return carry

        lax.fori_loop(0, _CPW // grp, body, 0)
        plsc.subcore_barrier()
        pltpu.sync_copy(acc.at[pl.ds(r0, _RPT)], out.at[cid, pl.ds(r0, _RPT)])

    return deg


_DEG = _make_deg()
_AGG128 = _make_agg(128)


def _tc_mm(x, w1, ws, bs):

    def body(x_ref, w1_ref, ws_ref, bs_ref, h1_ref, s_ref):
        xv = x_ref[...]
        h1_ref[...] = lax.dot_general(xv, w1_ref[...], (((1,), (1,)), ((), ())),
                                      preferred_element_type=jnp.float32)
        s_ref[...] = lax.dot_general(xv, ws_ref[...], (((1,), (1,)), ((), ())),
                                     preferred_element_type=jnp.float32) + bs_ref[...][None, :]

    return pl.pallas_call(
        body,
        out_shape=(
            jax.ShapeDtypeStruct((_NP, 128), jnp.float32),
            jax.ShapeDtypeStruct((_NP, 64), jnp.float32),
        ),
    )(x, w1, ws, bs)


def _tc_scale(cnt, h1):

    def body(cnt_ref, h1_ref, dinv_ref, g1_ref):
        deg = cnt_ref[0, :, 0:1] + cnt_ref[1, :, 0:1] + 1.0
        dinv = lax.rsqrt(deg)
        dinv_ref[...] = dinv
        g1_ref[...] = dinv * h1_ref[...]

    return pl.pallas_call(
        body,
        out_shape=(
            jax.ShapeDtypeStruct((_NP, 1), jnp.float32),
            jax.ShapeDtypeStruct((_NP, 128), jnp.float32),
        ),
    )(cnt, h1)


def _tc_mid(dinv, p, g, b, gm, bt, wn):

    def body(dinv_ref, p_ref, g_ref, b_ref, gm_ref, bt_ref, wn_ref, gn_ref):
        dinv = dinv_ref[...]
        agg = p_ref[0] + p_ref[1] + g_ref[...]
        t = dinv * agg + b_ref[...][None, :]
        tr = t[0:_N]
        mu = jnp.sum(tr, axis=0, keepdims=True) * (1.0 / _N)
        var = jnp.sum((tr - mu) ** 2, axis=0, keepdims=True) * (1.0 / _N)
        z = (t - mu) * lax.rsqrt(var + 1e-5) * gm_ref[...][None, :] + bt_ref[...][None, :]
        z = jnp.where(z > 0, z, jnp.exp(jnp.minimum(z, 0.0)) - 1.0)
        gn_ref[...] = dinv * lax.dot_general(z, wn_ref[...], (((1,), (1,)), ((), ())),
                                             preferred_element_type=jnp.float32)

    return pl.pallas_call(
        body, out_shape=jax.ShapeDtypeStruct((_NP, wn.shape[0]), jnp.float32)
    )(dinv, p, g, b, gm, bt, wn)


def _tc_fin(dinv, p, g3, b3, s):

    def body(dinv_ref, p_ref, g_ref, b_ref, s_ref, o_ref):
        agg = (p_ref[0] + p_ref[1] + g_ref[...])[:, 0:64]
        x3 = dinv_ref[...] * agg + b_ref[...][None, :] + s_ref[...]
        x3 = x3[0:_N]
        m = jnp.max(x3, axis=1, keepdims=True)
        ex = jnp.exp(x3 - m)
        o_ref[...] = x3 - (jnp.log(jnp.sum(ex, axis=1, keepdims=True)) + m)

    return pl.pallas_call(
        body, out_shape=jax.ShapeDtypeStruct((_N, 64), jnp.float32)
    )(dinv, p, g3, b3, s)


def kernel(x, edge_index, W1, b1, gamma1, beta1, W2, b2, gamma2, beta2, W3, b3, Ws, bs):
    src = edge_index[0]
    dst = edge_index[1]
    pad = jnp.asarray(
        (_N + (np.arange(_EP - _E) % (_NP - _N))).astype(np.int32))
    srcp = jnp.concatenate([src, pad]).reshape(_NW, _CPW, _CH)
    dstp = jnp.concatenate([dst, pad]).reshape(_NW, _CPW, _CH)
    xp = jnp.zeros((_NP, 128), jnp.float32).at[0:_N].set(x)
    ones_blk = jnp.ones((_CH, _DW), jnp.float32)
    z128 = jnp.zeros((_NP, 128), jnp.float32)
    zdw = jnp.zeros((_NP, _DW), jnp.float32)
    w3p = jnp.zeros((128, 128), jnp.float32).at[0:64].set(W3)

    cnt = _DEG(ones_blk, dstp, zdw)
    h1, s = _tc_mm(xp, W1, Ws, bs)
    dinv, g1 = _tc_scale(cnt, h1)
    p1 = _AGG128(g1, srcp, dstp, z128)
    g2 = _tc_mid(dinv, p1, g1, b1, gamma1, beta1, W2)
    p2 = _AGG128(g2, srcp, dstp, z128)
    g3 = _tc_mid(dinv, p2, g2, b2, gamma2, beta2, w3p)
    p3 = _AGG128(g3, srcp, dstp, z128)
    return _tc_fin(dinv, p3, g3, b3, s)

# --- scband reference (transcript-rebuilt; emitter-appended) ---
"""Pipeline reference for scband-gcn-20461224198523 (READ-ONLY COPY).

The authoritative reference and input builder live on the scoring server;
editing this copy changes nothing except your own understanding.
"""

import jax, jax.numpy as jnp
import numpy as np

N = 10000
E = 320000
D_IN = 128
H1 = 128
H2 = 128
D_OUT = 64


def _xavier(key, shape):
    fan_out, fan_in = shape
    limit = float(np.sqrt(6.0 / (fan_in + fan_out)))
    return jax.random.uniform(key, shape, minval=-limit, maxval=limit, dtype=jnp.float32)


def setup_inputs(seed: int = 0) -> dict:
    key = jax.random.key(seed)
    ks = jax.random.split(key, 8)
    x = jax.random.normal(ks[0], (N, D_IN), dtype=jnp.float32)
    edge_index = jax.random.randint(ks[1], (2, E), 0, N, dtype=jnp.int32)
    W1 = _xavier(ks[2], (H1, D_IN)); b1 = jnp.zeros((H1,), jnp.float32)
    W2 = _xavier(ks[3], (H2, H1)); b2 = jnp.zeros((H2,), jnp.float32)
    W3 = _xavier(ks[4], (D_OUT, H2)); b3 = jnp.zeros((D_OUT,), jnp.float32)
    Ws = _xavier(ks[5], (D_OUT, D_IN)); bs = jnp.zeros((D_OUT,), jnp.float32)
    gamma1 = jnp.ones((H1,), jnp.float32); beta1 = jnp.zeros((H1,), jnp.float32)
    gamma2 = jnp.ones((H2,), jnp.float32); beta2 = jnp.zeros((H2,), jnp.float32)
    return {"x": x, "edge_index": edge_index, "W1": W1, "b1": b1, "gamma1": gamma1,
            "beta1": beta1, "W2": W2, "b2": b2, "gamma2": gamma2, "beta2": beta2,
            "W3": W3, "b3": b3, "Ws": Ws, "bs": bs}


def _gcn_conv(x, src, dst, W, b):
    # GCNConv with self-loops and symmetric deg^{-1/2} normalization (PyG semantics)
    n = x.shape[0]
    loop = jnp.arange(n, dtype=src.dtype)
    s = jnp.concatenate([src, loop])
    d = jnp.concatenate([dst, loop])
    ones = jnp.ones(s.shape[0], dtype=x.dtype)
    deg = jax.ops.segment_sum(ones, d, num_segments=n)
    dinv = jnp.where(deg > 0, jax.lax.rsqrt(deg), 0.0)
    norm = dinv[s] * dinv[d]
    h = x @ W.T
    msg = h[s] * norm[:, None]
    out = jax.ops.segment_sum(msg, d, num_segments=n)
    return out + b


def _bn(h, gamma, beta, eps=1e-5):
    mu = jnp.mean(h, axis=0)
    var = jnp.mean((h - mu) ** 2, axis=0)
    return (h - mu) * jax.lax.rsqrt(var + eps) * gamma + beta


def reference(x, edge_index, W1, b1, gamma1, beta1, W2, b2, gamma2, beta2, W3, b3, Ws, bs):
    src = edge_index[0]
    dst = edge_index[1]
    x1 = _gcn_conv(x, src, dst, W1, b1)
    x1 = _bn(x1, gamma1, beta1)
    x1 = jax.nn.elu(x1)
    # dropout is identity in eval/deterministic reference
    x2 = _gcn_conv(x1, src, dst, W2, b2)
    x2 = _bn(x2, gamma2, beta2)
    x2 = jax.nn.elu(x2)
    x3 = _gcn_conv(x2, src, dst, W3, b3)
    x3 = x3 + x @ Ws.T + bs
    return jax.nn.log_softmax(x3, axis=1)

if __name__ == "__main__":
    import jax
    _d = setup_inputs()
    print(jax.jit(kernel)(*tuple(_d.values())))

</pallas_src>

<mosaic_0001>
#map = affine_map<(d0, d1) -> (0, 0)>
#map1 = affine_map<(d0, d1) -> (0, 0, 0)>
module attributes {stable_mosaic.version = 14 : i64} {
  func.func @agg(%arg0: i32, %arg1: i32, %arg2: memref<10240x128xf32, #tpu.memory_space<hbm>>, %arg3: memref<32x84x120xi32, #tpu.memory_space<hbm>>, %arg4: memref<32x84x120xi32, #tpu.memory_space<hbm>>, %arg5: memref<10240x128xf32, #tpu.memory_space<hbm>>, %arg6: memref<2x10240x128xf32, #tpu.memory_space<hbm>>, %arg7: memref<120xi32, #tpu.memory_space<vmem>>, %arg8: memref<120xi32, #tpu.memory_space<vmem>>, %arg9: memref<120xi32, #tpu.memory_space<vmem>>, %arg10: memref<120xi32, #tpu.memory_space<vmem>>, %arg11: memref<120xi32, #tpu.memory_space<vmem>>, %arg12: memref<120xi32, #tpu.memory_space<vmem>>, %arg13: memref<120x128xf32, #tpu.memory_space<vmem>>, %arg14: memref<120x128xf32, #tpu.memory_space<vmem>>, %arg15: memref<120x128xf32, #tpu.memory_space<vmem>>, %arg16: memref<!tpu.dma_semaphore, #tpu.memory_space<semaphore_mem>>, %arg17: memref<!tpu.dma_semaphore, #tpu.memory_space<semaphore_mem>>, %arg18: memref<!tpu.dma_semaphore, #tpu.memory_space<semaphore_mem>>, %arg19: memref<!tpu.dma_semaphore, #tpu.memory_space<semaphore_mem>>, %arg20: memref<!tpu.dma_semaphore, #tpu.memory_space<semaphore_mem>>, %arg21: memref<!tpu.dma_semaphore, #tpu.memory_space<semaphore_mem>>, %arg22: memref<10240x128xf32, #tpu.memory_space<vmem_shared>>) attributes {dimension_semantics = [#tpu.dimension_semantics<core_parallel>, #tpu.dimension_semantics<subcore_parallel>], iteration_bounds = array<i64: 2, 16>, scalar_prefetch = 0 : i64, scratch_operands = 16 : i64, tpu.core_type = #tpu.core_type<sc_vector_subcore>, window_params = [{transform_indices = #map}, {transform_indices = #map1}, {transform_indices = #map1}, {transform_indices = #map}, {transform_indices = #map1}]} {
    %mul3A = arith.constant 16 : i32
    %mul3A_0 = arith.muli %arg0, %mul3A : i32
    %add3A = arith.addi %mul3A_0, %arg1 : i32
    %mul3A_1 = arith.constant 640 : i32
    %mul3A_2 = arith.muli %arg1, %mul3A_1 : i32
    "tpu.region"() ({
      %run_scoped3A_25 = tpu.sem_alloc : memref<!tpu.dma_semaphore, #tpu.memory_space<semaphore_mem>>
      %dma_start3A_26 = arith.constant 0 : i32
      %dma_start3A_27 = tpu.memref_slice %arg22[%mul3A_2, %dma_start3A_26] : memref<10240x128xf32, #tpu.memory_space<vmem_shared>> -> memref<640x128xf32, #tpu.memory_space<vmem_shared>>
      %dma_start3A_28 = arith.constant 0 : i32
      %dma_start3A_29 = tpu.memref_slice %arg5[%mul3A_2, %dma_start3A_28] : memref<10240x128xf32, #tpu.memory_space<hbm>> -> memref<640x128xf32, #tpu.memory_space<hbm>>
      tpu.enqueue_dma source(%dma_start3A_29 : memref<640x128xf32, #tpu.memory_space<hbm>>) target(%dma_start3A_27 : memref<640x128xf32, #tpu.memory_space<vmem_shared>>) target_semaphore(%run_scoped3A_25 : memref<!tpu.dma_semaphore, #tpu.memory_space<semaphore_mem>>)
      %dma_wait3A_30 = arith.constant 0 : i32
      %dma_wait3A_31 = tpu.memref_slice %arg22[%mul3A_2, %dma_wait3A_30] : memref<10240x128xf32, #tpu.memory_space<vmem_shared>> -> memref<640x128xf32, #tpu.memory_space<vmem_shared>>
      %dma_wait3A_32 = arith.constant 0 : i32
      %dma_wait3A_33 = tpu.memref_slice %arg5[%mul3A_2, %dma_wait3A_32] : memref<10240x128xf32, #tpu.memory_space<hbm>> -> memref<640x128xf32, #tpu.memory_space<hbm>>
      tpu.wait_dma2 semaphore(%run_scoped3A_25 : memref<!tpu.dma_semaphore, #tpu.memory_space<semaphore_mem>>) src(%dma_wait3A_33 : memref<640x128xf32, #tpu.memory_space<hbm>>) dst(%dma_wait3A_31 : memref<640x128xf32, #tpu.memory_space<vmem_shared>>)
      tpu.yield
    }) : () -> ()
    %barrier3A = arith.constant 0 : index
    tpu.barrier barrier_id(%barrier3A)
    %run_scoped3A = arith.constant 0 : i32
    "tpu.region"() ({
      %run_scoped3A_25 = tpu.sem_alloc : memref<!tpu.dma_semaphore, #tpu.memory_space<semaphore_mem>>
      %dma_start3A_26 = arith.constant 0 : i32
      %dma_start3A_27 = tpu.memref_slice %arg3[%add3A, %run_scoped3A, %dma_start3A_26] : memref<32x84x120xi32, #tpu.memory_space<hbm>> -> memref<1x1x120xi32, #tpu.memory_space<hbm>>
      %dma_start3A_28 = tpu.memref_squeeze %dma_start3A_27 : memref<1x1x120xi32, #tpu.memory_space<hbm>> -> memref<120xi32, #tpu.memory_space<hbm>>
      %dma_start3A_29 = arith.constant 0 : i32
      %dma_start3A_30 = tpu.memref_slice %arg3[%add3A, %run_scoped3A, %dma_start3A_29] : memref<32x84x120xi32, #tpu.memory_space<hbm>> -> memref<1x1x120xi32, #tpu.memory_space<hbm>>
      %dma_start3A_31 = tpu.memref_squeeze %dma_start3A_30 : memref<1x1x120xi32, #tpu.memory_space<hbm>> -> memref<120xi32, #tpu.memory_space<hbm>>
      tpu.enqueue_dma source(%dma_start3A_31 : memref<120xi32, #tpu.memory_space<hbm>>) target(%arg7 : memref<120xi32, #tpu.memory_space<vmem>>) target_semaphore(%run_scoped3A_25 : memref<!tpu.dma_semaphore, #tpu.memory_space<semaphore_mem>>)
      %dma_wait3A_32 = arith.constant 0 : i32
      %dma_wait3A_33 = tpu.memref_slice %arg3[%add3A, %run_scoped3A, %dma_wait3A_32] : memref<32x84x120xi32, #tpu.memory_space<hbm>> -> memref<1x1x120xi32, #tpu.memory_space<hbm>>
      %dma_wait3A_34 = tpu.memref_squeeze %dma_wait3A_33 : memref<1x1x120xi32, #tpu.memory_space<hbm>> -> memref<120xi32, #tpu.memory_space<hbm>>
      %dma_wait3A_35 = arith.constant 0 : i32
      %dma_wait3A_36 = tpu.memref_slice %arg3[%add3A, %run_scoped3A, %dma_wait3A_35] : memref<32x84x120xi32, #tpu.memory_space<hbm>> -> memref<1x1x120xi32, #tpu.memory_space<hbm>>
      %dma_wait3A_37 = tpu.memref_squeeze %dma_wait3A_36 : memref<1x1x120xi32, #tpu.memory_space<hbm>> -> memref<120xi32, #tpu.memory_space<hbm>>
      tpu.wait_dma2 semaphore(%run_scoped3A_25 : memref<!tpu.dma_semaphore, #tpu.memory_space<semaphore_mem>>) src(%dma_wait3A_37 : memref<120xi32, #tpu.memory_space<hbm>>) dst(%arg7 : memref<120xi32, #tpu.memory_space<vmem>>)
      tpu.yield
    }) : () -> ()
    %run_scoped3A_3 = arith.constant 0 : i32
    "tpu.region"() ({
      %run_scoped3A_25 = tpu.sem_alloc : memref<!tpu.dma_semaphore, #tpu.memory_space<semaphore_mem>>
      %dma_start3A_26 = arith.constant 0 : i32
      %dma_start3A_27 = tpu.memref_slice %arg4[%add3A, %run_scoped3A_3, %dma_start3A_26] : memref<32x84x120xi32, #tpu.memory_space<hbm>> -> memref<1x1x120xi32, #tpu.memory_space<hbm>>
      %dma_start3A_28 = tpu.memref_squeeze %dma_start3A_27 : memref<1x1x120xi32, #tpu.memory_space<hbm>> -> memref<120xi32, #tpu.memory_space<hbm>>
      %dma_start3A_29 = arith.constant 0 : i32
      %dma_start3A_30 = tpu.memref_slice %arg4[%add3A, %run_scoped3A_3, %dma_start3A_29] : memref<32x84x120xi32, #tpu.memory_space<hbm>> -> memref<1x1x120xi32, #tpu.memory_space<hbm>>
      %dma_start3A_31 = tpu.memref_squeeze %dma_start3A_30 : memref<1x1x120xi32, #tpu.memory_space<hbm>> -> memref<120xi32, #tpu.memory_space<hbm>>
      tpu.enqueue_dma source(%dma_start3A_31 : memref<120xi32, #tpu.memory_space<hbm>>) target(%arg10 : memref<120xi32, #tpu.memory_space<vmem>>) target_semaphore(%run_scoped3A_25 : memref<!tpu.dma_semaphore, #tpu.memory_space<semaphore_mem>>)
      %dma_wait3A_32 = arith.constant 0 : i32
      %dma_wait3A_33 = tpu.memref_slice %arg4[%add3A, %run_scoped3A_3, %dma_wait3A_32] : memref<32x84x120xi32, #tpu.memory_space<hbm>> -> memref<1x1x120xi32, #tpu.memory_space<hbm>>
      %dma_wait3A_34 = tpu.memref_squeeze %dma_wait3A_33 : memref<1x1x120xi32, #tpu.memory_space<hbm>> -> memref<120xi32, #tpu.memory_space<hbm>>
      %dma_wait3A_35 = arith.constant 0 : i32
      %dma_wait3A_36 = tpu.memref_slice %arg4[%add3A, %run_scoped3A_3, %dma_wait3A_35] : memref<32x84x120xi32, #tpu.memory_space<hbm>> -> memref<1x1x120xi32, #tpu.memory_space<hbm>>
      %dma_wait3A_37 = tpu.memref_squeeze %dma_wait3A_36 : memref<1x1x120xi32, #tpu.memory_space<hbm>> -> memref<120xi32, #tpu.memory_space<hbm>>
      tpu.wait_dma2 semaphore(%run_scoped3A_25 : memref<!tpu.dma_semaphore, #tpu.memory_space<semaphore_mem>>) src(%dma_wait3A_37 : memref<120xi32, #tpu.memory_space<hbm>>) dst(%arg10 : memref<120xi32, #tpu.memory_space<vmem>>)
      tpu.yield
    }) : () -> ()
    %dma_start3A = arith.constant 0 : i32
    %dma_start3A_4 = arith.constant 0 : i32
    %dma_start3A_5 = tpu.memref_slice %arg2[%dma_start3A, %dma_start3A_4] : memref<10240x128xf32, #tpu.memory_space<hbm>> -> memref<10240x128xf32, #tpu.memory_space<hbm>>
    tpu.enqueue_indirect_dma source(%dma_start3A_5 : memref<10240x128xf32, #tpu.memory_space<hbm>>) target(%arg13 : memref<120x128xf32, #tpu.memory_space<vmem>>) offsets(%arg7 : memref<120xi32, #tpu.memory_space<vmem>>) semaphore(%arg16 : memref<!tpu.dma_semaphore, #tpu.memory_space<semaphore_mem>>)
    %run_scoped3A_6 = arith.constant 1 : i32
    "tpu.region"() ({
      %run_scoped3A_25 = tpu.sem_alloc : memref<!tpu.dma_semaphore, #tpu.memory_space<semaphore_mem>>
      %dma_start3A_26 = arith.constant 0 : i32
      %dma_start3A_27 = tpu.memref_slice %arg3[%add3A, %run_scoped3A_6, %dma_start3A_26] : memref<32x84x120xi32, #tpu.memory_space<hbm>> -> memref<1x1x120xi32, #tpu.memory_space<hbm>>
      %dma_start3A_28 = tpu.memref_squeeze %dma_start3A_27 : memref<1x1x120xi32, #tpu.memory_space<hbm>> -> memref<120xi32, #tpu.memory_space<hbm>>
      %dma_start3A_29 = arith.constant 0 : i32
      %dma_start3A_30 = tpu.memref_slice %arg3[%add3A, %run_scoped3A_6, %dma_start3A_29] : memref<32x84x120xi32, #tpu.memory_space<hbm>> -> memref<1x1x120xi32, #tpu.memory_space<hbm>>
      %dma_start3A_31 = tpu.memref_squeeze %dma_start3A_30 : memref<1x1x120xi32, #tpu.memory_space<hbm>> -> memref<120xi32, #tpu.memory_space<hbm>>
      tpu.enqueue_dma source(%dma_start3A_31 : memref<120xi32, #tpu.memory_space<hbm>>) target(%arg8 : memref<120xi32, #tpu.memory_space<vmem>>) target_semaphore(%run_scoped3A_25 : memref<!tpu.dma_semaphore, #tpu.memory_space<semaphore_mem>>)
      %dma_wait3A_32 = arith.constant 0 : i32
      %dma_wait3A_33 = tpu.memref_slice %arg3[%add3A, %run_scoped3A_6, %dma_wait3A_32] : memref<32x84x120xi32, #tpu.memory_space<hbm>> -> memref<1x1x120xi32, #tpu.memory_space<hbm>>
      %dma_wait3A_34 = tpu.memref_squeeze %dma_wait3A_33 : memref<1x1x120xi32, #tpu.memory_space<hbm>> -> memref<120xi32, #tpu.memory_space<hbm>>
      %dma_wait3A_35 = arith.constant 0 : i32
      %dma_wait3A_36 = tpu.memref_slice %arg3[%add3A, %run_scoped3A_6, %dma_wait3A_35] : memref<32x84x120xi32, #tpu.memory_space<hbm>> -> memref<1x1x120xi32, #tpu.memory_space<hbm>>
      %dma_wait3A_37 = tpu.memref_squeeze %dma_wait3A_36 : memref<1x1x120xi32, #tpu.memory_space<hbm>> -> memref<120xi32, #tpu.memory_space<hbm>>
      tpu.wait_dma2 semaphore(%run_scoped3A_25 : memref<!tpu.dma_semaphore, #tpu.memory_space<semaphore_mem>>) src(%dma_wait3A_37 : memref<120xi32, #tpu.memory_space<hbm>>) dst(%arg8 : memref<120xi32, #tpu.memory_space<vmem>>)
      tpu.yield
    }) : () -> ()
    %run_scoped3A_7 = arith.constant 1 : i32
    "tpu.region"() ({
      %run_scoped3A_25 = tpu.sem_alloc : memref<!tpu.dma_semaphore, #tpu.memory_space<semaphore_mem>>
      %dma_start3A_26 = arith.constant 0 : i32
      %dma_start3A_27 = tpu.memref_slice %arg4[%add3A, %run_scoped3A_7, %dma_start3A_26] : memref<32x84x120xi32, #tpu.memory_space<hbm>> -> memref<1x1x120xi32, #tpu.memory_space<hbm>>
      %dma_start3A_28 = tpu.memref_squeeze %dma_start3A_27 : memref<1x1x120xi32, #tpu.memory_space<hbm>> -> memref<120xi32, #tpu.memory_space<hbm>>
      %dma_start3A_29 = arith.constant 0 : i32
      %dma_start3A_30 = tpu.memref_slice %arg4[%add3A, %run_scoped3A_7, %dma_start3A_29] : memref<32x84x120xi32, #tpu.memory_space<hbm>> -> memref<1x1x120xi32, #tpu.memory_space<hbm>>
      %dma_start3A_31 = tpu.memref_squeeze %dma_start3A_30 : memref<1x1x120xi32, #tpu.memory_space<hbm>> -> memref<120xi32, #tpu.memory_space<hbm>>
      tpu.enqueue_dma source(%dma_start3A_31 : memref<120xi32, #tpu.memory_space<hbm>>) target(%arg11 : memref<120xi32, #tpu.memory_space<vmem>>) target_semaphore(%run_scoped3A_25 : memref<!tpu.dma_semaphore, #tpu.memory_space<semaphore_mem>>)
      %dma_wait3A_32 = arith.constant 0 : i32
      %dma_wait3A_33 = tpu.memref_slice %arg4[%add3A, %run_scoped3A_7, %dma_wait3A_32] : memref<32x84x120xi32, #tpu.memory_space<hbm>> -> memref<1x1x120xi32, #tpu.memory_space<hbm>>
      %dma_wait3A_34 = tpu.memref_squeeze %dma_wait3A_33 : memref<1x1x120xi32, #tpu.memory_space<hbm>> -> memref<120xi32, #tpu.memory_space<hbm>>
      %dma_wait3A_35 = arith.constant 0 : i32
      %dma_wait3A_36 = tpu.memref_slice %arg4[%add3A, %run_scoped3A_7, %dma_wait3A_35] : memref<32x84x120xi32, #tpu.memory_space<hbm>> -> memref<1x1x120xi32, #tpu.memory_space<hbm>>
      %dma_wait3A_37 = tpu.memref_squeeze %dma_wait3A_36 : memref<1x1x120xi32, #tpu.memory_space<hbm>> -> memref<120xi32, #tpu.memory_space<hbm>>
      tpu.wait_dma2 semaphore(%run_scoped3A_25 : memref<!tpu.dma_semaphore, #tpu.memory_space<semaphore_mem>>) src(%dma_wait3A_37 : memref<120xi32, #tpu.memory_space<hbm>>) dst(%arg11 : memref<120xi32, #tpu.memory_space<vmem>>)
      tpu.yield
    }) : () -> ()
    %dma_start3A_8 = arith.constant 0 : i32
    %dma_start3A_9 = arith.constant 0 : i32
    %dma_start3A_10 = tpu.memref_slice %arg2[%dma_start3A_8, %dma_start3A_9] : memref<10240x128xf32, #tpu.memory_space<hbm>> -> memref<10240x128xf32, #tpu.memory_space<hbm>>
    tpu.enqueue_indirect_dma source(%dma_start3A_10 : memref<10240x128xf32, #tpu.memory_space<hbm>>) target(%arg14 : memref<120x128xf32, #tpu.memory_space<vmem>>) offsets(%arg8 : memref<120xi32, #tpu.memory_space<vmem>>) semaphore(%arg17 : memref<!tpu.dma_semaphore, #tpu.memory_space<semaphore_mem>>)
    %scan3A = arith.constant 0 : i32
    %scan3A_11 = arith.constant 0 : i32
    %scan3A_12 = arith.constant 28 : i32
    %scan3A_13 = arith.addi %scan3A_11, %scan3A_12 : i32
    %scan3A_14 = arith.constant 1 : i32
    scf.for %scan3A_25 = %scan3A_11 to %scan3A_13 step %scan3A_14  : i32 {
      %mul3A_26 = arith.constant 3 : i32
      %mul3A_27 = arith.muli %scan3A_25, %mul3A_26 : i32
      %add3A_28 = arith.constant 0 : i32
      %add3A_29 = arith.addi %mul3A_27, %add3A_28 : i32
      %dma_wait3A_30 = arith.constant 0 : i32
      %dma_wait3A_31 = arith.constant 0 : i32
      %dma_wait3A_32 = tpu.memref_slice %arg2[%dma_wait3A_30, %dma_wait3A_31] : memref<10240x128xf32, #tpu.memory_space<hbm>> -> memref<10240x128xf32, #tpu.memory_space<hbm>>
      tpu.wait_indirect_dma semaphore(%arg16 : memref<!tpu.dma_semaphore, #tpu.memory_space<semaphore_mem>>) src(%dma_wait3A_32 : memref<10240x128xf32, #tpu.memory_space<hbm>>) dst(%arg13 : memref<120x128xf32, #tpu.memory_space<vmem>>)
      %dma_start3A_33 = arith.constant 0 : i32
      %dma_start3A_34 = arith.constant 0 : i32
      %dma_start3A_35 = tpu.memref_slice %arg22[%dma_start3A_33, %dma_start3A_34] : memref<10240x128xf32, #tpu.memory_space<vmem_shared>> -> memref<10240x128xf32, #tpu.memory_space<vmem_shared>>
      tpu.enqueue_indirect_dma source(%arg13 : memref<120x128xf32, #tpu.memory_space<vmem>>) target(%dma_start3A_35 : memref<10240x128xf32, #tpu.memory_space<vmem_shared>>) offsets(%arg10 : memref<120xi32, #tpu.memory_space<vmem>>) semaphore(%arg19 : memref<!tpu.dma_semaphore, #tpu.memory_space<semaphore_mem>>) {add = true}
      %add3A_36 = arith.constant 3 : i32
      %add3A_37 = arith.addi %add3A_29, %add3A_36 : i32
      %sub3A = arith.constant 1 : i32
      %sub3A_38 = arith.subi %add3A_37, %sub3A : i32
      %lt3A = arith.constant 84 : i32
      %lt3A_39 = arith.cmpi slt, %sub3A_38, %lt3A : i32
      %convert_element_type3A = arith.extui %lt3A_39 : i1 to i32
      %cond3A = arith.constant 0 : i32
      %cond3A_40 = arith.cmpi ne, %convert_element_type3A, %cond3A : i32
      scf.if %cond3A_40 {
        %ge3A = arith.constant 1 : i32
        %ge3A_79 = arith.cmpi sge, %add3A_29, %ge3A : i32
        %convert_element_type3A_80 = arith.extui %ge3A_79 : i1 to i32
        %cond3A_81 = arith.constant 0 : i32
        %cond3A_82 = arith.cmpi ne, %convert_element_type3A_80, %cond3A_81 : i32
        scf.if %cond3A_82 {
          %dma_wait3A_86 = arith.constant 0 : i32
          %dma_wait3A_87 = arith.constant 0 : i32
          %dma_wait3A_88 = tpu.memref_slice %arg22[%dma_wait3A_86, %dma_wait3A_87] : memref<10240x128xf32, #tpu.memory_space<vmem_shared>> -> memref<10240x128xf32, #tpu.memory_space<vmem_shared>>
          tpu.wait_indirect_dma semaphore(%arg21 : memref<!tpu.dma_semaphore, #tpu.memory_space<semaphore_mem>>) src(%arg15 : memref<120x128xf32, #tpu.memory_space<vmem>>) dst(%dma_wait3A_88 : memref<10240x128xf32, #tpu.memory_space<vmem_shared>>)
        } else {
        }
        "tpu.region"() ({
          %run_scoped3A_86 = tpu.sem_alloc : memref<!tpu.dma_semaphore, #tpu.memory_space<semaphore_mem>>
          %dma_start3A_87 = arith.constant 0 : i32
          %dma_start3A_88 = tpu.memref_slice %arg3[%add3A, %sub3A_38, %dma_start3A_87] : memref<32x84x120xi32, #tpu.memory_space<hbm>> -> memref<1x1x120xi32, #tpu.memory_space<hbm>>
          %dma_start3A_89 = tpu.memref_squeeze %dma_start3A_88 : memref<1x1x120xi32, #tpu.memory_space<hbm>> -> memref<120xi32, #tpu.memory_space<hbm>>
          %dma_start3A_90 = arith.constant 0 : i32
          %dma_start3A_91 = tpu.memref_slice %arg3[%add3A, %sub3A_38, %dma_start3A_90] : memref<32x84x120xi32, #tpu.memory_space<hbm>> -> memref<1x1x120xi32, #tpu.memory_space<hbm>>
          %dma_start3A_92 = tpu.memref_squeeze %dma_start3A_91 : memref<1x1x120xi32, #tpu.memory_space<hbm>> -> memref<120xi32, #tpu.memory_space<hbm>>
          tpu.enqueue_dma source(%dma_start3A_92 : memref<120xi32, #tpu.memory_space<hbm>>) target(%arg9 : memref<120xi32, #tpu.memory_space<vmem>>) target_semaphore(%run_scoped3A_86 : memref<!tpu.dma_semaphore, #tpu.memory_space<semaphore_mem>>)
          %dma_wait3A_93 = arith.constant 0 : i32
          %dma_wait3A_94 = tpu.memref_slice %arg3[%add3A, %sub3A_38, %dma_wait3A_93] : memref<32x84x120xi32, #tpu.memory_space<hbm>> -> memref<1x1x120xi32, #tpu.memory_space<hbm>>
          %dma_wait3A_95 = tpu.memref_squeeze %dma_wait3A_94 : memref<1x1x120xi32, #tpu.memory_space<hbm>> -> memref<120xi32, #tpu.memory_space<hbm>>
          %dma_wait3A_96 = arith.constant 0 : i32
          %dma_wait3A_97 = tpu.memref_slice %arg3[%add3A, %sub3A_38, %dma_wait3A_96] : memref<32x84x120xi32, #tpu.memory_space<hbm>> -> memref<1x1x120xi32, #tpu.memory_space<hbm>>
          %dma_wait3A_98 = tpu.memref_squeeze %dma_wait3A_97 : memref<1x1x120xi32, #tpu.memory_space<hbm>> -> memref<120xi32, #tpu.memory_space<hbm>>
          tpu.wait_dma2 semaphore(%run_scoped3A_86 : memref<!tpu.dma_semaphore, #tpu.memory_space<semaphore_mem>>) src(%dma_wait3A_98 : memref<120xi32, #tpu.memory_space<hbm>>) dst(%arg9 : memref<120xi32, #tpu.memory_space<vmem>>)
          tpu.yield
        }) : () -> ()
        "tpu.region"() ({
          %run_scoped3A_86 = tpu.sem_alloc : memref<!tpu.dma_semaphore, #tpu.memory_space<semaphore_mem>>
          %dma_start3A_87 = arith.constant 0 : i32
          %dma_start3A_88 = tpu.memref_slice %arg4[%add3A, %sub3A_38, %dma_start3A_87] : memref<32x84x120xi32, #tpu.memory_space<hbm>> -> memref<1x1x120xi32, #tpu.memory_space<hbm>>
          %dma_start3A_89 = tpu.memref_squeeze %dma_start3A_88 : memref<1x1x120xi32, #tpu.memory_space<hbm>> -> memref<120xi32, #tpu.memory_space<hbm>>
          %dma_start3A_90 = arith.constant 0 : i32
          %dma_start3A_91 = tpu.memref_slice %arg4[%add3A, %sub3A_38, %dma_start3A_90] : memref<32x84x120xi32, #tpu.memory_space<hbm>> -> memref<1x1x120xi32, #tpu.memory_space<hbm>>
          %dma_start3A_92 = tpu.memref_squeeze %dma_start3A_91 : memref<1x1x120xi32, #tpu.memory_space<hbm>> -> memref<120xi32, #tpu.memory_space<hbm>>
          tpu.enqueue_dma source(%dma_start3A_92 : memref<120xi32, #tpu.memory_space<hbm>>) target(%arg12 : memref<120xi32, #tpu.memory_space<vmem>>) target_semaphore(%run_scoped3A_86 : memref<!tpu.dma_semaphore, #tpu.memory_space<semaphore_mem>>)
          %dma_wait3A_93 = arith.constant 0 : i32
          %dma_wait3A_94 = tpu.memref_slice %arg4[%add3A, %sub3A_38, %dma_wait3A_93] : memref<32x84x120xi32, #tpu.memory_space<hbm>> -> memref<1x1x120xi32, #tpu.memory_space<hbm>>
          %dma_wait3A_95 = tpu.memref_squeeze %dma_wait3A_94 : memref<1x1x120xi32, #tpu.memory_space<hbm>> -> memref<120xi32, #tpu.memory_space<hbm>>
          %dma_wait3A_96 = arith.constant 0 : i32
          %dma_wait3A_97 = tpu.memref_slice %arg4[%add3A, %sub3A_38, %dma_wait3A_96] : memref<32x84x120xi32, #tpu.memory_space<hbm>> -> memref<1x1x120xi32, #tpu.memory_space<hbm>>
          %dma_wait3A_98 = tpu.memref_squeeze %dma_wait3A_97 : memref<1x1x120xi32, #tpu.memory_space<hbm>> -> memref<120xi32, #tpu.memory_space<hbm>>
          tpu.wait_dma2 semaphore(%run_scoped3A_86 : memref<!tpu.dma_semaphore, #tpu.memory_space<semaphore_mem>>) src(%dma_wait3A_98 : memref<120xi32, #tpu.memory_space<hbm>>) dst(%arg12 : memref<120xi32, #tpu.memory_space<vmem>>)
          tpu.yield
        }) : () -> ()
        %dma_start3A_83 = arith.constant 0 : i32
        %dma_start3A_84 = arith.constant 0 : i32
        %dma_start3A_85 = tpu.memref_slice %arg2[%dma_start3A_83, %dma_start3A_84] : memref<10240x128xf32, #tpu.memory_space<hbm>> -> memref<10240x128xf32, #tpu.memory_space<hbm>>
        tpu.enqueue_indirect_dma source(%dma_start3A_85 : memref<10240x128xf32, #tpu.memory_space<hbm>>) target(%arg15 : memref<120x128xf32, #tpu.memory_space<vmem>>) offsets(%arg9 : memref<120xi32, #tpu.memory_space<vmem>>) semaphore(%arg18 : memref<!tpu.dma_semaphore, #tpu.memory_space<semaphore_mem>>)
      } else {
      }
      %mul3A_41 = arith.constant 3 : i32
      %mul3A_42 = arith.muli %scan3A_25, %mul3A_41 : i32
      %add3A_43 = arith.constant 1 : i32
      %add3A_44 = arith.addi %mul3A_42, %add3A_43 : i32
      %dma_wait3A_45 = arith.constant 0 : i32
      %dma_wait3A_46 = arith.constant 0 : i32
      %dma_wait3A_47 = tpu.memref_slice %arg2[%dma_wait3A_45, %dma_wait3A_46] : memref<10240x128xf32, #tpu.memory_space<hbm>> -> memref<10240x128xf32, #tpu.memory_space<hbm>>
      tpu.wait_indirect_dma semaphore(%arg17 : memref<!tpu.dma_semaphore, #tpu.memory_space<semaphore_mem>>) src(%dma_wait3A_47 : memref<10240x128xf32, #tpu.memory_space<hbm>>) dst(%arg14 : memref<120x128xf32, #tpu.memory_space<vmem>>)
      %dma_start3A_48 = arith.constant 0 : i32
      %dma_start3A_49 = arith.constant 0 : i32
      %dma_start3A_50 = tpu.memref_slice %arg22[%dma_start3A_48, %dma_start3A_49] : memref<10240x128xf32, #tpu.memory_space<vmem_shared>> -> memref<10240x128xf32, #tpu.memory_space<vmem_shared>>
      tpu.enqueue_indirect_dma source(%arg14 : memref<120x128xf32, #tpu.memory_space<vmem>>) target(%dma_start3A_50 : memref<10240x128xf32, #tpu.memory_space<vmem_shared>>) offsets(%arg11 : memref<120xi32, #tpu.memory_space<vmem>>) semaphore(%arg20 : memref<!tpu.dma_semaphore, #tpu.memory_space<semaphore_mem>>) {add = true}
      %add3A_51 = arith.constant 3 : i32
      %add3A_52 = arith.addi %add3A_44, %add3A_51 : i32
      %sub3A_53 = arith.constant 1 : i32
      %sub3A_54 = arith.subi %add3A_52, %sub3A_53 : i32
      %lt3A_55 = arith.constant 84 : i32
      %lt3A_56 = arith.cmpi slt, %sub3A_54, %lt3A_55 : i32
      %convert_element_type3A_57 = arith.extui %lt3A_56 : i1 to i32
      %cond3A_58 = arith.constant 0 : i32
      %cond3A_59 = arith.cmpi ne, %convert_element_type3A_57, %cond3A_58 : i32
      scf.if %cond3A_59 {
        %ge3A = arith.constant 1 : i32
        %ge3A_79 = arith.cmpi sge, %add3A_44, %ge3A : i32
        %convert_element_type3A_80 = arith.extui %ge3A_79 : i1 to i32
        %cond3A_81 = arith.constant 0 : i32
        %cond3A_82 = arith.cmpi ne, %convert_element_type3A_80, %cond3A_81 : i32
        scf.if %cond3A_82 {
          %dma_wait3A_86 = arith.constant 0 : i32
          %dma_wait3A_87 = arith.constant 0 : i32
          %dma_wait3A_88 = tpu.memref_slice %arg22[%dma_wait3A_86, %dma_wait3A_87] : memref<10240x128xf32, #tpu.memory_space<vmem_shared>> -> memref<10240x128xf32, #tpu.memory_space<vmem_shared>>
          tpu.wait_indirect_dma semaphore(%arg19 : memref<!tpu.dma_semaphore, #tpu.memory_space<semaphore_mem>>) src(%arg13 : memref<120x128xf32, #tpu.memory_space<vmem>>) dst(%dma_wait3A_88 : memref<10240x128xf32, #tpu.memory_space<vmem_shared>>)
        } else {
        }
        "tpu.region"() ({
          %run_scoped3A_86 = tpu.sem_alloc : memref<!tpu.dma_semaphore, #tpu.memory_space<semaphore_mem>>
          %dma_start3A_87 = arith.constant 0 : i32
          %dma_start3A_88 = tpu.memref_slice %arg3[%add3A, %sub3A_54, %dma_start3A_87] : memref<32x84x120xi32, #tpu.memory_space<hbm>> -> memref<1x1x120xi32, #tpu.memory_space<hbm>>
          %dma_start3A_89 = tpu.memref_squeeze %dma_start3A_88 : memref<1x1x120xi32, #tpu.memory_space<hbm>> -> memref<120xi32, #tpu.memory_space<hbm>>
          %dma_start3A_90 = arith.constant 0 : i32
          %dma_start3A_91 = tpu.memref_slice %arg3[%add3A, %sub3A_54, %dma_start3A_90] : memref<32x84x120xi32, #tpu.memory_space<hbm>> -> memref<1x1x120xi32, #tpu.memory_space<hbm>>
          %dma_start3A_92 = tpu.memref_squeeze %dma_start3A_91 : memref<1x1x120xi32, #tpu.memory_space<hbm>> -> memref<120xi32, #tpu.memory_space<hbm>>
          tpu.enqueue_dma source(%dma_start3A_92 : memref<120xi32, #tpu.memory_space<hbm>>) target(%arg7 : memref<120xi32, #tpu.memory_space<vmem>>) target_semaphore(%run_scoped3A_86 : memref<!tpu.dma_semaphore, #tpu.memory_space<semaphore_mem>>)
          %dma_wait3A_93 = arith.constant 0 : i32
          %dma_wait3A_94 = tpu.memref_slice %arg3[%add3A, %sub3A_54, %dma_wait3A_93] : memref<32x84x120xi32, #tpu.memory_space<hbm>> -> memref<1x1x120xi32, #tpu.memory_space<hbm>>
          %dma_wait3A_95 = tpu.memref_squeeze %dma_wait3A_94 : memref<1x1x120xi32, #tpu.memory_space<hbm>> -> memref<120xi32, #tpu.memory_space<hbm>>
          %dma_wait3A_96 = arith.constant 0 : i32
          %dma_wait3A_97 = tpu.memref_slice %arg3[%add3A, %sub3A_54, %dma_wait3A_96] : memref<32x84x120xi32, #tpu.memory_space<hbm>> -> memref<1x1x120xi32, #tpu.memory_space<hbm>>
          %dma_wait3A_98 = tpu.memref_squeeze %dma_wait3A_97 : memref<1x1x120xi32, #tpu.memory_space<hbm>> -> memref<120xi32, #tpu.memory_space<hbm>>
          tpu.wait_dma2 semaphore(%run_scoped3A_86 : memref<!tpu.dma_semaphore, #tpu.memory_space<semaphore_mem>>) src(%dma_wait3A_98 : memref<120xi32, #tpu.memory_space<hbm>>) dst(%arg7 : memref<120xi32, #tpu.memory_space<vmem>>)
          tpu.yield
        }) : () -> ()
        "tpu.region"() ({
          %run_scoped3A_86 = tpu.sem_alloc : memref<!tpu.dma_semaphore, #tpu.memory_space<semaphore_mem>>
          %dma_start3A_87 = arith.constant 0 : i32
          %dma_start3A_88 = tpu.memref_slice %arg4[%add3A, %sub3A_54, %dma_start3A_87] : memref<32x84x120xi32, #tpu.memory_space<hbm>> -> memref<1x1x120xi32, #tpu.memory_space<hbm>>
          %dma_start3A_89 = tpu.memref_squeeze %dma_start3A_88 : memref<1x1x120xi32, #tpu.memory_space<hbm>> -> memref<120xi32, #tpu.memory_space<hbm>>
          %dma_start3A_90 = arith.constant 0 : i32
          %dma_start3A_91 = tpu.memref_slice %arg4[%add3A, %sub3A_54, %dma_start3A_90] : memref<32x84x120xi32, #tpu.memory_space<hbm>> -> memref<1x1x120xi32, #tpu.memory_space<hbm>>
          %dma_start3A_92 = tpu.memref_squeeze %dma_start3A_91 : memref<1x1x120xi32, #tpu.memory_space<hbm>> -> memref<120xi32, #tpu.memory_space<hbm>>
          tpu.enqueue_dma source(%dma_start3A_92 : memref<120xi32, #tpu.memory_space<hbm>>) target(%arg10 : memref<120xi32, #tpu.memory_space<vmem>>) target_semaphore(%run_scoped3A_86 : memref<!tpu.dma_semaphore, #tpu.memory_space<semaphore_mem>>)
          %dma_wait3A_93 = arith.constant 0 : i32
          %dma_wait3A_94 = tpu.memref_slice %arg4[%add3A, %sub3A_54, %dma_wait3A_93] : memref<32x84x120xi32, #tpu.memory_space<hbm>> -> memref<1x1x120xi32, #tpu.memory_space<hbm>>
          %dma_wait3A_95 = tpu.memref_squeeze %dma_wait3A_94 : memref<1x1x120xi32, #tpu.memory_space<hbm>> -> memref<120xi32, #tpu.memory_space<hbm>>
          %dma_wait3A_96 = arith.constant 0 : i32
          %dma_wait3A_97 = tpu.memref_slice %arg4[%add3A, %sub3A_54, %dma_wait3A_96] : memref<32x84x120xi32, #tpu.memory_space<hbm>> -> memref<1x1x120xi32, #tpu.memory_space<hbm>>
          %dma_wait3A_98 = tpu.memref_squeeze %dma_wait3A_97 : memref<1x1x120xi32, #tpu.memory_space<hbm>> -> memref<120xi32, #tpu.memory_space<hbm>>
          tpu.wait_dma2 semaphore(%run_scoped3A_86 : memref<!tpu.dma_semaphore, #tpu.memory_space<semaphore_mem>>) src(%dma_wait3A_98 : memref<120xi32, #tpu.memory_space<hbm>>) dst(%arg10 : memref<120xi32, #tpu.memory_space<vmem>>)
          tpu.yield
        }) : () -> ()
        %dma_start3A_83 = arith.constant 0 : i32
        %dma_start3A_84 = arith.constant 0 : i32
        %dma_start3A_85 = tpu.memref_slice %arg2[%dma_start3A_83, %dma_start3A_84] : memref<10240x128xf32, #tpu.memory_space<hbm>> -> memref<10240x128xf32, #tpu.memory_space<hbm>>
        tpu.enqueue_indirect_dma source(%dma_start3A_85 : memref<10240x128xf32, #tpu.memory_space<hbm>>) target(%arg13 : memref<120x128xf32, #tpu.memory_space<vmem>>) offsets(%arg7 : memref<120xi32, #tpu.memory_space<vmem>>) semaphore(%arg16 : memref<!tpu.dma_semaphore, #tpu.memory_space<semaphore_mem>>)
      } else {
      }
      %mul3A_60 = arith.constant 3 : i32
      %mul3A_61 = arith.muli %scan3A_25, %mul3A_60 : i32
      %add3A_62 = arith.constant 2 : i32
      %add3A_63 = arith.addi %mul3A_61, %add3A_62 : i32
      %dma_wait3A_64 = arith.constant 0 : i32
      %dma_wait3A_65 = arith.constant 0 : i32
      %dma_wait3A_66 = tpu.memref_slice %arg2[%dma_wait3A_64, %dma_wait3A_65] : memref<10240x128xf32, #tpu.memory_space<hbm>> -> memref<10240x128xf32, #tpu.memory_space<hbm>>
      tpu.wait_indirect_dma semaphore(%arg18 : memref<!tpu.dma_semaphore, #tpu.memory_space<semaphore_mem>>) src(%dma_wait3A_66 : memref<10240x128xf32, #tpu.memory_space<hbm>>) dst(%arg15 : memref<120x128xf32, #tpu.memory_space<vmem>>)
      %dma_start3A_67 = arith.constant 0 : i32
      %dma_start3A_68 = arith.constant 0 : i32
      %dma_start3A_69 = tpu.memref_slice %arg22[%dma_start3A_67, %dma_start3A_68] : memref<10240x128xf32, #tpu.memory_space<vmem_shared>> -> memref<10240x128xf32, #tpu.memory_space<vmem_shared>>
      tpu.enqueue_indirect_dma source(%arg15 : memref<120x128xf32, #tpu.memory_space<vmem>>) target(%dma_start3A_69 : memref<10240x128xf32, #tpu.memory_space<vmem_shared>>) offsets(%arg12 : memref<120xi32, #tpu.memory_space<vmem>>) semaphore(%arg21 : memref<!tpu.dma_semaphore, #tpu.memory_space<semaphore_mem>>) {add = true}
      %add3A_70 = arith.constant 3 : i32
      %add3A_71 = arith.addi %add3A_63, %add3A_70 : i32
      %sub3A_72 = arith.constant 1 : i32
      %sub3A_73 = arith.subi %add3A_71, %sub3A_72 : i32
      %lt3A_74 = arith.constant 84 : i32
      %lt3A_75 = arith.cmpi slt, %sub3A_73, %lt3A_74 : i32
      %convert_element_type3A_76 = arith.extui %lt3A_75 : i1 to i32
      %cond3A_77 = arith.constant 0 : i32
      %cond3A_78 = arith.cmpi ne, %convert_element_type3A_76, %cond3A_77 : i32
      scf.if %cond3A_78 {
        %ge3A = arith.constant 1 : i32
        %ge3A_79 = arith.cmpi sge, %add3A_63, %ge3A : i32
        %convert_element_type3A_80 = arith.extui %ge3A_79 : i1 to i32
        %cond3A_81 = arith.constant 0 : i32
        %cond3A_82 = arith.cmpi ne, %convert_element_type3A_80, %cond3A_81 : i32
        scf.if %cond3A_82 {
          %dma_wait3A_86 = arith.constant 0 : i32
          %dma_wait3A_87 = arith.constant 0 : i32
          %dma_wait3A_88 = tpu.memref_slice %arg22[%dma_wait3A_86, %dma_wait3A_87] : memref<10240x128xf32, #tpu.memory_space<vmem_shared>> -> memref<10240x128xf32, #tpu.memory_space<vmem_shared>>
          tpu.wait_indirect_dma semaphore(%arg20 : memref<!tpu.dma_semaphore, #tpu.memory_space<semaphore_mem>>) src(%arg14 : memref<120x128xf32, #tpu.memory_space<vmem>>) dst(%dma_wait3A_88 : memref<10240x128xf32, #tpu.memory_space<vmem_shared>>)
        } else {
        }
        "tpu.region"() ({
          %run_scoped3A_86 = tpu.sem_alloc : memref<!tpu.dma_semaphore, #tpu.memory_space<semaphore_mem>>
          %dma_start3A_87 = arith.constant 0 : i32
          %dma_start3A_88 = tpu.memref_slice %arg3[%add3A, %sub3A_73, %dma_start3A_87] : memref<32x84x120xi32, #tpu.memory_space<hbm>> -> memref<1x1x120xi32, #tpu.memory_space<hbm>>
          %dma_start3A_89 = tpu.memref_squeeze %dma_start3A_88 : memref<1x1x120xi32, #tpu.memory_space<hbm>> -> memref<120xi32, #tpu.memory_space<hbm>>
          %dma_start3A_90 = arith.constant 0 : i32
          %dma_start3A_91 = tpu.memref_slice %arg3[%add3A, %sub3A_73, %dma_start3A_90] : memref<32x84x120xi32, #tpu.memory_space<hbm>> -> memref<1x1x120xi32, #tpu.memory_space<hbm>>
          %dma_start3A_92 = tpu.memref_squeeze %dma_start3A_91 : memref<1x1x120xi32, #tpu.memory_space<hbm>> -> memref<120xi32, #tpu.memory_space<hbm>>
          tpu.enqueue_dma source(%dma_start3A_92 : memref<120xi32, #tpu.memory_space<hbm>>) target(%arg8 : memref<120xi32, #tpu.memory_space<vmem>>) target_semaphore(%run_scoped3A_86 : memref<!tpu.dma_semaphore, #tpu.memory_space<semaphore_mem>>)
          %dma_wait3A_93 = arith.constant 0 : i32
          %dma_wait3A_94 = tpu.memref_slice %arg3[%add3A, %sub3A_73, %dma_wait3A_93] : memref<32x84x120xi32, #tpu.memory_space<hbm>> -> memref<1x1x120xi32, #tpu.memory_space<hbm>>
          %dma_wait3A_95 = tpu.memref_squeeze %dma_wait3A_94 : memref<1x1x120xi32, #tpu.memory_space<hbm>> -> memref<120xi32, #tpu.memory_space<hbm>>
          %dma_wait3A_96 = arith.constant 0 : i32
          %dma_wait3A_97 = tpu.memref_slice %arg3[%add3A, %sub3A_73, %dma_wait3A_96] : memref<32x84x120xi32, #tpu.memory_space<hbm>> -> memref<1x1x120xi32, #tpu.memory_space<hbm>>
          %dma_wait3A_98 = tpu.memref_squeeze %dma_wait3A_97 : memref<1x1x120xi32, #tpu.memory_space<hbm>> -> memref<120xi32, #tpu.memory_space<hbm>>
          tpu.wait_dma2 semaphore(%run_scoped3A_86 : memref<!tpu.dma_semaphore, #tpu.memory_space<semaphore_mem>>) src(%dma_wait3A_98 : memref<120xi32, #tpu.memory_space<hbm>>) dst(%arg8 : memref<120xi32, #tpu.memory_space<vmem>>)
          tpu.yield
        }) : () -> ()
        "tpu.region"() ({
          %run_scoped3A_86 = tpu.sem_alloc : memref<!tpu.dma_semaphore, #tpu.memory_space<semaphore_mem>>
          %dma_start3A_87 = arith.constant 0 : i32
          %dma_start3A_88 = tpu.memref_slice %arg4[%add3A, %sub3A_73, %dma_start3A_87] : memref<32x84x120xi32, #tpu.memory_space<hbm>> -> memref<1x1x120xi32, #tpu.memory_space<hbm>>
          %dma_start3A_89 = tpu.memref_squeeze %dma_start3A_88 : memref<1x1x120xi32, #tpu.memory_space<hbm>> -> memref<120xi32, #tpu.memory_space<hbm>>
          %dma_start3A_90 = arith.constant 0 : i32
          %dma_start3A_91 = tpu.memref_slice %arg4[%add3A, %sub3A_73, %dma_start3A_90] : memref<32x84x120xi32, #tpu.memory_space<hbm>> -> memref<1x1x120xi32, #tpu.memory_space<hbm>>
          %dma_start3A_92 = tpu.memref_squeeze %dma_start3A_91 : memref<1x1x120xi32, #tpu.memory_space<hbm>> -> memref<120xi32, #tpu.memory_space<hbm>>
          tpu.enqueue_dma source(%dma_start3A_92 : memref<120xi32, #tpu.memory_space<hbm>>) target(%arg11 : memref<120xi32, #tpu.memory_space<vmem>>) target_semaphore(%run_scoped3A_86 : memref<!tpu.dma_semaphore, #tpu.memory_space<semaphore_mem>>)
          %dma_wait3A_93 = arith.constant 0 : i32
          %dma_wait3A_94 = tpu.memref_slice %arg4[%add3A, %sub3A_73, %dma_wait3A_93] : memref<32x84x120xi32, #tpu.memory_space<hbm>> -> memref<1x1x120xi32, #tpu.memory_space<hbm>>
          %dma_wait3A_95 = tpu.memref_squeeze %dma_wait3A_94 : memref<1x1x120xi32, #tpu.memory_space<hbm>> -> memref<120xi32, #tpu.memory_space<hbm>>
          %dma_wait3A_96 = arith.constant 0 : i32
          %dma_wait3A_97 = tpu.memref_slice %arg4[%add3A, %sub3A_73, %dma_wait3A_96] : memref<32x84x120xi32, #tpu.memory_space<hbm>> -> memref<1x1x120xi32, #tpu.memory_space<hbm>>
          %dma_wait3A_98 = tpu.memref_squeeze %dma_wait3A_97 : memref<1x1x120xi32, #tpu.memory_space<hbm>> -> memref<120xi32, #tpu.memory_space<hbm>>
          tpu.wait_dma2 semaphore(%run_scoped3A_86 : memref<!tpu.dma_semaphore, #tpu.memory_space<semaphore_mem>>) src(%dma_wait3A_98 : memref<120xi32, #tpu.memory_space<hbm>>) dst(%arg11 : memref<120xi32, #tpu.memory_space<vmem>>)
          tpu.yield
        }) : () -> ()
        %dma_start3A_83 = arith.constant 0 : i32
        %dma_start3A_84 = arith.constant 0 : i32
        %dma_start3A_85 = tpu.memref_slice %arg2[%dma_start3A_83, %dma_start3A_84] : memref<10240x128xf32, #tpu.memory_space<hbm>> -> memref<10240x128xf32, #tpu.memory_space<hbm>>
        tpu.enqueue_indirect_dma source(%dma_start3A_85 : memref<10240x128xf32, #tpu.memory_space<hbm>>) target(%arg14 : memref<120x128xf32, #tpu.memory_space<vmem>>) offsets(%arg8 : memref<120xi32, #tpu.memory_space<vmem>>) semaphore(%arg17 : memref<!tpu.dma_semaphore, #tpu.memory_space<semaphore_mem>>)
      } else {
      }
    }
    %scan3A_15 = arith.constant 28 : i32
    %dma_wait3A = arith.constant 0 : i32
    %dma_wait3A_16 = arith.constant 0 : i32
    %dma_wait3A_17 = tpu.memref_slice %arg22[%dma_wait3A, %dma_wait3A_16] : memref<10240x128xf32, #tpu.memory_space<vmem_shared>> -> memref<10240x128xf32, #tpu.memory_space<vmem_shared>>
    tpu.wait_indirect_dma semaphore(%arg19 : memref<!tpu.dma_semaphore, #tpu.memory_space<semaphore_mem>>) src(%arg13 : memref<120x128xf32, #tpu.memory_space<vmem>>) dst(%dma_wait3A_17 : memref<10240x128xf32, #tpu.memory_space<vmem_shared>>)
    %dma_wait3A_18 = arith.constant 0 : i32
    %dma_wait3A_19 = arith.constant 0 : i32
    %dma_wait3A_20 = tpu.memref_slice %arg22[%dma_wait3A_18, %dma_wait3A_19] : memref<10240x128xf32, #tpu.memory_space<vmem_shared>> -> memref<10240x128xf32, #tpu.memory_space<vmem_shared>>
    tpu.wait_indirect_dma semaphore(%arg20 : memref<!tpu.dma_semaphore, #tpu.memory_space<semaphore_mem>>) src(%arg14 : memref<120x128xf32, #tpu.memory_space<vmem>>) dst(%dma_wait3A_20 : memref<10240x128xf32, #tpu.memory_space<vmem_shared>>)
    %dma_wait3A_21 = arith.constant 0 : i32
    %dma_wait3A_22 = arith.constant 0 : i32
    %dma_wait3A_23 = tpu.memref_slice %arg22[%dma_wait3A_21, %dma_wait3A_22] : memref<10240x128xf32, #tpu.memory_space<vmem_shared>> -> memref<10240x128xf32, #tpu.memory_space<vmem_shared>>
    tpu.wait_indirect_dma semaphore(%arg21 : memref<!tpu.dma_semaphore, #tpu.memory_space<semaphore_mem>>) src(%arg15 : memref<120x128xf32, #tpu.memory_space<vmem>>) dst(%dma_wait3A_23 : memref<10240x128xf32, #tpu.memory_space<vmem_shared>>)
    %barrier3A_24 = arith.constant 0 : index
    tpu.barrier barrier_id(%barrier3A_24)
    "tpu.region"() ({
      %run_scoped3A_25 = tpu.sem_alloc : memref<!tpu.dma_semaphore, #tpu.memory_space<semaphore_mem>>
      %dma_start3A_26 = arith.constant 0 : i32
      %dma_start3A_27 = tpu.memref_slice %arg6[%arg0, %mul3A_2, %dma_start3A_26] : memref<2x10240x128xf32, #tpu.memory_space<hbm>> -> memref<1x640x128xf32, #tpu.memory_space<hbm>>
      %dma_start3A_28 = tpu.memref_squeeze %dma_start3A_27 : memref<1x640x128xf32, #tpu.memory_space<hbm>> -> memref<640x128xf32, #tpu.memory_space<hbm>>
      %dma_start3A_29 = arith.constant 0 : i32
      %dma_start3A_30 = tpu.memref_slice %arg22[%mul3A_2, %dma_start3A_29] : memref<10240x128xf32, #tpu.memory_space<vmem_shared>> -> memref<640x128xf32, #tpu.memory_space<vmem_shared>>
      tpu.enqueue_dma source(%dma_start3A_30 : memref<640x128xf32, #tpu.memory_space<vmem_shared>>) target(%dma_start3A_28 : memref<640x128xf32, #tpu.memory_space<hbm>>) target_semaphore(%run_scoped3A_25 : memref<!tpu.dma_semaphore, #tpu.memory_space<semaphore_mem>>)
      %dma_wait3A_31 = arith.constant 0 : i32
      %dma_wait3A_32 = tpu.memref_slice %arg6[%arg0, %mul3A_2, %dma_wait3A_31] : memref<2x10240x128xf32, #tpu.memory_space<hbm>> -> memref<1x640x128xf32, #tpu.memory_space<hbm>>
      %dma_wait3A_33 = tpu.memref_squeeze %dma_wait3A_32 : memref<1x640x128xf32, #tpu.memory_space<hbm>> -> memref<640x128xf32, #tpu.memory_space<hbm>>
      %dma_wait3A_34 = arith.constant 0 : i32
      %dma_wait3A_35 = tpu.memref_slice %arg22[%mul3A_2, %dma_wait3A_34] : memref<10240x128xf32, #tpu.memory_space<vmem_shared>> -> memref<640x128xf32, #tpu.memory_space<vmem_shared>>
      tpu.wait_dma2 semaphore(%run_scoped3A_25 : memref<!tpu.dma_semaphore, #tpu.memory_space<semaphore_mem>>) src(%dma_wait3A_35 : memref<640x128xf32, #tpu.memory_space<vmem_shared>>) dst(%dma_wait3A_33 : memref<640x128xf32, #tpu.memory_space<hbm>>)
      tpu.yield
    }) : () -> ()
    return
  }
}

#map = affine_map<(d0, d1) -> (0, 0)>
#map1 = affine_map<(d0, d1) -> (0, 0, 0)>
module attributes {stable_mosaic.version = 14 : i64} {
  func.func @deg(%arg0: i32, %arg1: i32, %arg2: memref<120x128xf32, #tpu.memory_space<hbm>>, %arg3: memref<32x84x120xi32, #tpu.memory_space<hbm>>, %arg4: memref<10240x128xf32, #tpu.memory_space<hbm>>, %arg5: memref<2x10240x128xf32, #tpu.memory_space<hbm>>, %arg6: memref<84x120xi32, #tpu.memory_space<vmem>>, %arg7: memref<120x128xf32, #tpu.memory_space<vmem>>, %arg8: memref<!tpu.dma_semaphore, #tpu.memory_space<semaphore_mem>>, %arg9: memref<10240x128xf32, #tpu.memory_space<vmem_shared>>) attributes {dimension_semantics = [#tpu.dimension_semantics<core_parallel>, #tpu.dimension_semantics<subcore_parallel>], iteration_bounds = array<i64: 2, 16>, scalar_prefetch = 0 : i64, scratch_operands = 4 : i64, tpu.core_type = #tpu.core_type<sc_vector_subcore>, window_params = [{transform_indices = #map}, {transform_indices = #map1}, {transform_indices = #map}, {transform_indices = #map1}]} {
    %mul3A = arith.constant 16 : i32
    %mul3A_0 = arith.muli %arg0, %mul3A : i32
    %add3A = arith.addi %mul3A_0, %arg1 : i32
    %mul3A_1 = arith.constant 640 : i32
    %mul3A_2 = arith.muli %arg1, %mul3A_1 : i32
    "tpu.region"() ({
      %run_scoped3A = tpu.sem_alloc : memref<!tpu.dma_semaphore, #tpu.memory_space<semaphore_mem>>
      %dma_start3A = arith.constant 0 : i32
      %dma_start3A_9 = arith.constant 0 : i32
      %dma_start3A_10 = tpu.memref_slice %arg3[%add3A, %dma_start3A, %dma_start3A_9] : memref<32x84x120xi32, #tpu.memory_space<hbm>> -> memref<1x84x120xi32, #tpu.memory_space<hbm>>
      %dma_start3A_11 = tpu.memref_squeeze %dma_start3A_10 : memref<1x84x120xi32, #tpu.memory_space<hbm>> -> memref<84x120xi32, #tpu.memory_space<hbm>>
      %dma_start3A_12 = arith.constant 0 : i32
      %dma_start3A_13 = arith.constant 0 : i32
      %dma_start3A_14 = tpu.memref_slice %arg3[%add3A, %dma_start3A_12, %dma_start3A_13] : memref<32x84x120xi32, #tpu.memory_space<hbm>> -> memref<1x84x120xi32, #tpu.memory_space<hbm>>
      %dma_start3A_15 = tpu.memref_squeeze %dma_start3A_14 : memref<1x84x120xi32, #tpu.memory_space<hbm>> -> memref<84x120xi32, #tpu.memory_space<hbm>>
      tpu.enqueue_dma source(%dma_start3A_15 : memref<84x120xi32, #tpu.memory_space<hbm>>) target(%arg6 : memref<84x120xi32, #tpu.memory_space<vmem>>) target_semaphore(%run_scoped3A : memref<!tpu.dma_semaphore, #tpu.memory_space<semaphore_mem>>)
      %dma_wait3A = arith.constant 0 : i32
      %dma_wait3A_16 = arith.constant 0 : i32
      %dma_wait3A_17 = tpu.memref_slice %arg3[%add3A, %dma_wait3A, %dma_wait3A_16] : memref<32x84x120xi32, #tpu.memory_space<hbm>> -> memref<1x84x120xi32, #tpu.memory_space<hbm>>
      %dma_wait3A_18 = tpu.memref_squeeze %dma_wait3A_17 : memref<1x84x120xi32, #tpu.memory_space<hbm>> -> memref<84x120xi32, #tpu.memory_space<hbm>>
      %dma_wait3A_19 = arith.constant 0 : i32
      %dma_wait3A_20 = arith.constant 0 : i32
      %dma_wait3A_21 = tpu.memref_slice %arg3[%add3A, %dma_wait3A_19, %dma_wait3A_20] : memref<32x84x120xi32, #tpu.memory_space<hbm>> -> memref<1x84x120xi32, #tpu.memory_space<hbm>>
      %dma_wait3A_22 = tpu.memref_squeeze %dma_wait3A_21 : memref<1x84x120xi32, #tpu.memory_space<hbm>> -> memref<84x120xi32, #tpu.memory_space<hbm>>
      tpu.wait_dma2 semaphore(%run_scoped3A : memref<!tpu.dma_semaphore, #tpu.memory_space<semaphore_mem>>) src(%dma_wait3A_22 : memref<84x120xi32, #tpu.memory_space<hbm>>) dst(%arg6 : memref<84x120xi32, #tpu.memory_space<vmem>>)
      tpu.yield
    }) : () -> ()
    "tpu.region"() ({
      %run_scoped3A = tpu.sem_alloc : memref<!tpu.dma_semaphore, #tpu.memory_space<semaphore_mem>>
      tpu.enqueue_dma source(%arg2 : memref<120x128xf32, #tpu.memory_space<hbm>>) target(%arg7 : memref<120x128xf32, #tpu.memory_space<vmem>>) target_semaphore(%run_scoped3A : memref<!tpu.dma_semaphore, #tpu.memory_space<semaphore_mem>>)
      tpu.wait_dma2 semaphore(%run_scoped3A : memref<!tpu.dma_semaphore, #tpu.memory_space<semaphore_mem>>) src(%arg2 : memref<120x128xf32, #tpu.memory_space<hbm>>) dst(%arg7 : memref<120x128xf32, #tpu.memory_space<vmem>>)
      tpu.yield
    }) : () -> ()
    "tpu.region"() ({
      %run_scoped3A = tpu.sem_alloc : memref<!tpu.dma_semaphore, #tpu.memory_space<semaphore_mem>>
      %dma_start3A = arith.constant 0 : i32
      %dma_start3A_9 = tpu.memref_slice %arg9[%mul3A_2, %dma_start3A] : memref<10240x128xf32, #tpu.memory_space<vmem_shared>> -> memref<640x128xf32, #tpu.memory_space<vmem_shared>>
      %dma_start3A_10 = arith.constant 0 : i32
      %dma_start3A_11 = tpu.memref_slice %arg4[%mul3A_2, %dma_start3A_10] : memref<10240x128xf32, #tpu.memory_space<hbm>> -> memref<640x128xf32, #tpu.memory_space<hbm>>
      tpu.enqueue_dma source(%dma_start3A_11 : memref<640x128xf32, #tpu.memory_space<hbm>>) target(%dma_start3A_9 : memref<640x128xf32, #tpu.memory_space<vmem_shared>>) target_semaphore(%run_scoped3A : memref<!tpu.dma_semaphore, #tpu.memory_space<semaphore_mem>>)
      %dma_wait3A = arith.constant 0 : i32
      %dma_wait3A_12 = tpu.memref_slice %arg9[%mul3A_2, %dma_wait3A] : memref<10240x128xf32, #tpu.memory_space<vmem_shared>> -> memref<640x128xf32, #tpu.memory_space<vmem_shared>>
      %dma_wait3A_13 = arith.constant 0 : i32
      %dma_wait3A_14 = tpu.memref_slice %arg4[%mul3A_2, %dma_wait3A_13] : memref<10240x128xf32, #tpu.memory_space<hbm>> -> memref<640x128xf32, #tpu.memory_space<hbm>>
      tpu.wait_dma2 semaphore(%run_scoped3A : memref<!tpu.dma_semaphore, #tpu.memory_space<semaphore_mem>>) src(%dma_wait3A_14 : memref<640x128xf32, #tpu.memory_space<hbm>>) dst(%dma_wait3A_12 : memref<640x128xf32, #tpu.memory_space<vmem_shared>>)
      tpu.yield
    }) : () -> ()
    %barrier3A = arith.constant 0 : index
    tpu.barrier barrier_id(%barrier3A)
    %scan3A = arith.constant 0 : i32
    %scan3A_3 = arith.constant 0 : i32
    %scan3A_4 = arith.constant 14 : i32
    %scan3A_5 = arith.addi %scan3A_3, %scan3A_4 : i32
    %scan3A_6 = arith.constant 1 : i32
    scf.for %scan3A_9 = %scan3A_3 to %scan3A_5 step %scan3A_6  : i32 {
      %mul3A_10 = arith.constant 6 : i32
      %mul3A_11 = arith.muli %scan3A_9, %mul3A_10 : i32
      %add3A_12 = arith.constant 0 : i32
      %add3A_13 = arith.addi %mul3A_11, %add3A_12 : i32
      %dma_start3A = arith.constant 0 : i32
      %dma_start3A_14 = tpu.memref_slice %arg6[%add3A_13, %dma_start3A] : memref<84x120xi32, #tpu.memory_space<vmem>> -> memref<1x120xi32, #tpu.memory_space<vmem>>
      %dma_start3A_15 = tpu.memref_squeeze %dma_start3A_14 : memref<1x120xi32, #tpu.memory_space<vmem>> -> memref<120xi32, #tpu.memory_space<vmem>>
      %dma_start3A_16 = arith.constant 0 : i32
      %dma_start3A_17 = arith.constant 0 : i32
      %dma_start3A_18 = tpu.memref_slice %arg9[%dma_start3A_16, %dma_start3A_17] : memref<10240x128xf32, #tpu.memory_space<vmem_shared>> -> memref<10240x128xf32, #tpu.memory_space<vmem_shared>>
      tpu.enqueue_indirect_dma source(%arg7 : memref<120x128xf32, #tpu.memory_space<vmem>>) target(%dma_start3A_18 : memref<10240x128xf32, #tpu.memory_space<vmem_shared>>) offsets(%dma_start3A_15 : memref<120xi32, #tpu.memory_space<vmem>>) semaphore(%arg8 : memref<!tpu.dma_semaphore, #tpu.memory_space<semaphore_mem>>) {add = true}
      %mul3A_19 = arith.constant 6 : i32
      %mul3A_20 = arith.muli %scan3A_9, %mul3A_19 : i32
      %add3A_21 = arith.constant 1 : i32
      %add3A_22 = arith.addi %mul3A_20, %add3A_21 : i32
      %dma_start3A_23 = arith.constant 0 : i32
      %dma_start3A_24 = tpu.memref_slice %arg6[%add3A_22, %dma_start3A_23] : memref<84x120xi32, #tpu.memory_space<vmem>> -> memref<1x120xi32, #tpu.memory_space<vmem>>
      %dma_start3A_25 = tpu.memref_squeeze %dma_start3A_24 : memref<1x120xi32, #tpu.memory_space<vmem>> -> memref<120xi32, #tpu.memory_space<vmem>>
      %dma_start3A_26 = arith.constant 0 : i32
      %dma_start3A_27 = arith.constant 0 : i32
      %dma_start3A_28 = tpu.memref_slice %arg9[%dma_start3A_26, %dma_start3A_27] : memref<10240x128xf32, #tpu.memory_space<vmem_shared>> -> memref<10240x128xf32, #tpu.memory_space<vmem_shared>>
      tpu.enqueue_indirect_dma source(%arg7 : memref<120x128xf32, #tpu.memory_space<vmem>>) target(%dma_start3A_28 : memref<10240x128xf32, #tpu.memory_space<vmem_shared>>) offsets(%dma_start3A_25 : memref<120xi32, #tpu.memory_space<vmem>>) semaphore(%arg8 : memref<!tpu.dma_semaphore, #tpu.memory_space<semaphore_mem>>) {add = true}
      %mul3A_29 = arith.constant 6 : i32
      %mul3A_30 = arith.muli %scan3A_9, %mul3A_29 : i32
      %add3A_31 = arith.constant 2 : i32
      %add3A_32 = arith.addi %mul3A_30, %add3A_31 : i32
      %dma_start3A_33 = arith.constant 0 : i32
      %dma_start3A_34 = tpu.memref_slice %arg6[%add3A_32, %dma_start3A_33] : memref<84x120xi32, #tpu.memory_space<vmem>> -> memref<1x120xi32, #tpu.memory_space<vmem>>
      %dma_start3A_35 = tpu.memref_squeeze %dma_start3A_34 : memref<1x120xi32, #tpu.memory_space<vmem>> -> memref<120xi32, #tpu.memory_space<vmem>>
      %dma_start3A_36 = arith.constant 0 : i32
      %dma_start3A_37 = arith.constant 0 : i32
      %dma_start3A_38 = tpu.memref_slice %arg9[%dma_start3A_36, %dma_start3A_37] : memref<10240x128xf32, #tpu.memory_space<vmem_shared>> -> memref<10240x128xf32, #tpu.memory_space<vmem_shared>>
      tpu.enqueue_indirect_dma source(%arg7 : memref<120x128xf32, #tpu.memory_space<vmem>>) target(%dma_start3A_38 : memref<10240x128xf32, #tpu.memory_space<vmem_shared>>) offsets(%dma_start3A_35 : memref<120xi32, #tpu.memory_space<vmem>>) semaphore(%arg8 : memref<!tpu.dma_semaphore, #tpu.memory_space<semaphore_mem>>) {add = true}
      %mul3A_39 = arith.constant 6 : i32
      %mul3A_40 = arith.muli %scan3A_9, %mul3A_39 : i32
      %add3A_41 = arith.constant 3 : i32
      %add3A_42 = arith.addi %mul3A_40, %add3A_41 : i32
      %dma_start3A_43 = arith.constant 0 : i32
      %dma_start3A_44 = tpu.memref_slice %arg6[%add3A_42, %dma_start3A_43] : memref<84x120xi32, #tpu.memory_space<vmem>> -> memref<1x120xi32, #tpu.memory_space<vmem>>
      %dma_start3A_45 = tpu.memref_squeeze %dma_start3A_44 : memref<1x120xi32, #tpu.memory_space<vmem>> -> memref<120xi32, #tpu.memory_space<vmem>>
      %dma_start3A_46 = arith.constant 0 : i32
      %dma_start3A_47 = arith.constant 0 : i32
      %dma_start3A_48 = tpu.memref_slice %arg9[%dma_start3A_46, %dma_start3A_47] : memref<10240x128xf32, #tpu.memory_space<vmem_shared>> -> memref<10240x128xf32, #tpu.memory_space<vmem_shared>>
      tpu.enqueue_indirect_dma source(%arg7 : memref<120x128xf32, #tpu.memory_space<vmem>>) target(%dma_start3A_48 : memref<10240x128xf32, #tpu.memory_space<vmem_shared>>) offsets(%dma_start3A_45 : memref<120xi32, #tpu.memory_space<vmem>>) semaphore(%arg8 : memref<!tpu.dma_semaphore, #tpu.memory_space<semaphore_mem>>) {add = true}
      %mul3A_49 = arith.constant 6 : i32
      %mul3A_50 = arith.muli %scan3A_9, %mul3A_49 : i32
      %add3A_51 = arith.constant 4 : i32
      %add3A_52 = arith.addi %mul3A_50, %add3A_51 : i32
      %dma_start3A_53 = arith.constant 0 : i32
      %dma_start3A_54 = tpu.memref_slice %arg6[%add3A_52, %dma_start3A_53] : memref<84x120xi32, #tpu.memory_space<vmem>> -> memref<1x120xi32, #tpu.memory_space<vmem>>
      %dma_start3A_55 = tpu.memref_squeeze %dma_start3A_54 : memref<1x120xi32, #tpu.memory_space<vmem>> -> memref<120xi32, #tpu.memory_space<vmem>>
      %dma_start3A_56 = arith.constant 0 : i32
      %dma_start3A_57 = arith.constant 0 : i32
      %dma_start3A_58 = tpu.memref_slice %arg9[%dma_start3A_56, %dma_start3A_57] : memref<10240x128xf32, #tpu.memory_space<vmem_shared>> -> memref<10240x128xf32, #tpu.memory_space<vmem_shared>>
      tpu.enqueue_indirect_dma source(%arg7 : memref<120x128xf32, #tpu.memory_space<vmem>>) target(%dma_start3A_58 : memref<10240x128xf32, #tpu.memory_space<vmem_shared>>) offsets(%dma_start3A_55 : memref<120xi32, #tpu.memory_space<vmem>>) semaphore(%arg8 : memref<!tpu.dma_semaphore, #tpu.memory_space<semaphore_mem>>) {add = true}
      %mul3A_59 = arith.constant 6 : i32
      %mul3A_60 = arith.muli %scan3A_9, %mul3A_59 : i32
      %add3A_61 = arith.constant 5 : i32
      %add3A_62 = arith.addi %mul3A_60, %add3A_61 : i32
      %dma_start3A_63 = arith.constant 0 : i32
      %dma_start3A_64 = tpu.memref_slice %arg6[%add3A_62, %dma_start3A_63] : memref<84x120xi32, #tpu.memory_space<vmem>> -> memref<1x120xi32, #tpu.memory_space<vmem>>
      %dma_start3A_65 = tpu.memref_squeeze %dma_start3A_64 : memref<1x120xi32, #tpu.memory_space<vmem>> -> memref<120xi32, #tpu.memory_space<vmem>>
      %dma_start3A_66 = arith.constant 0 : i32
      %dma_start3A_67 = arith.constant 0 : i32
      %dma_start3A_68 = tpu.memref_slice %arg9[%dma_start3A_66, %dma_start3A_67] : memref<10240x128xf32, #tpu.memory_space<vmem_shared>> -> memref<10240x128xf32, #tpu.memory_space<vmem_shared>>
      tpu.enqueue_indirect_dma source(%arg7 : memref<120x128xf32, #tpu.memory_space<vmem>>) target(%dma_start3A_68 : memref<10240x128xf32, #tpu.memory_space<vmem_shared>>) offsets(%dma_start3A_65 : memref<120xi32, #tpu.memory_space<vmem>>) semaphore(%arg8 : memref<!tpu.dma_semaphore, #tpu.memory_space<semaphore_mem>>) {add = true}
      %mul3A_69 = arith.constant 6 : i32
      %mul3A_70 = arith.muli %scan3A_9, %mul3A_69 : i32
      %add3A_71 = arith.constant 0 : i32
      %add3A_72 = arith.addi %mul3A_70, %add3A_71 : i32
      %dma_wait3A = arith.constant 0 : i32
      %dma_wait3A_73 = tpu.memref_slice %arg6[%add3A_72, %dma_wait3A] : memref<84x120xi32, #tpu.memory_space<vmem>> -> memref<1x120xi32, #tpu.memory_space<vmem>>
      %dma_wait3A_74 = tpu.memref_squeeze %dma_wait3A_73 : memref<1x120xi32, #tpu.memory_space<vmem>> -> memref<120xi32, #tpu.memory_space<vmem>>
      %dma_wait3A_75 = arith.constant 0 : i32
      %dma_wait3A_76 = arith.constant 0 : i32
      %dma_wait3A_77 = tpu.memref_slice %arg9[%dma_wait3A_75, %dma_wait3A_76] : memref<10240x128xf32, #tpu.memory_space<vmem_shared>> -> memref<10240x128xf32, #tpu.memory_space<vmem_shared>>
      tpu.wait_indirect_dma semaphore(%arg8 : memref<!tpu.dma_semaphore, #tpu.memory_space<semaphore_mem>>) src(%arg7 : memref<120x128xf32, #tpu.memory_space<vmem>>) dst(%dma_wait3A_77 : memref<10240x128xf32, #tpu.memory_space<vmem_shared>>)
      %mul3A_78 = arith.constant 6 : i32
      %mul3A_79 = arith.muli %scan3A_9, %mul3A_78 : i32
      %add3A_80 = arith.constant 1 : i32
      %add3A_81 = arith.addi %mul3A_79, %add3A_80 : i32
      %dma_wait3A_82 = arith.constant 0 : i32
      %dma_wait3A_83 = tpu.memref_slice %arg6[%add3A_81, %dma_wait3A_82] : memref<84x120xi32, #tpu.memory_space<vmem>> -> memref<1x120xi32, #tpu.memory_space<vmem>>
      %dma_wait3A_84 = tpu.memref_squeeze %dma_wait3A_83 : memref<1x120xi32, #tpu.memory_space<vmem>> -> memref<120xi32, #tpu.memory_space<vmem>>
      %dma_wait3A_85 = arith.constant 0 : i32
      %dma_wait3A_86 = arith.constant 0 : i32
      %dma_wait3A_87 = tpu.memref_slice %arg9[%dma_wait3A_85, %dma_wait3A_86] : memref<10240x128xf32, #tpu.memory_space<vmem_shared>> -> memref<10240x128xf32, #tpu.memory_space<vmem_shared>>
      tpu.wait_indirect_dma semaphore(%arg8 : memref<!tpu.dma_semaphore, #tpu.memory_space<semaphore_mem>>) src(%arg7 : memref<120x128xf32, #tpu.memory_space<vmem>>) dst(%dma_wait3A_87 : memref<10240x128xf32, #tpu.memory_space<vmem_shared>>)
      %mul3A_88 = arith.constant 6 : i32
      %mul3A_89 = arith.muli %scan3A_9, %mul3A_88 : i32
      %add3A_90 = arith.constant 2 : i32
      %add3A_91 = arith.addi %mul3A_89, %add3A_90 : i32
      %dma_wait3A_92 = arith.constant 0 : i32
      %dma_wait3A_93 = tpu.memref_slice %arg6[%add3A_91, %dma_wait3A_92] : memref<84x120xi32, #tpu.memory_space<vmem>> -> memref<1x120xi32, #tpu.memory_space<vmem>>
      %dma_wait3A_94 = tpu.memref_squeeze %dma_wait3A_93 : memref<1x120xi32, #tpu.memory_space<vmem>> -> memref<120xi32, #tpu.memory_space<vmem>>
      %dma_wait3A_95 = arith.constant 0 : i32
      %dma_wait3A_96 = arith.constant 0 : i32
      %dma_wait3A_97 = tpu.memref_slice %arg9[%dma_wait3A_95, %dma_wait3A_96] : memref<10240x128xf32, #tpu.memory_space<vmem_shared>> -> memref<10240x128xf32, #tpu.memory_space<vmem_shared>>
      tpu.wait_indirect_dma semaphore(%arg8 : memref<!tpu.dma_semaphore, #tpu.memory_space<semaphore_mem>>) src(%arg7 : memref<120x128xf32, #tpu.memory_space<vmem>>) dst(%dma_wait3A_97 : memref<10240x128xf32, #tpu.memory_space<vmem_shared>>)
      %mul3A_98 = arith.constant 6 : i32
      %mul3A_99 = arith.muli %scan3A_9, %mul3A_98 : i32
      %add3A_100 = arith.constant 3 : i32
      %add3A_101 = arith.addi %mul3A_99, %add3A_100 : i32
      %dma_wait3A_102 = arith.constant 0 : i32
      %dma_wait3A_103 = tpu.memref_slice %arg6[%add3A_101, %dma_wait3A_102] : memref<84x120xi32, #tpu.memory_space<vmem>> -> memref<1x120xi32, #tpu.memory_space<vmem>>
      %dma_wait3A_104 = tpu.memref_squeeze %dma_wait3A_103 : memref<1x120xi32, #tpu.memory_space<vmem>> -> memref<120xi32, #tpu.memory_space<vmem>>
      %dma_wait3A_105 = arith.constant 0 : i32
      %dma_wait3A_106 = arith.constant 0 : i32
      %dma_wait3A_107 = tpu.memref_slice %arg9[%dma_wait3A_105, %dma_wait3A_106] : memref<10240x128xf32, #tpu.memory_space<vmem_shared>> -> memref<10240x128xf32, #tpu.memory_space<vmem_shared>>
      tpu.wait_indirect_dma semaphore(%arg8 : memref<!tpu.dma_semaphore, #tpu.memory_space<semaphore_mem>>) src(%arg7 : memref<120x128xf32, #tpu.memory_space<vmem>>) dst(%dma_wait3A_107 : memref<10240x128xf32, #tpu.memory_space<vmem_shared>>)
      %mul3A_108 = arith.constant 6 : i32
      %mul3A_109 = arith.muli %scan3A_9, %mul3A_108 : i32
      %add3A_110 = arith.constant 4 : i32
      %add3A_111 = arith.addi %mul3A_109, %add3A_110 : i32
      %dma_wait3A_112 = arith.constant 0 : i32
      %dma_wait3A_113 = tpu.memref_slice %arg6[%add3A_111, %dma_wait3A_112] : memref<84x120xi32, #tpu.memory_space<vmem>> -> memref<1x120xi32, #tpu.memory_space<vmem>>
      %dma_wait3A_114 = tpu.memref_squeeze %dma_wait3A_113 : memref<1x120xi32, #tpu.memory_space<vmem>> -> memref<120xi32, #tpu.memory_space<vmem>>
      %dma_wait3A_115 = arith.constant 0 : i32
      %dma_wait3A_116 = arith.constant 0 : i32
      %dma_wait3A_117 = tpu.memref_slice %arg9[%dma_wait3A_115, %dma_wait3A_116] : memref<10240x128xf32, #tpu.memory_space<vmem_shared>> -> memref<10240x128xf32, #tpu.memory_space<vmem_shared>>
      tpu.wait_indirect_dma semaphore(%arg8 : memref<!tpu.dma_semaphore, #tpu.memory_space<semaphore_mem>>) src(%arg7 : memref<120x128xf32, #tpu.memory_space<vmem>>) dst(%dma_wait3A_117 : memref<10240x128xf32, #tpu.memory_space<vmem_shared>>)
      %mul3A_118 = arith.constant 6 : i32
      %mul3A_119 = arith.muli %scan3A_9, %mul3A_118 : i32
      %add3A_120 = arith.constant 5 : i32
      %add3A_121 = arith.addi %mul3A_119, %add3A_120 : i32
      %dma_wait3A_122 = arith.constant 0 : i32
      %dma_wait3A_123 = tpu.memref_slice %arg6[%add3A_121, %dma_wait3A_122] : memref<84x120xi32, #tpu.memory_space<vmem>> -> memref<1x120xi32, #tpu.memory_space<vmem>>
      %dma_wait3A_124 = tpu.memref_squeeze %dma_wait3A_123 : memref<1x120xi32, #tpu.memory_space<vmem>> -> memref<120xi32, #tpu.memory_space<vmem>>
      %dma_wait3A_125 = arith.constant 0 : i32
      %dma_wait3A_126 = arith.constant 0 : i32
      %dma_wait3A_127 = tpu.memref_slice %arg9[%dma_wait3A_125, %dma_wait3A_126] : memref<10240x128xf32, #tpu.memory_space<vmem_shared>> -> memref<10240x128xf32, #tpu.memory_space<vmem_shared>>
      tpu.wait_indirect_dma semaphore(%arg8 : memref<!tpu.dma_semaphore, #tpu.memory_space<semaphore_mem>>) src(%arg7 : memref<120x128xf32, #tpu.memory_space<vmem>>) dst(%dma_wait3A_127 : memref<10240x128xf32, #tpu.memory_space<vmem_shared>>)
    }
    %scan3A_7 = arith.constant 14 : i32
    %barrier3A_8 = arith.constant 0 : index
    tpu.barrier barrier_id(%barrier3A_8)
    "tpu.region"() ({
      %run_scoped3A = tpu.sem_alloc : memref<!tpu.dma_semaphore, #tpu.memory_space<semaphore_mem>>
      %dma_start3A = arith.constant 0 : i32
      %dma_start3A_9 = tpu.memref_slice %arg5[%arg0, %mul3A_2, %dma_start3A] : memref<2x10240x128xf32, #tpu.memory_space<hbm>> -> memref<1x640x128xf32, #tpu.memory_space<hbm>>
      %dma_start3A_10 = tpu.memref_squeeze %dma_start3A_9 : memref<1x640x128xf32, #tpu.memory_space<hbm>> -> memref<640x128xf32, #tpu.memory_space<hbm>>
      %dma_start3A_11 = arith.constant 0 : i32
      %dma_start3A_12 = tpu.memref_slice %arg9[%mul3A_2, %dma_start3A_11] : memref<10240x128xf32, #tpu.memory_space<vmem_shared>> -> memref<640x128xf32, #tpu.memory_space<vmem_shared>>
      tpu.enqueue_dma source(%dma_start3A_12 : memref<640x128xf32, #tpu.memory_space<vmem_shared>>) target(%dma_start3A_10 : memref<640x128xf32, #tpu.memory_space<hbm>>) target_semaphore(%run_scoped3A : memref<!tpu.dma_semaphore, #tpu.memory_space<semaphore_mem>>)
      %dma_wait3A = arith.constant 0 : i32
      %dma_wait3A_13 = tpu.memref_slice %arg5[%arg0, %mul3A_2, %dma_wait3A] : memref<2x10240x128xf32, #tpu.memory_space<hbm>> -> memref<1x640x128xf32, #tpu.memory_space<hbm>>
      %dma_wait3A_14 = tpu.memref_squeeze %dma_wait3A_13 : memref<1x640x128xf32, #tpu.memory_space<hbm>> -> memref<640x128xf32, #tpu.memory_space<hbm>>
      %dma_wait3A_15 = arith.constant 0 : i32
      %dma_wait3A_16 = tpu.memref_slice %arg9[%mul3A_2, %dma_wait3A_15] : memref<10240x128xf32, #tpu.memory_space<vmem_shared>> -> memref<640x128xf32, #tpu.memory_space<vmem_shared>>
      tpu.wait_dma2 semaphore(%run_scoped3A : memref<!tpu.dma_semaphore, #tpu.memory_space<semaphore_mem>>) src(%dma_wait3A_16 : memref<640x128xf32, #tpu.memory_space<vmem_shared>>) dst(%dma_wait3A_14 : memref<640x128xf32, #tpu.memory_space<hbm>>)
      tpu.yield
    }) : () -> ()
    return
  }
}

#map = affine_map<(d0, d1) -> (0, 0)>
#map1 = affine_map<(d0, d1) -> (0, 0, 0)>
module attributes {stable_mosaic.version = 14 : i64} {
  func.func @agg(%arg0: i32, %arg1: i32, %arg2: memref<10240x128xf32, #tpu.memory_space<hbm>>, %arg3: memref<32x84x120xi32, #tpu.memory_space<hbm>>, %arg4: memref<32x84x120xi32, #tpu.memory_space<hbm>>, %arg5: memref<10240x128xf32, #tpu.memory_space<hbm>>, %arg6: memref<2x10240x128xf32, #tpu.memory_space<hbm>>, %arg7: memref<120xi32, #tpu.memory_space<vmem>>, %arg8: memref<120xi32, #tpu.memory_space<vmem>>, %arg9: memref<120xi32, #tpu.memory_space<vmem>>, %arg10: memref<120xi32, #tpu.memory_space<vmem>>, %arg11: memref<120xi32, #tpu.memory_space<vmem>>, %arg12: memref<120xi32, #tpu.memory_space<vmem>>, %arg13: memref<120x128xf32, #tpu.memory_space<vmem>>, %arg14: memref<120x128xf32, #tpu.memory_space<vmem>>, %arg15: memref<120x128xf32, #tpu.memory_space<vmem>>, %arg16: memref<!tpu.dma_semaphore, #tpu.memory_space<semaphore_mem>>, %arg17: memref<!tpu.dma_semaphore, #tpu.memory_space<semaphore_mem>>, %arg18: memref<!tpu.dma_semaphore, #tpu.memory_space<semaphore_mem>>, %arg19: memref<!tpu.dma_semaphore, #tpu.memory_space<semaphore_mem>>, %arg20: memref<!tpu.dma_semaphore, #tpu.memory_space<semaphore_mem>>, %arg21: memref<!tpu.dma_semaphore, #tpu.memory_space<semaphore_mem>>, %arg22: memref<10240x128xf32, #tpu.memory_space<vmem_shared>>) attributes {dimension_semantics = [#tpu.dimension_semantics<core_parallel>, #tpu.dimension_semantics<subcore_parallel>], iteration_bounds = array<i64: 2, 16>, scalar_prefetch = 0 : i64, scratch_operands = 16 : i64, tpu.core_type = #tpu.core_type<sc_vector_subcore>, window_params = [{transform_indices = #map}, {transform_indices = #map1}, {transform_indices = #map1}, {transform_indices = #map}, {transform_indices = #map1}]} {
    %mul3A = arith.constant 16 : i32
    %mul3A_0 = arith.muli %arg0, %mul3A : i32
    %add3A = arith.addi %mul3A_0, %arg1 : i32
    %mul3A_1 = arith.constant 640 : i32
    %mul3A_2 = arith.muli %arg1, %mul3A_1 : i32
    "tpu.region"() ({
      %run_scoped3A_25 = tpu.sem_alloc : memref<!tpu.dma_semaphore, #tpu.memory_space<semaphore_mem>>
      %dma_start3A_26 = arith.constant 0 : i32
      %dma_start3A_27 = tpu.memref_slice %arg22[%mul3A_2, %dma_start3A_26] : memref<10240x128xf32, #tpu.memory_space<vmem_shared>> -> memref<640x128xf32, #tpu.memory_space<vmem_shared>>
      %dma_start3A_28 = arith.constant 0 : i32
      %dma_start3A_29 = tpu.memref_slice %arg5[%mul3A_2, %dma_start3A_28] : memref<10240x128xf32, #tpu.memory_space<hbm>> -> memref<640x128xf32, #tpu.memory_space<hbm>>
      tpu.enqueue_dma source(%dma_start3A_29 : memref<640x128xf32, #tpu.memory_space<hbm>>) target(%dma_start3A_27 : memref<640x128xf32, #tpu.memory_space<vmem_shared>>) target_semaphore(%run_scoped3A_25 : memref<!tpu.dma_semaphore, #tpu.memory_space<semaphore_mem>>)
      %dma_wait3A_30 = arith.constant 0 : i32
      %dma_wait3A_31 = tpu.memref_slice %arg22[%mul3A_2, %dma_wait3A_30] : memref<10240x128xf32, #tpu.memory_space<vmem_shared>> -> memref<640x128xf32, #tpu.memory_space<vmem_shared>>
      %dma_wait3A_32 = arith.constant 0 : i32
      %dma_wait3A_33 = tpu.memref_slice %arg5[%mul3A_2, %dma_wait3A_32] : memref<10240x128xf32, #tpu.memory_space<hbm>> -> memref<640x128xf32, #tpu.memory_space<hbm>>
      tpu.wait_dma2 semaphore(%run_scoped3A_25 : memref<!tpu.dma_semaphore, #tpu.memory_space<semaphore_mem>>) src(%dma_wait3A_33 : memref<640x128xf32, #tpu.memory_space<hbm>>) dst(%dma_wait3A_31 : memref<640x128xf32, #tpu.memory_space<vmem_shared>>)
      tpu.yield
    }) : () -> ()
    %barrier3A = arith.constant 0 : index
    tpu.barrier barrier_id(%barrier3A)
    %run_scoped3A = arith.constant 0 : i32
    "tpu.region"() ({
      %run_scoped3A_25 = tpu.sem_alloc : memref<!tpu.dma_semaphore, #tpu.memory_space<semaphore_mem>>
      %dma_start3A_26 = arith.constant 0 : i32
      %dma_start3A_27 = tpu.memref_slice %arg3[%add3A, %run_scoped3A, %dma_start3A_26] : memref<32x84x120xi32, #tpu.memory_space<hbm>> -> memref<1x1x120xi32, #tpu.memory_space<hbm>>
      %dma_start3A_28 = tpu.memref_squeeze %dma_start3A_27 : memref<1x1x120xi32, #tpu.memory_space<hbm>> -> memref<120xi32, #tpu.memory_space<hbm>>
      %dma_start3A_29 = arith.constant 0 : i32
      %dma_start3A_30 = tpu.memref_slice %arg3[%add3A, %run_scoped3A, %dma_start3A_29] : memref<32x84x120xi32, #tpu.memory_space<hbm>> -> memref<1x1x120xi32, #tpu.memory_space<hbm>>
      %dma_start3A_31 = tpu.memref_squeeze %dma_start3A_30 : memref<1x1x120xi32, #tpu.memory_space<hbm>> -> memref<120xi32, #tpu.memory_space<hbm>>
      tpu.enqueue_dma source(%dma_start3A_31 : memref<120xi32, #tpu.memory_space<hbm>>) target(%arg7 : memref<120xi32, #tpu.memory_space<vmem>>) target_semaphore(%run_scoped3A_25 : memref<!tpu.dma_semaphore, #tpu.memory_space<semaphore_mem>>)
      %dma_wait3A_32 = arith.constant 0 : i32
      %dma_wait3A_33 = tpu.memref_slice %arg3[%add3A, %run_scoped3A, %dma_wait3A_32] : memref<32x84x120xi32, #tpu.memory_space<hbm>> -> memref<1x1x120xi32, #tpu.memory_space<hbm>>
      %dma_wait3A_34 = tpu.memref_squeeze %dma_wait3A_33 : memref<1x1x120xi32, #tpu.memory_space<hbm>> -> memref<120xi32, #tpu.memory_space<hbm>>
      %dma_wait3A_35 = arith.constant 0 : i32
      %dma_wait3A_36 = tpu.memref_slice %arg3[%add3A, %run_scoped3A, %dma_wait3A_35] : memref<32x84x120xi32, #tpu.memory_space<hbm>> -> memref<1x1x120xi32, #tpu.memory_space<hbm>>
      %dma_wait3A_37 = tpu.memref_squeeze %dma_wait3A_36 : memref<1x1x120xi32, #tpu.memory_space<hbm>> -> memref<120xi32, #tpu.memory_space<hbm>>
      tpu.wait_dma2 semaphore(%run_scoped3A_25 : memref<!tpu.dma_semaphore, #tpu.memory_space<semaphore_mem>>) src(%dma_wait3A_37 : memref<120xi32, #tpu.memory_space<hbm>>) dst(%arg7 : memref<120xi32, #tpu.memory_space<vmem>>)
      tpu.yield
    }) : () -> ()
    %run_scoped3A_3 = arith.constant 0 : i32
    "tpu.region"() ({
      %run_scoped3A_25 = tpu.sem_alloc : memref<!tpu.dma_semaphore, #tpu.memory_space<semaphore_mem>>
      %dma_start3A_26 = arith.constant 0 : i32
      %dma_start3A_27 = tpu.memref_slice %arg4[%add3A, %run_scoped3A_3, %dma_start3A_26] : memref<32x84x120xi32, #tpu.memory_space<hbm>> -> memref<1x1x120xi32, #tpu.memory_space<hbm>>
      %dma_start3A_28 = tpu.memref_squeeze %dma_start3A_27 : memref<1x1x120xi32, #tpu.memory_space<hbm>> -> memref<120xi32, #tpu.memory_space<hbm>>
      %dma_start3A_29 = arith.constant 0 : i32
      %dma_start3A_30 = tpu.memref_slice %arg4[%add3A, %run_scoped3A_3, %dma_start3A_29] : memref<32x84x120xi32, #tpu.memory_space<hbm>> -> memref<1x1x120xi32, #tpu.memory_space<hbm>>
      %dma_start3A_31 = tpu.memref_squeeze %dma_start3A_30 : memref<1x1x120xi32, #tpu.memory_space<hbm>> -> memref<120xi32, #tpu.memory_space<hbm>>
      tpu.enqueue_dma source(%dma_start3A_31 : memref<120xi32, #tpu.memory_space<hbm>>) target(%arg10 : memref<120xi32, #tpu.memory_space<vmem>>) target_semaphore(%run_scoped3A_25 : memref<!tpu.dma_semaphore, #tpu.memory_space<semaphore_mem>>)
      %dma_wait3A_32 = arith.constant 0 : i32
      %dma_wait3A_33 = tpu.memref_slice %arg4[%add3A, %run_scoped3A_3, %dma_wait3A_32] : memref<32x84x120xi32, #tpu.memory_space<hbm>> -> memref<1x1x120xi32, #tpu.memory_space<hbm>>
      %dma_wait3A_34 = tpu.memref_squeeze %dma_wait3A_33 : memref<1x1x120xi32, #tpu.memory_space<hbm>> -> memref<120xi32, #tpu.memory_space<hbm>>
      %dma_wait3A_35 = arith.constant 0 : i32
      %dma_wait3A_36 = tpu.memref_slice %arg4[%add3A, %run_scoped3A_3, %dma_wait3A_35] : memref<32x84x120xi32, #tpu.memory_space<hbm>> -> memref<1x1x120xi32, #tpu.memory_space<hbm>>
      %dma_wait3A_37 = tpu.memref_squeeze %dma_wait3A_36 : memref<1x1x120xi32, #tpu.memory_space<hbm>> -> memref<120xi32, #tpu.memory_space<hbm>>
      tpu.wait_dma2 semaphore(%run_scoped3A_25 : memref<!tpu.dma_semaphore, #tpu.memory_space<semaphore_mem>>) src(%dma_wait3A_37 : memref<120xi32, #tpu.memory_space<hbm>>) dst(%arg10 : memref<120xi32, #tpu.memory_space<vmem>>)
      tpu.yield
    }) : () -> ()
    %dma_start3A = arith.constant 0 : i32
    %dma_start3A_4 = arith.constant 0 : i32
    %dma_start3A_5 = tpu.memref_slice %arg2[%dma_start3A, %dma_start3A_4] : memref<10240x128xf32, #tpu.memory_space<hbm>> -> memref<10240x128xf32, #tpu.memory_space<hbm>>
    tpu.enqueue_indirect_dma source(%dma_start3A_5 : memref<10240x128xf32, #tpu.memory_space<hbm>>) target(%arg13 : memref<120x128xf32, #tpu.memory_space<vmem>>) offsets(%arg7 : memref<120xi32, #tpu.memory_space<vmem>>) semaphore(%arg16 : memref<!tpu.dma_semaphore, #tpu.memory_space<semaphore_mem>>)
    %run_scoped3A_6 = arith.constant 1 : i32
    "tpu.region"() ({
      %run_scoped3A_25 = tpu.sem_alloc : memref<!tpu.dma_semaphore, #tpu.memory_space<semaphore_mem>>
      %dma_start3A_26 = arith.constant 0 : i32
      %dma_start3A_27 = tpu.memref_slice %arg3[%add3A, %run_scoped3A_6, %dma_start3A_26] : memref<32x84x120xi32, #tpu.memory_space<hbm>> -> memref<1x1x120xi32, #tpu.memory_space<hbm>>
      %dma_start3A_28 = tpu.memref_squeeze %dma_start3A_27 : memref<1x1x120xi32, #tpu.memory_space<hbm>> -> memref<120xi32, #tpu.memory_space<hbm>>
      %dma_start3A_29 = arith.constant 0 : i32
      %dma_start3A_30 = tpu.memref_slice %arg3[%add3A, %run_scoped3A_6, %dma_start3A_29] : memref<32x84x120xi32, #tpu.memory_space<hbm>> -> memref<1x1x120xi32, #tpu.memory_space<hbm>>
      %dma_start3A_31 = tpu.memref_squeeze %dma_start3A_30 : memref<1x1x120xi32, #tpu.memory_space<hbm>> -> memref<120xi32, #tpu.memory_space<hbm>>
      tpu.enqueue_dma source(%dma_start3A_31 : memref<120xi32, #tpu.memory_space<hbm>>) target(%arg8 : memref<120xi32, #tpu.memory_space<vmem>>) target_semaphore(%run_scoped3A_25 : memref<!tpu.dma_semaphore, #tpu.memory_space<semaphore_mem>>)
      %dma_wait3A_32 = arith.constant 0 : i32
      %dma_wait3A_33 = tpu.memref_slice %arg3[%add3A, %run_scoped3A_6, %dma_wait3A_32] : memref<32x84x120xi32, #tpu.memory_space<hbm>> -> memref<1x1x120xi32, #tpu.memory_space<hbm>>
      %dma_wait3A_34 = tpu.memref_squeeze %dma_wait3A_33 : memref<1x1x120xi32, #tpu.memory_space<hbm>> -> memref<120xi32, #tpu.memory_space<hbm>>
      %dma_wait3A_35 = arith.constant 0 : i32
      %dma_wait3A_36 = tpu.memref_slice %arg3[%add3A, %run_scoped3A_6, %dma_wait3A_35] : memref<32x84x120xi32, #tpu.memory_space<hbm>> -> memref<1x1x120xi32, #tpu.memory_space<hbm>>
      %dma_wait3A_37 = tpu.memref_squeeze %dma_wait3A_36 : memref<1x1x120xi32, #tpu.memory_space<hbm>> -> memref<120xi32, #tpu.memory_space<hbm>>
      tpu.wait_dma2 semaphore(%run_scoped3A_25 : memref<!tpu.dma_semaphore, #tpu.memory_space<semaphore_mem>>) src(%dma_wait3A_37 : memref<120xi32, #tpu.memory_space<hbm>>) dst(%arg8 : memref<120xi32, #tpu.memory_space<vmem>>)
      tpu.yield
    }) : () -> ()
    %run_scoped3A_7 = arith.constant 1 : i32
    "tpu.region"() ({
      %run_scoped3A_25 = tpu.sem_alloc : memref<!tpu.dma_semaphore, #tpu.memory_space<semaphore_mem>>
      %dma_start3A_26 = arith.constant 0 : i32
      %dma_start3A_27 = tpu.memref_slice %arg4[%add3A, %run_scoped3A_7, %dma_start3A_26] : memref<32x84x120xi32, #tpu.memory_space<hbm>> -> memref<1x1x120xi32, #tpu.memory_space<hbm>>
      %dma_start3A_28 = tpu.memref_squeeze %dma_start3A_27 : memref<1x1x120xi32, #tpu.memory_space<hbm>> -> memref<120xi32, #tpu.memory_space<hbm>>
      %dma_start3A_29 = arith.constant 0 : i32
      %dma_start3A_30 = tpu.memref_slice %arg4[%add3A, %run_scoped3A_7, %dma_start3A_29] : memref<32x84x120xi32, #tpu.memory_space<hbm>> -> memref<1x1x120xi32, #tpu.memory_space<hbm>>
      %dma_start3A_31 = tpu.memref_squeeze %dma_start3A_30 : memref<1x1x120xi32, #tpu.memory_space<hbm>> -> memref<120xi32, #tpu.memory_space<hbm>>
      tpu.enqueue_dma source(%dma_start3A_31 : memref<120xi32, #tpu.memory_space<hbm>>) target(%arg11 : memref<120xi32, #tpu.memory_space<vmem>>) target_semaphore(%run_scoped3A_25 : memref<!tpu.dma_semaphore, #tpu.memory_space<semaphore_mem>>)
      %dma_wait3A_32 = arith.constant 0 : i32
      %dma_wait3A_33 = tpu.memref_slice %arg4[%add3A, %run_scoped3A_7, %dma_wait3A_32] : memref<32x84x120xi32, #tpu.memory_space<hbm>> -> memref<1x1x120xi32, #tpu.memory_space<hbm>>
      %dma_wait3A_34 = tpu.memref_squeeze %dma_wait3A_33 : memref<1x1x120xi32, #tpu.memory_space<hbm>> -> memref<120xi32, #tpu.memory_space<hbm>>
      %dma_wait3A_35 = arith.constant 0 : i32
      %dma_wait3A_36 = tpu.memref_slice %arg4[%add3A, %run_scoped3A_7, %dma_wait3A_35] : memref<32x84x120xi32, #tpu.memory_space<hbm>> -> memref<1x1x120xi32, #tpu.memory_space<hbm>>
      %dma_wait3A_37 = tpu.memref_squeeze %dma_wait3A_36 : memref<1x1x120xi32, #tpu.memory_space<hbm>> -> memref<120xi32, #tpu.memory_space<hbm>>
      tpu.wait_dma2 semaphore(%run_scoped3A_25 : memref<!tpu.dma_semaphore, #tpu.memory_space<semaphore_mem>>) src(%dma_wait3A_37 : memref<120xi32, #tpu.memory_space<hbm>>) dst(%arg11 : memref<120xi32, #tpu.memory_space<vmem>>)
      tpu.yield
    }) : () -> ()
    %dma_start3A_8 = arith.constant 0 : i32
    %dma_start3A_9 = arith.constant 0 : i32
    %dma_start3A_10 = tpu.memref_slice %arg2[%dma_start3A_8, %dma_start3A_9] : memref<10240x128xf32, #tpu.memory_space<hbm>> -> memref<10240x128xf32, #tpu.memory_space<hbm>>
    tpu.enqueue_indirect_dma source(%dma_start3A_10 : memref<10240x128xf32, #tpu.memory_space<hbm>>) target(%arg14 : memref<120x128xf32, #tpu.memory_space<vmem>>) offsets(%arg8 : memref<120xi32, #tpu.memory_space<vmem>>) semaphore(%arg17 : memref<!tpu.dma_semaphore, #tpu.memory_space<semaphore_mem>>)
    %scan3A = arith.constant 0 : i32
    %scan3A_11 = arith.constant 0 : i32
    %scan3A_12 = arith.constant 28 : i32
    %scan3A_13 = arith.addi %scan3A_11, %scan3A_12 : i32
    %scan3A_14 = arith.constant 1 : i32
    scf.for %scan3A_25 = %scan3A_11 to %scan3A_13 step %scan3A_14  : i32 {
      %mul3A_26 = arith.constant 3 : i32
      %mul3A_27 = arith.muli %scan3A_25, %mul3A_26 : i32
      %add3A_28 = arith.constant 0 : i32
      %add3A_29 = arith.addi %mul3A_27, %add3A_28 : i32
      %dma_wait3A_30 = arith.constant 0 : i32
      %dma_wait3A_31 = arith.constant 0 : i32
      %dma_wait3A_32 = tpu.memref_slice %arg2[%dma_wait3A_30, %dma_wait3A_31] : memref<10240x128xf32, #tpu.memory_space<hbm>> -> memref<10240x128xf32, #tpu.memory_space<hbm>>
      tpu.wait_indirect_dma semaphore(%arg16 : memref<!tpu.dma_semaphore, #tpu.memory_space<semaphore_mem>>) src(%dma_wait3A_32 : memref<10240x128xf32, #tpu.memory_space<hbm>>) dst(%arg13 : memref<120x128xf32, #tpu.memory_space<vmem>>)
      %dma_start3A_33 = arith.constant 0 : i32
      %dma_start3A_34 = arith.constant 0 : i32
      %dma_start3A_35 = tpu.memref_slice %arg22[%dma_start3A_33, %dma_start3A_34] : memref<10240x128xf32, #tpu.memory_space<vmem_shared>> -> memref<10240x128xf32, #tpu.memory_space<vmem_shared>>
      tpu.enqueue_indirect_dma source(%arg13 : memref<120x128xf32, #tpu.memory_space<vmem>>) target(%dma_start3A_35 : memref<10240x128xf32, #tpu.memory_space<vmem_shared>>) offsets(%arg10 : memref<120xi32, #tpu.memory_space<vmem>>) semaphore(%arg19 : memref<!tpu.dma_semaphore, #tpu.memory_space<semaphore_mem>>) {add = true}
      %add3A_36 = arith.constant 3 : i32
      %add3A_37 = arith.addi %add3A_29, %add3A_36 : i32
      %sub3A = arith.constant 1 : i32
      %sub3A_38 = arith.subi %add3A_37, %sub3A : i32
      %lt3A = arith.constant 84 : i32
      %lt3A_39 = arith.cmpi slt, %sub3A_38, %lt3A : i32
      %convert_element_type3A = arith.extui %lt3A_39 : i1 to i32
      %cond3A = arith.constant 0 : i32
      %cond3A_40 = arith.cmpi ne, %convert_element_type3A, %cond3A : i32
      scf.if %cond3A_40 {
        %ge3A = arith.constant 1 : i32
        %ge3A_79 = arith.cmpi sge, %add3A_29, %ge3A : i32
        %convert_element_type3A_80 = arith.extui %ge3A_79 : i1 to i32
        %cond3A_81 = arith.constant 0 : i32
        %cond3A_82 = arith.cmpi ne, %convert_element_type3A_80, %cond3A_81 : i32
        scf.if %cond3A_82 {
          %dma_wait3A_86 = arith.constant 0 : i32
          %dma_wait3A_87 = arith.constant 0 : i32
          %dma_wait3A_88 = tpu.memref_slice %arg22[%dma_wait3A_86, %dma_wait3A_87] : memref<10240x128xf32, #tpu.memory_space<vmem_shared>> -> memref<10240x128xf32, #tpu.memory_space<vmem_shared>>
          tpu.wait_indirect_dma semaphore(%arg21 : memref<!tpu.dma_semaphore, #tpu.memory_space<semaphore_mem>>) src(%arg15 : memref<120x128xf32, #tpu.memory_space<vmem>>) dst(%dma_wait3A_88 : memref<10240x128xf32, #tpu.memory_space<vmem_shared>>)
        } else {
        }
        "tpu.region"() ({
          %run_scoped3A_86 = tpu.sem_alloc : memref<!tpu.dma_semaphore, #tpu.memory_space<semaphore_mem>>
          %dma_start3A_87 = arith.constant 0 : i32
          %dma_start3A_88 = tpu.memref_slice %arg3[%add3A, %sub3A_38, %dma_start3A_87] : memref<32x84x120xi32, #tpu.memory_space<hbm>> -> memref<1x1x120xi32, #tpu.memory_space<hbm>>
          %dma_start3A_89 = tpu.memref_squeeze %dma_start3A_88 : memref<1x1x120xi32, #tpu.memory_space<hbm>> -> memref<120xi32, #tpu.memory_space<hbm>>
          %dma_start3A_90 = arith.constant 0 : i32
          %dma_start3A_91 = tpu.memref_slice %arg3[%add3A, %sub3A_38, %dma_start3A_90] : memref<32x84x120xi32, #tpu.memory_space<hbm>> -> memref<1x1x120xi32, #tpu.memory_space<hbm>>
          %dma_start3A_92 = tpu.memref_squeeze %dma_start3A_91 : memref<1x1x120xi32, #tpu.memory_space<hbm>> -> memref<120xi32, #tpu.memory_space<hbm>>
          tpu.enqueue_dma source(%dma_start3A_92 : memref<120xi32, #tpu.memory_space<hbm>>) target(%arg9 : memref<120xi32, #tpu.memory_space<vmem>>) target_semaphore(%run_scoped3A_86 : memref<!tpu.dma_semaphore, #tpu.memory_space<semaphore_mem>>)
          %dma_wait3A_93 = arith.constant 0 : i32
          %dma_wait3A_94 = tpu.memref_slice %arg3[%add3A, %sub3A_38, %dma_wait3A_93] : memref<32x84x120xi32, #tpu.memory_space<hbm>> -> memref<1x1x120xi32, #tpu.memory_space<hbm>>
          %dma_wait3A_95 = tpu.memref_squeeze %dma_wait3A_94 : memref<1x1x120xi32, #tpu.memory_space<hbm>> -> memref<120xi32, #tpu.memory_space<hbm>>
          %dma_wait3A_96 = arith.constant 0 : i32
          %dma_wait3A_97 = tpu.memref_slice %arg3[%add3A, %sub3A_38, %dma_wait3A_96] : memref<32x84x120xi32, #tpu.memory_space<hbm>> -> memref<1x1x120xi32, #tpu.memory_space<hbm>>
          %dma_wait3A_98 = tpu.memref_squeeze %dma_wait3A_97 : memref<1x1x120xi32, #tpu.memory_space<hbm>> -> memref<120xi32, #tpu.memory_space<hbm>>
          tpu.wait_dma2 semaphore(%run_scoped3A_86 : memref<!tpu.dma_semaphore, #tpu.memory_space<semaphore_mem>>) src(%dma_wait3A_98 : memref<120xi32, #tpu.memory_space<hbm>>) dst(%arg9 : memref<120xi32, #tpu.memory_space<vmem>>)
          tpu.yield
        }) : () -> ()
        "tpu.region"() ({
          %run_scoped3A_86 = tpu.sem_alloc : memref<!tpu.dma_semaphore, #tpu.memory_space<semaphore_mem>>
          %dma_start3A_87 = arith.constant 0 : i32
          %dma_start3A_88 = tpu.memref_slice %arg4[%add3A, %sub3A_38, %dma_start3A_87] : memref<32x84x120xi32, #tpu.memory_space<hbm>> -> memref<1x1x120xi32, #tpu.memory_space<hbm>>
          %dma_start3A_89 = tpu.memref_squeeze %dma_start3A_88 : memref<1x1x120xi32, #tpu.memory_space<hbm>> -> memref<120xi32, #tpu.memory_space<hbm>>
          %dma_start3A_90 = arith.constant 0 : i32
          %dma_start3A_91 = tpu.memref_slice %arg4[%add3A, %sub3A_38, %dma_start3A_90] : memref<32x84x120xi32, #tpu.memory_space<hbm>> -> memref<1x1x120xi32, #tpu.memory_space<hbm>>
          %dma_start3A_92 = tpu.memref_squeeze %dma_start3A_91 : memref<1x1x120xi32, #tpu.memory_space<hbm>> -> memref<120xi32, #tpu.memory_space<hbm>>
          tpu.enqueue_dma source(%dma_start3A_92 : memref<120xi32, #tpu.memory_space<hbm>>) target(%arg12 : memref<120xi32, #tpu.memory_space<vmem>>) target_semaphore(%run_scoped3A_86 : memref<!tpu.dma_semaphore, #tpu.memory_space<semaphore_mem>>)
          %dma_wait3A_93 = arith.constant 0 : i32
          %dma_wait3A_94 = tpu.memref_slice %arg4[%add3A, %sub3A_38, %dma_wait3A_93] : memref<32x84x120xi32, #tpu.memory_space<hbm>> -> memref<1x1x120xi32, #tpu.memory_space<hbm>>
          %dma_wait3A_95 = tpu.memref_squeeze %dma_wait3A_94 : memref<1x1x120xi32, #tpu.memory_space<hbm>> -> memref<120xi32, #tpu.memory_space<hbm>>
          %dma_wait3A_96 = arith.constant 0 : i32
          %dma_wait3A_97 = tpu.memref_slice %arg4[%add3A, %sub3A_38, %dma_wait3A_96] : memref<32x84x120xi32, #tpu.memory_space<hbm>> -> memref<1x1x120xi32, #tpu.memory_space<hbm>>
          %dma_wait3A_98 = tpu.memref_squeeze %dma_wait3A_97 : memref<1x1x120xi32, #tpu.memory_space<hbm>> -> memref<120xi32, #tpu.memory_space<hbm>>
          tpu.wait_dma2 semaphore(%run_scoped3A_86 : memref<!tpu.dma_semaphore, #tpu.memory_space<semaphore_mem>>) src(%dma_wait3A_98 : memref<120xi32, #tpu.memory_space<hbm>>) dst(%arg12 : memref<120xi32, #tpu.memory_space<vmem>>)
          tpu.yield
        }) : () -> ()
        %dma_start3A_83 = arith.constant 0 : i32
        %dma_start3A_84 = arith.constant 0 : i32
        %dma_start3A_85 = tpu.memref_slice %arg2[%dma_start3A_83, %dma_start3A_84] : memref<10240x128xf32, #tpu.memory_space<hbm>> -> memref<10240x128xf32, #tpu.memory_space<hbm>>
        tpu.enqueue_indirect_dma source(%dma_start3A_85 : memref<10240x128xf32, #tpu.memory_space<hbm>>) target(%arg15 : memref<120x128xf32, #tpu.memory_space<vmem>>) offsets(%arg9 : memref<120xi32, #tpu.memory_space<vmem>>) semaphore(%arg18 : memref<!tpu.dma_semaphore, #tpu.memory_space<semaphore_mem>>)
      } else {
      }
      %mul3A_41 = arith.constant 3 : i32
      %mul3A_42 = arith.muli %scan3A_25, %mul3A_41 : i32
      %add3A_43 = arith.constant 1 : i32
      %add3A_44 = arith.addi %mul3A_42, %add3A_43 : i32
      %dma_wait3A_45 = arith.constant 0 : i32
      %dma_wait3A_46 = arith.constant 0 : i32
      %dma_wait3A_47 = tpu.memref_slice %arg2[%dma_wait3A_45, %dma_wait3A_46] : memref<10240x128xf32, #tpu.memory_space<hbm>> -> memref<10240x128xf32, #tpu.memory_space<hbm>>
      tpu.wait_indirect_dma semaphore(%arg17 : memref<!tpu.dma_semaphore, #tpu.memory_space<semaphore_mem>>) src(%dma_wait3A_47 : memref<10240x128xf32, #tpu.memory_space<hbm>>) dst(%arg14 : memref<120x128xf32, #tpu.memory_space<vmem>>)
      %dma_start3A_48 = arith.constant 0 : i32
      %dma_start3A_49 = arith.constant 0 : i32
      %dma_start3A_50 = tpu.memref_slice %arg22[%dma_start3A_48, %dma_start3A_49] : memref<10240x128xf32, #tpu.memory_space<vmem_shared>> -> memref<10240x128xf32, #tpu.memory_space<vmem_shared>>
      tpu.enqueue_indirect_dma source(%arg14 : memref<120x128xf32, #tpu.memory_space<vmem>>) target(%dma_start3A_50 : memref<10240x128xf32, #tpu.memory_space<vmem_shared>>) offsets(%arg11 : memref<120xi32, #tpu.memory_space<vmem>>) semaphore(%arg20 : memref<!tpu.dma_semaphore, #tpu.memory_space<semaphore_mem>>) {add = true}
      %add3A_51 = arith.constant 3 : i32
      %add3A_52 = arith.addi %add3A_44, %add3A_51 : i32
      %sub3A_53 = arith.constant 1 : i32
      %sub3A_54 = arith.subi %add3A_52, %sub3A_53 : i32
      %lt3A_55 = arith.constant 84 : i32
      %lt3A_56 = arith.cmpi slt, %sub3A_54, %lt3A_55 : i32
      %convert_element_type3A_57 = arith.extui %lt3A_56 : i1 to i32
      %cond3A_58 = arith.constant 0 : i32
      %cond3A_59 = arith.cmpi ne, %convert_element_type3A_57, %cond3A_58 : i32
      scf.if %cond3A_59 {
        %ge3A = arith.constant 1 : i32
        %ge3A_79 = arith.cmpi sge, %add3A_44, %ge3A : i32
        %convert_element_type3A_80 = arith.extui %ge3A_79 : i1 to i32
        %cond3A_81 = arith.constant 0 : i32
        %cond3A_82 = arith.cmpi ne, %convert_element_type3A_80, %cond3A_81 : i32
        scf.if %cond3A_82 {
          %dma_wait3A_86 = arith.constant 0 : i32
          %dma_wait3A_87 = arith.constant 0 : i32
          %dma_wait3A_88 = tpu.memref_slice %arg22[%dma_wait3A_86, %dma_wait3A_87] : memref<10240x128xf32, #tpu.memory_space<vmem_shared>> -> memref<10240x128xf32, #tpu.memory_space<vmem_shared>>
          tpu.wait_indirect_dma semaphore(%arg19 : memref<!tpu.dma_semaphore, #tpu.memory_space<semaphore_mem>>) src(%arg13 : memref<120x128xf32, #tpu.memory_space<vmem>>) dst(%dma_wait3A_88 : memref<10240x128xf32, #tpu.memory_space<vmem_shared>>)
        } else {
        }
        "tpu.region"() ({
          %run_scoped3A_86 = tpu.sem_alloc : memref<!tpu.dma_semaphore, #tpu.memory_space<semaphore_mem>>
          %dma_start3A_87 = arith.constant 0 : i32
          %dma_start3A_88 = tpu.memref_slice %arg3[%add3A, %sub3A_54, %dma_start3A_87] : memref<32x84x120xi32, #tpu.memory_space<hbm>> -> memref<1x1x120xi32, #tpu.memory_space<hbm>>
          %dma_start3A_89 = tpu.memref_squeeze %dma_start3A_88 : memref<1x1x120xi32, #tpu.memory_space<hbm>> -> memref<120xi32, #tpu.memory_space<hbm>>
          %dma_start3A_90 = arith.constant 0 : i32
          %dma_start3A_91 = tpu.memref_slice %arg3[%add3A, %sub3A_54, %dma_start3A_90] : memref<32x84x120xi32, #tpu.memory_space<hbm>> -> memref<1x1x120xi32, #tpu.memory_space<hbm>>
          %dma_start3A_92 = tpu.memref_squeeze %dma_start3A_91 : memref<1x1x120xi32, #tpu.memory_space<hbm>> -> memref<120xi32, #tpu.memory_space<hbm>>
          tpu.enqueue_dma source(%dma_start3A_92 : memref<120xi32, #tpu.memory_space<hbm>>) target(%arg7 : memref<120xi32, #tpu.memory_space<vmem>>) target_semaphore(%run_scoped3A_86 : memref<!tpu.dma_semaphore, #tpu.memory_space<semaphore_mem>>)
          %dma_wait3A_93 = arith.constant 0 : i32
          %dma_wait3A_94 = tpu.memref_slice %arg3[%add3A, %sub3A_54, %dma_wait3A_93] : memref<32x84x120xi32, #tpu.memory_space<hbm>> -> memref<1x1x120xi32, #tpu.memory_space<hbm>>
          %dma_wait3A_95 = tpu.memref_squeeze %dma_wait3A_94 : memref<1x1x120xi32, #tpu.memory_space<hbm>> -> memref<120xi32, #tpu.memory_space<hbm>>
          %dma_wait3A_96 = arith.constant 0 : i32
          %dma_wait3A_97 = tpu.memref_slice %arg3[%add3A, %sub3A_54, %dma_wait3A_96] : memref<32x84x120xi32, #tpu.memory_space<hbm>> -> memref<1x1x120xi32, #tpu.memory_space<hbm>>
          %dma_wait3A_98 = tpu.memref_squeeze %dma_wait3A_97 : memref<1x1x120xi32, #tpu.memory_space<hbm>> -> memref<120xi32, #tpu.memory_space<hbm>>
          tpu.wait_dma2 semaphore(%run_scoped3A_86 : memref<!tpu.dma_semaphore, #tpu.memory_space<semaphore_mem>>) src(%dma_wait3A_98 : memref<120xi32, #tpu.memory_space<hbm>>) dst(%arg7 : memref<120xi32, #tpu.memory_space<vmem>>)
          tpu.yield
        }) : () -> ()
        "tpu.region"() ({
          %run_scoped3A_86 = tpu.sem_alloc : memref<!tpu.dma_semaphore, #tpu.memory_space<semaphore_mem>>
          %dma_start3A_87 = arith.constant 0 : i32
          %dma_start3A_88 = tpu.memref_slice %arg4[%add3A, %sub3A_54, %dma_start3A_87] : memref<32x84x120xi32, #tpu.memory_space<hbm>> -> memref<1x1x120xi32, #tpu.memory_space<hbm>>
          %dma_start3A_89 = tpu.memref_squeeze %dma_start3A_88 : memref<1x1x120xi32, #tpu.memory_space<hbm>> -> memref<120xi32, #tpu.memory_space<hbm>>
          %dma_start3A_90 = arith.constant 0 : i32
          %dma_start3A_91 = tpu.memref_slice %arg4[%add3A, %sub3A_54, %dma_start3A_90] : memref<32x84x120xi32, #tpu.memory_space<hbm>> -> memref<1x1x120xi32, #tpu.memory_space<hbm>>
          %dma_start3A_92 = tpu.memref_squeeze %dma_start3A_91 : memref<1x1x120xi32, #tpu.memory_space<hbm>> -> memref<120xi32, #tpu.memory_space<hbm>>
          tpu.enqueue_dma source(%dma_start3A_92 : memref<120xi32, #tpu.memory_space<hbm>>) target(%arg10 : memref<120xi32, #tpu.memory_space<vmem>>) target_semaphore(%run_scoped3A_86 : memref<!tpu.dma_semaphore, #tpu.memory_space<semaphore_mem>>)
          %dma_wait3A_93 = arith.constant 0 : i32
          %dma_wait3A_94 = tpu.memref_slice %arg4[%add3A, %sub3A_54, %dma_wait3A_93] : memref<32x84x120xi32, #tpu.memory_space<hbm>> -> memref<1x1x120xi32, #tpu.memory_space<hbm>>
          %dma_wait3A_95 = tpu.memref_squeeze %dma_wait3A_94 : memref<1x1x120xi32, #tpu.memory_space<hbm>> -> memref<120xi32, #tpu.memory_space<hbm>>
          %dma_wait3A_96 = arith.constant 0 : i32
          %dma_wait3A_97 = tpu.memref_slice %arg4[%add3A, %sub3A_54, %dma_wait3A_96] : memref<32x84x120xi32, #tpu.memory_space<hbm>> -> memref<1x1x120xi32, #tpu.memory_space<hbm>>
          %dma_wait3A_98 = tpu.memref_squeeze %dma_wait3A_97 : memref<1x1x120xi32, #tpu.memory_space<hbm>> -> memref<120xi32, #tpu.memory_space<hbm>>
          tpu.wait_dma2 semaphore(%run_scoped3A_86 : memref<!tpu.dma_semaphore, #tpu.memory_space<semaphore_mem>>) src(%dma_wait3A_98 : memref<120xi32, #tpu.memory_space<hbm>>) dst(%arg10 : memref<120xi32, #tpu.memory_space<vmem>>)
          tpu.yield
        }) : () -> ()
        %dma_start3A_83 = arith.constant 0 : i32
        %dma_start3A_84 = arith.constant 0 : i32
        %dma_start3A_85 = tpu.memref_slice %arg2[%dma_start3A_83, %dma_start3A_84] : memref<10240x128xf32, #tpu.memory_space<hbm>> -> memref<10240x128xf32, #tpu.memory_space<hbm>>
        tpu.enqueue_indirect_dma source(%dma_start3A_85 : memref<10240x128xf32, #tpu.memory_space<hbm>>) target(%arg13 : memref<120x128xf32, #tpu.memory_space<vmem>>) offsets(%arg7 : memref<120xi32, #tpu.memory_space<vmem>>) semaphore(%arg16 : memref<!tpu.dma_semaphore, #tpu.memory_space<semaphore_mem>>)
      } else {
      }
      %mul3A_60 = arith.constant 3 : i32
      %mul3A_61 = arith.muli %scan3A_25, %mul3A_60 : i32
      %add3A_62 = arith.constant 2 : i32
      %add3A_63 = arith.addi %mul3A_61, %add3A_62 : i32
      %dma_wait3A_64 = arith.constant 0 : i32
      %dma_wait3A_65 = arith.constant 0 : i32
      %dma_wait3A_66 = tpu.memref_slice %arg2[%dma_wait3A_64, %dma_wait3A_65] : memref<10240x128xf32, #tpu.memory_space<hbm>> -> memref<10240x128xf32, #tpu.memory_space<hbm>>
      tpu.wait_indirect_dma semaphore(%arg18 : memref<!tpu.dma_semaphore, #tpu.memory_space<semaphore_mem>>) src(%dma_wait3A_66 : memref<10240x128xf32, #tpu.memory_space<hbm>>) dst(%arg15 : memref<120x128xf32, #tpu.memory_space<vmem>>)
      %dma_start3A_67 = arith.constant 0 : i32
      %dma_start3A_68 = arith.constant 0 : i32
      %dma_start3A_69 = tpu.memref_slice %arg22[%dma_start3A_67, %dma_start3A_68] : memref<10240x128xf32, #tpu.memory_space<vmem_shared>> -> memref<10240x128xf32, #tpu.memory_space<vmem_shared>>
      tpu.enqueue_indirect_dma source(%arg15 : memref<120x128xf32, #tpu.memory_space<vmem>>) target(%dma_start3A_69 : memref<10240x128xf32, #tpu.memory_space<vmem_shared>>) offsets(%arg12 : memref<120xi32, #tpu.memory_space<vmem>>) semaphore(%arg21 : memref<!tpu.dma_semaphore, #tpu.memory_space<semaphore_mem>>) {add = true}
      %add3A_70 = arith.constant 3 : i32
      %add3A_71 = arith.addi %add3A_63, %add3A_70 : i32
      %sub3A_72 = arith.constant 1 : i32
      %sub3A_73 = arith.subi %add3A_71, %sub3A_72 : i32
      %lt3A_74 = arith.constant 84 : i32
      %lt3A_75 = arith.cmpi slt, %sub3A_73, %lt3A_74 : i32
      %convert_element_type3A_76 = arith.extui %lt3A_75 : i1 to i32
      %cond3A_77 = arith.constant 0 : i32
      %cond3A_78 = arith.cmpi ne, %convert_element_type3A_76, %cond3A_77 : i32
      scf.if %cond3A_78 {
        %ge3A = arith.constant 1 : i32
        %ge3A_79 = arith.cmpi sge, %add3A_63, %ge3A : i32
        %convert_element_type3A_80 = arith.extui %ge3A_79 : i1 to i32
        %cond3A_81 = arith.constant 0 : i32
        %cond3A_82 = arith.cmpi ne, %convert_element_type3A_80, %cond3A_81 : i32
        scf.if %cond3A_82 {
          %dma_wait3A_86 = arith.constant 0 : i32
          %dma_wait3A_87 = arith.constant 0 : i32
          %dma_wait3A_88 = tpu.memref_slice %arg22[%dma_wait3A_86, %dma_wait3A_87] : memref<10240x128xf32, #tpu.memory_space<vmem_shared>> -> memref<10240x128xf32, #tpu.memory_space<vmem_shared>>
          tpu.wait_indirect_dma semaphore(%arg20 : memref<!tpu.dma_semaphore, #tpu.memory_space<semaphore_mem>>) src(%arg14 : memref<120x128xf32, #tpu.memory_space<vmem>>) dst(%dma_wait3A_88 : memref<10240x128xf32, #tpu.memory_space<vmem_shared>>)
        } else {
        }
        "tpu.region"() ({
          %run_scoped3A_86 = tpu.sem_alloc : memref<!tpu.dma_semaphore, #tpu.memory_space<semaphore_mem>>
          %dma_start3A_87 = arith.constant 0 : i32
          %dma_start3A_88 = tpu.memref_slice %arg3[%add3A, %sub3A_73, %dma_start3A_87] : memref<32x84x120xi32, #tpu.memory_space<hbm>> -> memref<1x1x120xi32, #tpu.memory_space<hbm>>
          %dma_start3A_89 = tpu.memref_squeeze %dma_start3A_88 : memref<1x1x120xi32, #tpu.memory_space<hbm>> -> memref<120xi32, #tpu.memory_space<hbm>>
          %dma_start3A_90 = arith.constant 0 : i32
          %dma_start3A_91 = tpu.memref_slice %arg3[%add3A, %sub3A_73, %dma_start3A_90] : memref<32x84x120xi32, #tpu.memory_space<hbm>> -> memref<1x1x120xi32, #tpu.memory_space<hbm>>
          %dma_start3A_92 = tpu.memref_squeeze %dma_start3A_91 : memref<1x1x120xi32, #tpu.memory_space<hbm>> -> memref<120xi32, #tpu.memory_space<hbm>>
          tpu.enqueue_dma source(%dma_start3A_92 : memref<120xi32, #tpu.memory_space<hbm>>) target(%arg8 : memref<120xi32, #tpu.memory_space<vmem>>) target_semaphore(%run_scoped3A_86 : memref<!tpu.dma_semaphore, #tpu.memory_space<semaphore_mem>>)
          %dma_wait3A_93 = arith.constant 0 : i32
          %dma_wait3A_94 = tpu.memref_slice %arg3[%add3A, %sub3A_73, %dma_wait3A_93] : memref<32x84x120xi32, #tpu.memory_space<hbm>> -> memref<1x1x120xi32, #tpu.memory_space<hbm>>
          %dma_wait3A_95 = tpu.memref_squeeze %dma_wait3A_94 : memref<1x1x120xi32, #tpu.memory_space<hbm>> -> memref<120xi32, #tpu.memory_space<hbm>>
          %dma_wait3A_96 = arith.constant 0 : i32
          %dma_wait3A_97 = tpu.memref_slice %arg3[%add3A, %sub3A_73, %dma_wait3A_96] : memref<32x84x120xi32, #tpu.memory_space<hbm>> -> memref<1x1x120xi32, #tpu.memory_space<hbm>>
          %dma_wait3A_98 = tpu.memref_squeeze %dma_wait3A_97 : memref<1x1x120xi32, #tpu.memory_space<hbm>> -> memref<120xi32, #tpu.memory_space<hbm>>
          tpu.wait_dma2 semaphore(%run_scoped3A_86 : memref<!tpu.dma_semaphore, #tpu.memory_space<semaphore_mem>>) src(%dma_wait3A_98 : memref<120xi32, #tpu.memory_space<hbm>>) dst(%arg8 : memref<120xi32, #tpu.memory_space<vmem>>)
          tpu.yield
        }) : () -> ()
        "tpu.region"() ({
          %run_scoped3A_86 = tpu.sem_alloc : memref<!tpu.dma_semaphore, #tpu.memory_space<semaphore_mem>>
          %dma_start3A_87 = arith.constant 0 : i32
          %dma_start3A_88 = tpu.memref_slice %arg4[%add3A, %sub3A_73, %dma_start3A_87] : memref<32x84x120xi32, #tpu.memory_space<hbm>> -> memref<1x1x120xi32, #tpu.memory_space<hbm>>
          %dma_start3A_89 = tpu.memref_squeeze %dma_start3A_88 : memref<1x1x120xi32, #tpu.memory_space<hbm>> -> memref<120xi32, #tpu.memory_space<hbm>>
          %dma_start3A_90 = arith.constant 0 : i32
          %dma_start3A_91 = tpu.memref_slice %arg4[%add3A, %sub3A_73, %dma_start3A_90] : memref<32x84x120xi32, #tpu.memory_space<hbm>> -> memref<1x1x120xi32, #tpu.memory_space<hbm>>
          %dma_start3A_92 = tpu.memref_squeeze %dma_start3A_91 : memref<1x1x120xi32, #tpu.memory_space<hbm>> -> memref<120xi32, #tpu.memory_space<hbm>>
          tpu.enqueue_dma source(%dma_start3A_92 : memref<120xi32, #tpu.memory_space<hbm>>) target(%arg11 : memref<120xi32, #tpu.memory_space<vmem>>) target_semaphore(%run_scoped3A_86 : memref<!tpu.dma_semaphore, #tpu.memory_space<semaphore_mem>>)
          %dma_wait3A_93 = arith.constant 0 : i32
          %dma_wait3A_94 = tpu.memref_slice %arg4[%add3A, %sub3A_73, %dma_wait3A_93] : memref<32x84x120xi32, #tpu.memory_space<hbm>> -> memref<1x1x120xi32, #tpu.memory_space<hbm>>
          %dma_wait3A_95 = tpu.memref_squeeze %dma_wait3A_94 : memref<1x1x120xi32, #tpu.memory_space<hbm>> -> memref<120xi32, #tpu.memory_space<hbm>>
          %dma_wait3A_96 = arith.constant 0 : i32
          %dma_wait3A_97 = tpu.memref_slice %arg4[%add3A, %sub3A_73, %dma_wait3A_96] : memref<32x84x120xi32, #tpu.memory_space<hbm>> -> memref<1x1x120xi32, #tpu.memory_space<hbm>>
          %dma_wait3A_98 = tpu.memref_squeeze %dma_wait3A_97 : memref<1x1x120xi32, #tpu.memory_space<hbm>> -> memref<120xi32, #tpu.memory_space<hbm>>
          tpu.wait_dma2 semaphore(%run_scoped3A_86 : memref<!tpu.dma_semaphore, #tpu.memory_space<semaphore_mem>>) src(%dma_wait3A_98 : memref<120xi32, #tpu.memory_space<hbm>>) dst(%arg11 : memref<120xi32, #tpu.memory_space<vmem>>)
          tpu.yield
        }) : () -> ()
        %dma_start3A_83 = arith.constant 0 : i32
        %dma_start3A_84 = arith.constant 0 : i32
        %dma_start3A_85 = tpu.memref_slice %arg2[%dma_start3A_83, %dma_start3A_84] : memref<10240x128xf32, #tpu.memory_space<hbm>> -> memref<10240x128xf32, #tpu.memory_space<hbm>>
        tpu.enqueue_indirect_dma source(%dma_start3A_85 : memref<10240x128xf32, #tpu.memory_space<hbm>>) target(%arg14 : memref<120x128xf32, #tpu.memory_space<vmem>>) offsets(%arg8 : memref<120xi32, #tpu.memory_space<vmem>>) semaphore(%arg17 : memref<!tpu.dma_semaphore, #tpu.memory_space<semaphore_mem>>)
      } else {
      }
    }
    %scan3A_15 = arith.constant 28 : i32
    %dma_wait3A = arith.constant 0 : i32
    %dma_wait3A_16 = arith.constant 0 : i32
    %dma_wait3A_17 = tpu.memref_slice %arg22[%dma_wait3A, %dma_wait3A_16] : memref<10240x128xf32, #tpu.memory_space<vmem_shared>> -> memref<10240x128xf32, #tpu.memory_space<vmem_shared>>
    tpu.wait_indirect_dma semaphore(%arg19 : memref<!tpu.dma_semaphore, #tpu.memory_space<semaphore_mem>>) src(%arg13 : memref<120x128xf32, #tpu.memory_space<vmem>>) dst(%dma_wait3A_17 : memref<10240x128xf32, #tpu.memory_space<vmem_shared>>)
    %dma_wait3A_18 = arith.constant 0 : i32
    %dma_wait3A_19 = arith.constant 0 : i32
    %dma_wait3A_20 = tpu.memref_slice %arg22[%dma_wait3A_18, %dma_wait3A_19] : memref<10240x128xf32, #tpu.memory_space<vmem_shared>> -> memref<10240x128xf32, #tpu.memory_space<vmem_shared>>
    tpu.wait_indirect_dma semaphore(%arg20 : memref<!tpu.dma_semaphore, #tpu.memory_space<semaphore_mem>>) src(%arg14 : memref<120x128xf32, #tpu.memory_space<vmem>>) dst(%dma_wait3A_20 : memref<10240x128xf32, #tpu.memory_space<vmem_shared>>)
    %dma_wait3A_21 = arith.constant 0 : i32
    %dma_wait3A_22 = arith.constant 0 : i32
    %dma_wait3A_23 = tpu.memref_slice %arg22[%dma_wait3A_21, %dma_wait3A_22] : memref<10240x128xf32, #tpu.memory_space<vmem_shared>> -> memref<10240x128xf32, #tpu.memory_space<vmem_shared>>
    tpu.wait_indirect_dma semaphore(%arg21 : memref<!tpu.dma_semaphore, #tpu.memory_space<semaphore_mem>>) src(%arg15 : memref<120x128xf32, #tpu.memory_space<vmem>>) dst(%dma_wait3A_23 : memref<10240x128xf32, #tpu.memory_space<vmem_shared>>)
    %barrier3A_24 = arith.constant 0 : index
    tpu.barrier barrier_id(%barrier3A_24)
    "tpu.region"() ({
      %run_scoped3A_25 = tpu.sem_alloc : memref<!tpu.dma_semaphore, #tpu.memory_space<semaphore_mem>>
      %dma_start3A_26 = arith.constant 0 : i32
      %dma_start3A_27 = tpu.memref_slice %arg6[%arg0, %mul3A_2, %dma_start3A_26] : memref<2x10240x128xf32, #tpu.memory_space<hbm>> -> memref<1x640x128xf32, #tpu.memory_space<hbm>>
      %dma_start3A_28 = tpu.memref_squeeze %dma_start3A_27 : memref<1x640x128xf32, #tpu.memory_space<hbm>> -> memref<640x128xf32, #tpu.memory_space<hbm>>
      %dma_start3A_29 = arith.constant 0 : i32
      %dma_start3A_30 = tpu.memref_slice %arg22[%mul3A_2, %dma_start3A_29] : memref<10240x128xf32, #tpu.memory_space<vmem_shared>> -> memref<640x128xf32, #tpu.memory_space<vmem_shared>>
      tpu.enqueue_dma source(%dma_start3A_30 : memref<640x128xf32, #tpu.memory_space<vmem_shared>>) target(%dma_start3A_28 : memref<640x128xf32, #tpu.memory_space<hbm>>) target_semaphore(%run_scoped3A_25 : memref<!tpu.dma_semaphore, #tpu.memory_space<semaphore_mem>>)
      %dma_wait3A_31 = arith.constant 0 : i32
      %dma_wait3A_32 = tpu.memref_slice %arg6[%arg0, %mul3A_2, %dma_wait3A_31] : memref<2x10240x128xf32, #tpu.memory_space<hbm>> -> memref<1x640x128xf32, #tpu.memory_space<hbm>>
      %dma_wait3A_33 = tpu.memref_squeeze %dma_wait3A_32 : memref<1x640x128xf32, #tpu.memory_space<hbm>> -> memref<640x128xf32, #tpu.memory_space<hbm>>
      %dma_wait3A_34 = arith.constant 0 : i32
      %dma_wait3A_35 = tpu.memref_slice %arg22[%mul3A_2, %dma_wait3A_34] : memref<10240x128xf32, #tpu.memory_space<vmem_shared>> -> memref<640x128xf32, #tpu.memory_space<vmem_shared>>
      tpu.wait_dma2 semaphore(%run_scoped3A_25 : memref<!tpu.dma_semaphore, #tpu.memory_space<semaphore_mem>>) src(%dma_wait3A_35 : memref<640x128xf32, #tpu.memory_space<vmem_shared>>) dst(%dma_wait3A_33 : memref<640x128xf32, #tpu.memory_space<hbm>>)
      tpu.yield
    }) : () -> ()
    return
  }
}

#map = affine_map<(d0, d1) -> (0, 0)>
#map1 = affine_map<(d0, d1) -> (0, 0, 0)>
module attributes {stable_mosaic.version = 14 : i64} {
  func.func @agg(%arg0: i32, %arg1: i32, %arg2: memref<10240x128xf32, #tpu.memory_space<hbm>>, %arg3: memref<32x84x120xi32, #tpu.memory_space<hbm>>, %arg4: memref<32x84x120xi32, #tpu.memory_space<hbm>>, %arg5: memref<10240x128xf32, #tpu.memory_space<hbm>>, %arg6: memref<2x10240x128xf32, #tpu.memory_space<hbm>>, %arg7: memref<120xi32, #tpu.memory_space<vmem>>, %arg8: memref<120xi32, #tpu.memory_space<vmem>>, %arg9: memref<120xi32, #tpu.memory_space<vmem>>, %arg10: memref<120xi32, #tpu.memory_space<vmem>>, %arg11: memref<120xi32, #tpu.memory_space<vmem>>, %arg12: memref<120xi32, #tpu.memory_space<vmem>>, %arg13: memref<120x128xf32, #tpu.memory_space<vmem>>, %arg14: memref<120x128xf32, #tpu.memory_space<vmem>>, %arg15: memref<120x128xf32, #tpu.memory_space<vmem>>, %arg16: memref<!tpu.dma_semaphore, #tpu.memory_space<semaphore_mem>>, %arg17: memref<!tpu.dma_semaphore, #tpu.memory_space<semaphore_mem>>, %arg18: memref<!tpu.dma_semaphore, #tpu.memory_space<semaphore_mem>>, %arg19: memref<!tpu.dma_semaphore, #tpu.memory_space<semaphore_mem>>, %arg20: memref<!tpu.dma_semaphore, #tpu.memory_space<semaphore_mem>>, %arg21: memref<!tpu.dma_semaphore, #tpu.memory_space<semaphore_mem>>, %arg22: memref<10240x128xf32, #tpu.memory_space<vmem_shared>>) attributes {dimension_semantics = [#tpu.dimension_semantics<core_parallel>, #tpu.dimension_semantics<subcore_parallel>], iteration_bounds = array<i64: 2, 16>, scalar_prefetch = 0 : i64, scratch_operands = 16 : i64, tpu.core_type = #tpu.core_type<sc_vector_subcore>, window_params = [{transform_indices = #map}, {transform_indices = #map1}, {transform_indices = #map1}, {transform_indices = #map}, {transform_indices = #map1}]} {
    %mul3A = arith.constant 16 : i32
    %mul3A_0 = arith.muli %arg0, %mul3A : i32
    %add3A = arith.addi %mul3A_0, %arg1 : i32
    %mul3A_1 = arith.constant 640 : i32
    %mul3A_2 = arith.muli %arg1, %mul3A_1 : i32
    "tpu.region"() ({
      %run_scoped3A_25 = tpu.sem_alloc : memref<!tpu.dma_semaphore, #tpu.memory_space<semaphore_mem>>
      %dma_start3A_26 = arith.constant 0 : i32
      %dma_start3A_27 = tpu.memref_slice %arg22[%mul3A_2, %dma_start3A_26] : memref<10240x128xf32, #tpu.memory_space<vmem_shared>> -> memref<640x128xf32, #tpu.memory_space<vmem_shared>>
      %dma_start3A_28 = arith.constant 0 : i32
      %dma_start3A_29 = tpu.memref_slice %arg5[%mul3A_2, %dma_start3A_28] : memref<10240x128xf32, #tpu.memory_space<hbm>> -> memref<640x128xf32, #tpu.memory_space<hbm>>
      tpu.enqueue_dma source(%dma_start3A_29 : memref<640x128xf32, #tpu.memory_space<hbm>>) target(%dma_start3A_27 : memref<640x128xf32, #tpu.memory_space<vmem_shared>>) target_semaphore(%run_scoped3A_25 : memref<!tpu.dma_semaphore, #tpu.memory_space<semaphore_mem>>)
      %dma_wait3A_30 = arith.constant 0 : i32
      %dma_wait3A_31 = tpu.memref_slice %arg22[%mul3A_2, %dma_wait3A_30] : memref<10240x128xf32, #tpu.memory_space<vmem_shared>> -> memref<640x128xf32, #tpu.memory_space<vmem_shared>>
      %dma_wait3A_32 = arith.constant 0 : i32
      %dma_wait3A_33 = tpu.memref_slice %arg5[%mul3A_2, %dma_wait3A_32] : memref<10240x128xf32, #tpu.memory_space<hbm>> -> memref<640x128xf32, #tpu.memory_space<hbm>>
      tpu.wait_dma2 semaphore(%run_scoped3A_25 : memref<!tpu.dma_semaphore, #tpu.memory_space<semaphore_mem>>) src(%dma_wait3A_33 : memref<640x128xf32, #tpu.memory_space<hbm>>) dst(%dma_wait3A_31 : memref<640x128xf32, #tpu.memory_space<vmem_shared>>)
      tpu.yield
    }) : () -> ()
    %barrier3A = arith.constant 0 : index
    tpu.barrier barrier_id(%barrier3A)
    %run_scoped3A = arith.constant 0 : i32
    "tpu.region"() ({
      %run_scoped3A_25 = tpu.sem_alloc : memref<!tpu.dma_semaphore, #tpu.memory_space<semaphore_mem>>
      %dma_start3A_26 = arith.constant 0 : i32
      %dma_start3A_27 = tpu.memref_slice %arg3[%add3A, %run_scoped3A, %dma_start3A_26] : memref<32x84x120xi32, #tpu.memory_space<hbm>> -> memref<1x1x120xi32, #tpu.memory_space<hbm>>
      %dma_start3A_28 = tpu.memref_squeeze %dma_start3A_27 : memref<1x1x120xi32, #tpu.memory_space<hbm>> -> memref<120xi32, #tpu.memory_space<hbm>>
      %dma_start3A_29 = arith.constant 0 : i32
      %dma_start3A_30 = tpu.memref_slice %arg3[%add3A, %run_scoped3A, %dma_start3A_29] : memref<32x84x120xi32, #tpu.memory_space<hbm>> -> memref<1x1x120xi32, #tpu.memory_space<hbm>>
      %dma_start3A_31 = tpu.memref_squeeze %dma_start3A_30 : memref<1x1x120xi32, #tpu.memory_space<hbm>> -> memref<120xi32, #tpu.memory_space<hbm>>
      tpu.enqueue_dma source(%dma_start3A_31 : memref<120xi32, #tpu.memory_space<hbm>>) target(%arg7 : memref<120xi32, #tpu.memory_space<vmem>>) target_semaphore(%run_scoped3A_25 : memref<!tpu.dma_semaphore, #tpu.memory_space<semaphore_mem>>)
      %dma_wait3A_32 = arith.constant 0 : i32
      %dma_wait3A_33 = tpu.memref_slice %arg3[%add3A, %run_scoped3A, %dma_wait3A_32] : memref<32x84x120xi32, #tpu.memory_space<hbm>> -> memref<1x1x120xi32, #tpu.memory_space<hbm>>
      %dma_wait3A_34 = tpu.memref_squeeze %dma_wait3A_33 : memref<1x1x120xi32, #tpu.memory_space<hbm>> -> memref<120xi32, #tpu.memory_space<hbm>>
      %dma_wait3A_35 = arith.constant 0 : i32
      %dma_wait3A_36 = tpu.memref_slice %arg3[%add3A, %run_scoped3A, %dma_wait3A_35] : memref<32x84x120xi32, #tpu.memory_space<hbm>> -> memref<1x1x120xi32, #tpu.memory_space<hbm>>
      %dma_wait3A_37 = tpu.memref_squeeze %dma_wait3A_36 : memref<1x1x120xi32, #tpu.memory_space<hbm>> -> memref<120xi32, #tpu.memory_space<hbm>>
      tpu.wait_dma2 semaphore(%run_scoped3A_25 : memref<!tpu.dma_semaphore, #tpu.memory_space<semaphore_mem>>) src(%dma_wait3A_37 : memref<120xi32, #tpu.memory_space<hbm>>) dst(%arg7 : memref<120xi32, #tpu.memory_space<vmem>>)
      tpu.yield
    }) : () -> ()
    %run_scoped3A_3 = arith.constant 0 : i32
    "tpu.region"() ({
      %run_scoped3A_25 = tpu.sem_alloc : memref<!tpu.dma_semaphore, #tpu.memory_space<semaphore_mem>>
      %dma_start3A_26 = arith.constant 0 : i32
      %dma_start3A_27 = tpu.memref_slice %arg4[%add3A, %run_scoped3A_3, %dma_start3A_26] : memref<32x84x120xi32, #tpu.memory_space<hbm>> -> memref<1x1x120xi32, #tpu.memory_space<hbm>>
      %dma_start3A_28 = tpu.memref_squeeze %dma_start3A_27 : memref<1x1x120xi32, #tpu.memory_space<hbm>> -> memref<120xi32, #tpu.memory_space<hbm>>
      %dma_start3A_29 = arith.constant 0 : i32
      %dma_start3A_30 = tpu.memref_slice %arg4[%add3A, %run_scoped3A_3, %dma_start3A_29] : memref<32x84x120xi32, #tpu.memory_space<hbm>> -> memref<1x1x120xi32, #tpu.memory_space<hbm>>
      %dma_start3A_31 = tpu.memref_squeeze %dma_start3A_30 : memref<1x1x120xi32, #tpu.memory_space<hbm>> -> memref<120xi32, #tpu.memory_space<hbm>>
      tpu.enqueue_dma source(%dma_start3A_31 : memref<120xi32, #tpu.memory_space<hbm>>) target(%arg10 : memref<120xi32, #tpu.memory_space<vmem>>) target_semaphore(%run_scoped3A_25 : memref<!tpu.dma_semaphore, #tpu.memory_space<semaphore_mem>>)
      %dma_wait3A_32 = arith.constant 0 : i32
      %dma_wait3A_33 = tpu.memref_slice %arg4[%add3A, %run_scoped3A_3, %dma_wait3A_32] : memref<32x84x120xi32, #tpu.memory_space<hbm>> -> memref<1x1x120xi32, #tpu.memory_space<hbm>>
      %dma_wait3A_34 = tpu.memref_squeeze %dma_wait3A_33 : memref<1x1x120xi32, #tpu.memory_space<hbm>> -> memref<120xi32, #tpu.memory_space<hbm>>
      %dma_wait3A_35 = arith.constant 0 : i32
      %dma_wait3A_36 = tpu.memref_slice %arg4[%add3A, %run_scoped3A_3, %dma_wait3A_35] : memref<32x84x120xi32, #tpu.memory_space<hbm>> -> memref<1x1x120xi32, #tpu.memory_space<hbm>>
      %dma_wait3A_37 = tpu.memref_squeeze %dma_wait3A_36 : memref<1x1x120xi32, #tpu.memory_space<hbm>> -> memref<120xi32, #tpu.memory_space<hbm>>
      tpu.wait_dma2 semaphore(%run_scoped3A_25 : memref<!tpu.dma_semaphore, #tpu.memory_space<semaphore_mem>>) src(%dma_wait3A_37 : memref<120xi32, #tpu.memory_space<hbm>>) dst(%arg10 : memref<120xi32, #tpu.memory_space<vmem>>)
      tpu.yield
    }) : () -> ()
    %dma_start3A = arith.constant 0 : i32
    %dma_start3A_4 = arith.constant 0 : i32
    %dma_start3A_5 = tpu.memref_slice %arg2[%dma_start3A, %dma_start3A_4] : memref<10240x128xf32, #tpu.memory_space<hbm>> -> memref<10240x128xf32, #tpu.memory_space<hbm>>
    tpu.enqueue_indirect_dma source(%dma_start3A_5 : memref<10240x128xf32, #tpu.memory_space<hbm>>) target(%arg13 : memref<120x128xf32, #tpu.memory_space<vmem>>) offsets(%arg7 : memref<120xi32, #tpu.memory_space<vmem>>) semaphore(%arg16 : memref<!tpu.dma_semaphore, #tpu.memory_space<semaphore_mem>>)
    %run_scoped3A_6 = arith.constant 1 : i32
    "tpu.region"() ({
      %run_scoped3A_25 = tpu.sem_alloc : memref<!tpu.dma_semaphore, #tpu.memory_space<semaphore_mem>>
      %dma_start3A_26 = arith.constant 0 : i32
      %dma_start3A_27 = tpu.memref_slice %arg3[%add3A, %run_scoped3A_6, %dma_start3A_26] : memref<32x84x120xi32, #tpu.memory_space<hbm>> -> memref<1x1x120xi32, #tpu.memory_space<hbm>>
      %dma_start3A_28 = tpu.memref_squeeze %dma_start3A_27 : memref<1x1x120xi32, #tpu.memory_space<hbm>> -> memref<120xi32, #tpu.memory_space<hbm>>
      %dma_start3A_29 = arith.constant 0 : i32
      %dma_start3A_30 = tpu.memref_slice %arg3[%add3A, %run_scoped3A_6, %dma_start3A_29] : memref<32x84x120xi32, #tpu.memory_space<hbm>> -> memref<1x1x120xi32, #tpu.memory_space<hbm>>
      %dma_start3A_31 = tpu.memref_squeeze %dma_start3A_30 : memref<1x1x120xi32, #tpu.memory_space<hbm>> -> memref<120xi32, #tpu.memory_space<hbm>>
      tpu.enqueue_dma source(%dma_start3A_31 : memref<120xi32, #tpu.memory_space<hbm>>) target(%arg8 : memref<120xi32, #tpu.memory_space<vmem>>) target_semaphore(%run_scoped3A_25 : memref<!tpu.dma_semaphore, #tpu.memory_space<semaphore_mem>>)
      %dma_wait3A_32 = arith.constant 0 : i32
      %dma_wait3A_33 = tpu.memref_slice %arg3[%add3A, %run_scoped3A_6, %dma_wait3A_32] : memref<32x84x120xi32, #tpu.memory_space<hbm>> -> memref<1x1x120xi32, #tpu.memory_space<hbm>>
      %dma_wait3A_34 = tpu.memref_squeeze %dma_wait3A_33 : memref<1x1x120xi32, #tpu.memory_space<hbm>> -> memref<120xi32, #tpu.memory_space<hbm>>
      %dma_wait3A_35 = arith.constant 0 : i32
      %dma_wait3A_36 = tpu.memref_slice %arg3[%add3A, %run_scoped3A_6, %dma_wait3A_35] : memref<32x84x120xi32, #tpu.memory_space<hbm>> -> memref<1x1x120xi32, #tpu.memory_space<hbm>>
      %dma_wait3A_37 = tpu.memref_squeeze %dma_wait3A_36 : memref<1x1x120xi32, #tpu.memory_space<hbm>> -> memref<120xi32, #tpu.memory_space<hbm>>
      tpu.wait_dma2 semaphore(%run_scoped3A_25 : memref<!tpu.dma_semaphore, #tpu.memory_space<semaphore_mem>>) src(%dma_wait3A_37 : memref<120xi32, #tpu.memory_space<hbm>>) dst(%arg8 : memref<120xi32, #tpu.memory_space<vmem>>)
      tpu.yield
    }) : () -> ()
    %run_scoped3A_7 = arith.constant 1 : i32
    "tpu.region"() ({
      %run_scoped3A_25 = tpu.sem_alloc : memref<!tpu.dma_semaphore, #tpu.memory_space<semaphore_mem>>
      %dma_start3A_26 = arith.constant 0 : i32
      %dma_start3A_27 = tpu.memref_slice %arg4[%add3A, %run_scoped3A_7, %dma_start3A_26] : memref<32x84x120xi32, #tpu.memory_space<hbm>> -> memref<1x1x120xi32, #tpu.memory_space<hbm>>
      %dma_start3A_28 = tpu.memref_squeeze %dma_start3A_27 : memref<1x1x120xi32, #tpu.memory_space<hbm>> -> memref<120xi32, #tpu.memory_space<hbm>>
      %dma_start3A_29 = arith.constant 0 : i32
      %dma_start3A_30 = tpu.memref_slice %arg4[%add3A, %run_scoped3A_7, %dma_start3A_29] : memref<32x84x120xi32, #tpu.memory_space<hbm>> -> memref<1x1x120xi32, #tpu.memory_space<hbm>>
      %dma_start3A_31 = tpu.memref_squeeze %dma_start3A_30 : memref<1x1x120xi32, #tpu.memory_space<hbm>> -> memref<120xi32, #tpu.memory_space<hbm>>
      tpu.enqueue_dma source(%dma_start3A_31 : memref<120xi32, #tpu.memory_space<hbm>>) target(%arg11 : memref<120xi32, #tpu.memory_space<vmem>>) target_semaphore(%run_scoped3A_25 : memref<!tpu.dma_semaphore, #tpu.memory_space<semaphore_mem>>)
      %dma_wait3A_32 = arith.constant 0 : i32
      %dma_wait3A_33 = tpu.memref_slice %arg4[%add3A, %run_scoped3A_7, %dma_wait3A_32] : memref<32x84x120xi32, #tpu.memory_space<hbm>> -> memref<1x1x120xi32, #tpu.memory_space<hbm>>
      %dma_wait3A_34 = tpu.memref_squeeze %dma_wait3A_33 : memref<1x1x120xi32, #tpu.memory_space<hbm>> -> memref<120xi32, #tpu.memory_space<hbm>>
      %dma_wait3A_35 = arith.constant 0 : i32
      %dma_wait3A_36 = tpu.memref_slice %arg4[%add3A, %run_scoped3A_7, %dma_wait3A_35] : memref<32x84x120xi32, #tpu.memory_space<hbm>> -> memref<1x1x120xi32, #tpu.memory_space<hbm>>
      %dma_wait3A_37 = tpu.memref_squeeze %dma_wait3A_36 : memref<1x1x120xi32, #tpu.memory_space<hbm>> -> memref<120xi32, #tpu.memory_space<hbm>>
      tpu.wait_dma2 semaphore(%run_scoped3A_25 : memref<!tpu.dma_semaphore, #tpu.memory_space<semaphore_mem>>) src(%dma_wait3A_37 : memref<120xi32, #tpu.memory_space<hbm>>) dst(%arg11 : memref<120xi32, #tpu.memory_space<vmem>>)
      tpu.yield
    }) : () -> ()
    %dma_start3A_8 = arith.constant 0 : i32
    %dma_start3A_9 = arith.constant 0 : i32
    %dma_start3A_10 = tpu.memref_slice %arg2[%dma_start3A_8, %dma_start3A_9] : memref<10240x128xf32, #tpu.memory_space<hbm>> -> memref<10240x128xf32, #tpu.memory_space<hbm>>
    tpu.enqueue_indirect_dma source(%dma_start3A_10 : memref<10240x128xf32, #tpu.memory_space<hbm>>) target(%arg14 : memref<120x128xf32, #tpu.memory_space<vmem>>) offsets(%arg8 : memref<120xi32, #tpu.memory_space<vmem>>) semaphore(%arg17 : memref<!tpu.dma_semaphore, #tpu.memory_space<semaphore_mem>>)
    %scan3A = arith.constant 0 : i32
    %scan3A_11 = arith.constant 0 : i32
    %scan3A_12 = arith.constant 28 : i32
    %scan3A_13 = arith.addi %scan3A_11, %scan3A_12 : i32
    %scan3A_14 = arith.constant 1 : i32
    scf.for %scan3A_25 = %scan3A_11 to %scan3A_13 step %scan3A_14  : i32 {
      %mul3A_26 = arith.constant 3 : i32
      %mul3A_27 = arith.muli %scan3A_25, %mul3A_26 : i32
      %add3A_28 = arith.constant 0 : i32
      %add3A_29 = arith.addi %mul3A_27, %add3A_28 : i32
      %dma_wait3A_30 = arith.constant 0 : i32
      %dma_wait3A_31 = arith.constant 0 : i32
      %dma_wait3A_32 = tpu.memref_slice %arg2[%dma_wait3A_30, %dma_wait3A_31] : memref<10240x128xf32, #tpu.memory_space<hbm>> -> memref<10240x128xf32, #tpu.memory_space<hbm>>
      tpu.wait_indirect_dma semaphore(%arg16 : memref<!tpu.dma_semaphore, #tpu.memory_space<semaphore_mem>>) src(%dma_wait3A_32 : memref<10240x128xf32, #tpu.memory_space<hbm>>) dst(%arg13 : memref<120x128xf32, #tpu.memory_space<vmem>>)
      %dma_start3A_33 = arith.constant 0 : i32
      %dma_start3A_34 = arith.constant 0 : i32
      %dma_start3A_35 = tpu.memref_slice %arg22[%dma_start3A_33, %dma_start3A_34] : memref<10240x128xf32, #tpu.memory_space<vmem_shared>> -> memref<10240x128xf32, #tpu.memory_space<vmem_shared>>
      tpu.enqueue_indirect_dma source(%arg13 : memref<120x128xf32, #tpu.memory_space<vmem>>) target(%dma_start3A_35 : memref<10240x128xf32, #tpu.memory_space<vmem_shared>>) offsets(%arg10 : memref<120xi32, #tpu.memory_space<vmem>>) semaphore(%arg19 : memref<!tpu.dma_semaphore, #tpu.memory_space<semaphore_mem>>) {add = true}
      %add3A_36 = arith.constant 3 : i32
      %add3A_37 = arith.addi %add3A_29, %add3A_36 : i32
      %sub3A = arith.constant 1 : i32
      %sub3A_38 = arith.subi %add3A_37, %sub3A : i32
      %lt3A = arith.constant 84 : i32
      %lt3A_39 = arith.cmpi slt, %sub3A_38, %lt3A : i32
      %convert_element_type3A = arith.extui %lt3A_39 : i1 to i32
      %cond3A = arith.constant 0 : i32
      %cond3A_40 = arith.cmpi ne, %convert_element_type3A, %cond3A : i32
      scf.if %cond3A_40 {
        %ge3A = arith.constant 1 : i32
        %ge3A_79 = arith.cmpi sge, %add3A_29, %ge3A : i32
        %convert_element_type3A_80 = arith.extui %ge3A_79 : i1 to i32
        %cond3A_81 = arith.constant 0 : i32
        %cond3A_82 = arith.cmpi ne, %convert_element_type3A_80, %cond3A_81 : i32
        scf.if %cond3A_82 {
          %dma_wait3A_86 = arith.constant 0 : i32
          %dma_wait3A_87 = arith.constant 0 : i32
          %dma_wait3A_88 = tpu.memref_slice %arg22[%dma_wait3A_86, %dma_wait3A_87] : memref<10240x128xf32, #tpu.memory_space<vmem_shared>> -> memref<10240x128xf32, #tpu.memory_space<vmem_shared>>
          tpu.wait_indirect_dma semaphore(%arg21 : memref<!tpu.dma_semaphore, #tpu.memory_space<semaphore_mem>>) src(%arg15 : memref<120x128xf32, #tpu.memory_space<vmem>>) dst(%dma_wait3A_88 : memref<10240x128xf32, #tpu.memory_space<vmem_shared>>)
        } else {
        }
        "tpu.region"() ({
          %run_scoped3A_86 = tpu.sem_alloc : memref<!tpu.dma_semaphore, #tpu.memory_space<semaphore_mem>>
          %dma_start3A_87 = arith.constant 0 : i32
          %dma_start3A_88 = tpu.memref_slice %arg3[%add3A, %sub3A_38, %dma_start3A_87] : memref<32x84x120xi32, #tpu.memory_space<hbm>> -> memref<1x1x120xi32, #tpu.memory_space<hbm>>
          %dma_start3A_89 = tpu.memref_squeeze %dma_start3A_88 : memref<1x1x120xi32, #tpu.memory_space<hbm>> -> memref<120xi32, #tpu.memory_space<hbm>>
          %dma_start3A_90 = arith.constant 0 : i32
          %dma_start3A_91 = tpu.memref_slice %arg3[%add3A, %sub3A_38, %dma_start3A_90] : memref<32x84x120xi32, #tpu.memory_space<hbm>> -> memref<1x1x120xi32, #tpu.memory_space<hbm>>
          %dma_start3A_92 = tpu.memref_squeeze %dma_start3A_91 : memref<1x1x120xi32, #tpu.memory_space<hbm>> -> memref<120xi32, #tpu.memory_space<hbm>>
          tpu.enqueue_dma source(%dma_start3A_92 : memref<120xi32, #tpu.memory_space<hbm>>) target(%arg9 : memref<120xi32, #tpu.memory_space<vmem>>) target_semaphore(%run_scoped3A_86 : memref<!tpu.dma_semaphore, #tpu.memory_space<semaphore_mem>>)
          %dma_wait3A_93 = arith.constant 0 : i32
          %dma_wait3A_94 = tpu.memref_slice %arg3[%add3A, %sub3A_38, %dma_wait3A_93] : memref<32x84x120xi32, #tpu.memory_space<hbm>> -> memref<1x1x120xi32, #tpu.memory_space<hbm>>
          %dma_wait3A_95 = tpu.memref_squeeze %dma_wait3A_94 : memref<1x1x120xi32, #tpu.memory_space<hbm>> -> memref<120xi32, #tpu.memory_space<hbm>>
          %dma_wait3A_96 = arith.constant 0 : i32
          %dma_wait3A_97 = tpu.memref_slice %arg3[%add3A, %sub3A_38, %dma_wait3A_96] : memref<32x84x120xi32, #tpu.memory_space<hbm>> -> memref<1x1x120xi32, #tpu.memory_space<hbm>>
          %dma_wait3A_98 = tpu.memref_squeeze %dma_wait3A_97 : memref<1x1x120xi32, #tpu.memory_space<hbm>> -> memref<120xi32, #tpu.memory_space<hbm>>
          tpu.wait_dma2 semaphore(%run_scoped3A_86 : memref<!tpu.dma_semaphore, #tpu.memory_space<semaphore_mem>>) src(%dma_wait3A_98 : memref<120xi32, #tpu.memory_space<hbm>>) dst(%arg9 : memref<120xi32, #tpu.memory_space<vmem>>)
          tpu.yield
        }) : () -> ()
        "tpu.region"() ({
          %run_scoped3A_86 = tpu.sem_alloc : memref<!tpu.dma_semaphore, #tpu.memory_space<semaphore_mem>>
          %dma_start3A_87 = arith.constant 0 : i32
          %dma_start3A_88 = tpu.memref_slice %arg4[%add3A, %sub3A_38, %dma_start3A_87] : memref<32x84x120xi32, #tpu.memory_space<hbm>> -> memref<1x1x120xi32, #tpu.memory_space<hbm>>
          %dma_start3A_89 = tpu.memref_squeeze %dma_start3A_88 : memref<1x1x120xi32, #tpu.memory_space<hbm>> -> memref<120xi32, #tpu.memory_space<hbm>>
          %dma_start3A_90 = arith.constant 0 : i32
          %dma_start3A_91 = tpu.memref_slice %arg4[%add3A, %sub3A_38, %dma_start3A_90] : memref<32x84x120xi32, #tpu.memory_space<hbm>> -> memref<1x1x120xi32, #tpu.memory_space<hbm>>
          %dma_start3A_92 = tpu.memref_squeeze %dma_start3A_91 : memref<1x1x120xi32, #tpu.memory_space<hbm>> -> memref<120xi32, #tpu.memory_space<hbm>>
          tpu.enqueue_dma source(%dma_start3A_92 : memref<120xi32, #tpu.memory_space<hbm>>) target(%arg12 : memref<120xi32, #tpu.memory_space<vmem>>) target_semaphore(%run_scoped3A_86 : memref<!tpu.dma_semaphore, #tpu.memory_space<semaphore_mem>>)
          %dma_wait3A_93 = arith.constant 0 : i32
          %dma_wait3A_94 = tpu.memref_slice %arg4[%add3A, %sub3A_38, %dma_wait3A_93] : memref<32x84x120xi32, #tpu.memory_space<hbm>> -> memref<1x1x120xi32, #tpu.memory_space<hbm>>
          %dma_wait3A_95 = tpu.memref_squeeze %dma_wait3A_94 : memref<1x1x120xi32, #tpu.memory_space<hbm>> -> memref<120xi32, #tpu.memory_space<hbm>>
          %dma_wait3A_96 = arith.constant 0 : i32
          %dma_wait3A_97 = tpu.memref_slice %arg4[%add3A, %sub3A_38, %dma_wait3A_96] : memref<32x84x120xi32, #tpu.memory_space<hbm>> -> memref<1x1x120xi32, #tpu.memory_space<hbm>>
          %dma_wait3A_98 = tpu.memref_squeeze %dma_wait3A_97 : memref<1x1x120xi32, #tpu.memory_space<hbm>> -> memref<120xi32, #tpu.memory_space<hbm>>
          tpu.wait_dma2 semaphore(%run_scoped3A_86 : memref<!tpu.dma_semaphore, #tpu.memory_space<semaphore_mem>>) src(%dma_wait3A_98 : memref<120xi32, #tpu.memory_space<hbm>>) dst(%arg12 : memref<120xi32, #tpu.memory_space<vmem>>)
          tpu.yield
        }) : () -> ()
        %dma_start3A_83 = arith.constant 0 : i32
        %dma_start3A_84 = arith.constant 0 : i32
        %dma_start3A_85 = tpu.memref_slice %arg2[%dma_start3A_83, %dma_start3A_84] : memref<10240x128xf32, #tpu.memory_space<hbm>> -> memref<10240x128xf32, #tpu.memory_space<hbm>>
        tpu.enqueue_indirect_dma source(%dma_start3A_85 : memref<10240x128xf32, #tpu.memory_space<hbm>>) target(%arg15 : memref<120x128xf32, #tpu.memory_space<vmem>>) offsets(%arg9 : memref<120xi32, #tpu.memory_space<vmem>>) semaphore(%arg18 : memref<!tpu.dma_semaphore, #tpu.memory_space<semaphore_mem>>)
      } else {
      }
      %mul3A_41 = arith.constant 3 : i32
      %mul3A_42 = arith.muli %scan3A_25, %mul3A_41 : i32
      %add3A_43 = arith.constant 1 : i32
      %add3A_44 = arith.addi %mul3A_42, %add3A_43 : i32
      %dma_wait3A_45 = arith.constant 0 : i32
      %dma_wait3A_46 = arith.constant 0 : i32
      %dma_wait3A_47 = tpu.memref_slice %arg2[%dma_wait3A_45, %dma_wait3A_46] : memref<10240x128xf32, #tpu.memory_space<hbm>> -> memref<10240x128xf32, #tpu.memory_space<hbm>>
      tpu.wait_indirect_dma semaphore(%arg17 : memref<!tpu.dma_semaphore, #tpu.memory_space<semaphore_mem>>) src(%dma_wait3A_47 : memref<10240x128xf32, #tpu.memory_space<hbm>>) dst(%arg14 : memref<120x128xf32, #tpu.memory_space<vmem>>)
      %dma_start3A_48 = arith.constant 0 : i32
      %dma_start3A_49 = arith.constant 0 : i32
      %dma_start3A_50 = tpu.memref_slice %arg22[%dma_start3A_48, %dma_start3A_49] : memref<10240x128xf32, #tpu.memory_space<vmem_shared>> -> memref<10240x128xf32, #tpu.memory_space<vmem_shared>>
      tpu.enqueue_indirect_dma source(%arg14 : memref<120x128xf32, #tpu.memory_space<vmem>>) target(%dma_start3A_50 : memref<10240x128xf32, #tpu.memory_space<vmem_shared>>) offsets(%arg11 : memref<120xi32, #tpu.memory_space<vmem>>) semaphore(%arg20 : memref<!tpu.dma_semaphore, #tpu.memory_space<semaphore_mem>>) {add = true}
      %add3A_51 = arith.constant 3 : i32
      %add3A_52 = arith.addi %add3A_44, %add3A_51 : i32
      %sub3A_53 = arith.constant 1 : i32
      %sub3A_54 = arith.subi %add3A_52, %sub3A_53 : i32
      %lt3A_55 = arith.constant 84 : i32
      %lt3A_56 = arith.cmpi slt, %sub3A_54, %lt3A_55 : i32
      %convert_element_type3A_57 = arith.extui %lt3A_56 : i1 to i32
      %cond3A_58 = arith.constant 0 : i32
      %cond3A_59 = arith.cmpi ne, %convert_element_type3A_57, %cond3A_58 : i32
      scf.if %cond3A_59 {
        %ge3A = arith.constant 1 : i32
        %ge3A_79 = arith.cmpi sge, %add3A_44, %ge3A : i32
        %convert_element_type3A_80 = arith.extui %ge3A_79 : i1 to i32
        %cond3A_81 = arith.constant 0 : i32
        %cond3A_82 = arith.cmpi ne, %convert_element_type3A_80, %cond3A_81 : i32
        scf.if %cond3A_82 {
          %dma_wait3A_86 = arith.constant 0 : i32
          %dma_wait3A_87 = arith.constant 0 : i32
          %dma_wait3A_88 = tpu.memref_slice %arg22[%dma_wait3A_86, %dma_wait3A_87] : memref<10240x128xf32, #tpu.memory_space<vmem_shared>> -> memref<10240x128xf32, #tpu.memory_space<vmem_shared>>
          tpu.wait_indirect_dma semaphore(%arg19 : memref<!tpu.dma_semaphore, #tpu.memory_space<semaphore_mem>>) src(%arg13 : memref<120x128xf32, #tpu.memory_space<vmem>>) dst(%dma_wait3A_88 : memref<10240x128xf32, #tpu.memory_space<vmem_shared>>)
        } else {
        }
        "tpu.region"() ({
          %run_scoped3A_86 = tpu.sem_alloc : memref<!tpu.dma_semaphore, #tpu.memory_space<semaphore_mem>>
          %dma_start3A_87 = arith.constant 0 : i32
          %dma_start3A_88 = tpu.memref_slice %arg3[%add3A, %sub3A_54, %dma_start3A_87] : memref<32x84x120xi32, #tpu.memory_space<hbm>> -> memref<1x1x120xi32, #tpu.memory_space<hbm>>
          %dma_start3A_89 = tpu.memref_squeeze %dma_start3A_88 : memref<1x1x120xi32, #tpu.memory_space<hbm>> -> memref<120xi32, #tpu.memory_space<hbm>>
          %dma_start3A_90 = arith.constant 0 : i32
          %dma_start3A_91 = tpu.memref_slice %arg3[%add3A, %sub3A_54, %dma_start3A_90] : memref<32x84x120xi32, #tpu.memory_space<hbm>> -> memref<1x1x120xi32, #tpu.memory_space<hbm>>
          %dma_start3A_92 = tpu.memref_squeeze %dma_start3A_91 : memref<1x1x120xi32, #tpu.memory_space<hbm>> -> memref<120xi32, #tpu.memory_space<hbm>>
          tpu.enqueue_dma source(%dma_start3A_92 : memref<120xi32, #tpu.memory_space<hbm>>) target(%arg7 : memref<120xi32, #tpu.memory_space<vmem>>) target_semaphore(%run_scoped3A_86 : memref<!tpu.dma_semaphore, #tpu.memory_space<semaphore_mem>>)
          %dma_wait3A_93 = arith.constant 0 : i32
          %dma_wait3A_94 = tpu.memref_slice %arg3[%add3A, %sub3A_54, %dma_wait3A_93] : memref<32x84x120xi32, #tpu.memory_space<hbm>> -> memref<1x1x120xi32, #tpu.memory_space<hbm>>
          %dma_wait3A_95 = tpu.memref_squeeze %dma_wait3A_94 : memref<1x1x120xi32, #tpu.memory_space<hbm>> -> memref<120xi32, #tpu.memory_space<hbm>>
          %dma_wait3A_96 = arith.constant 0 : i32
          %dma_wait3A_97 = tpu.memref_slice %arg3[%add3A, %sub3A_54, %dma_wait3A_96] : memref<32x84x120xi32, #tpu.memory_space<hbm>> -> memref<1x1x120xi32, #tpu.memory_space<hbm>>
          %dma_wait3A_98 = tpu.memref_squeeze %dma_wait3A_97 : memref<1x1x120xi32, #tpu.memory_space<hbm>> -> memref<120xi32, #tpu.memory_space<hbm>>
          tpu.wait_dma2 semaphore(%run_scoped3A_86 : memref<!tpu.dma_semaphore, #tpu.memory_space<semaphore_mem>>) src(%dma_wait3A_98 : memref<120xi32, #tpu.memory_space<hbm>>) dst(%arg7 : memref<120xi32, #tpu.memory_space<vmem>>)
          tpu.yield
        }) : () -> ()
        "tpu.region"() ({
          %run_scoped3A_86 = tpu.sem_alloc : memref<!tpu.dma_semaphore, #tpu.memory_space<semaphore_mem>>
          %dma_start3A_87 = arith.constant 0 : i32
          %dma_start3A_88 = tpu.memref_slice %arg4[%add3A, %sub3A_54, %dma_start3A_87] : memref<32x84x120xi32, #tpu.memory_space<hbm>> -> memref<1x1x120xi32, #tpu.memory_space<hbm>>
          %dma_start3A_89 = tpu.memref_squeeze %dma_start3A_88 : memref<1x1x120xi32, #tpu.memory_space<hbm>> -> memref<120xi32, #tpu.memory_space<hbm>>
          %dma_start3A_90 = arith.constant 0 : i32
          %dma_start3A_91 = tpu.memref_slice %arg4[%add3A, %sub3A_54, %dma_start3A_90] : memref<32x84x120xi32, #tpu.memory_space<hbm>> -> memref<1x1x120xi32, #tpu.memory_space<hbm>>
          %dma_start3A_92 = tpu.memref_squeeze %dma_start3A_91 : memref<1x1x120xi32, #tpu.memory_space<hbm>> -> memref<120xi32, #tpu.memory_space<hbm>>
          tpu.enqueue_dma source(%dma_start3A_92 : memref<120xi32, #tpu.memory_space<hbm>>) target(%arg10 : memref<120xi32, #tpu.memory_space<vmem>>) target_semaphore(%run_scoped3A_86 : memref<!tpu.dma_semaphore, #tpu.memory_space<semaphore_mem>>)
          %dma_wait3A_93 = arith.constant 0 : i32
          %dma_wait3A_94 = tpu.memref_slice %arg4[%add3A, %sub3A_54, %dma_wait3A_93] : memref<32x84x120xi32, #tpu.memory_space<hbm>> -> memref<1x1x120xi32, #tpu.memory_space<hbm>>
          %dma_wait3A_95 = tpu.memref_squeeze %dma_wait3A_94 : memref<1x1x120xi32, #tpu.memory_space<hbm>> -> memref<120xi32, #tpu.memory_space<hbm>>
          %dma_wait3A_96 = arith.constant 0 : i32
          %dma_wait3A_97 = tpu.memref_slice %arg4[%add3A, %sub3A_54, %dma_wait3A_96] : memref<32x84x120xi32, #tpu.memory_space<hbm>> -> memref<1x1x120xi32, #tpu.memory_space<hbm>>
          %dma_wait3A_98 = tpu.memref_squeeze %dma_wait3A_97 : memref<1x1x120xi32, #tpu.memory_space<hbm>> -> memref<120xi32, #tpu.memory_space<hbm>>
          tpu.wait_dma2 semaphore(%run_scoped3A_86 : memref<!tpu.dma_semaphore, #tpu.memory_space<semaphore_mem>>) src(%dma_wait3A_98 : memref<120xi32, #tpu.memory_space<hbm>>) dst(%arg10 : memref<120xi32, #tpu.memory_space<vmem>>)
          tpu.yield
        }) : () -> ()
        %dma_start3A_83 = arith.constant 0 : i32
        %dma_start3A_84 = arith.constant 0 : i32
        %dma_start3A_85 = tpu.memref_slice %arg2[%dma_start3A_83, %dma_start3A_84] : memref<10240x128xf32, #tpu.memory_space<hbm>> -> memref<10240x128xf32, #tpu.memory_space<hbm>>
        tpu.enqueue_indirect_dma source(%dma_start3A_85 : memref<10240x128xf32, #tpu.memory_space<hbm>>) target(%arg13 : memref<120x128xf32, #tpu.memory_space<vmem>>) offsets(%arg7 : memref<120xi32, #tpu.memory_space<vmem>>) semaphore(%arg16 : memref<!tpu.dma_semaphore, #tpu.memory_space<semaphore_mem>>)
      } else {
      }
      %mul3A_60 = arith.constant 3 : i32
      %mul3A_61 = arith.muli %scan3A_25, %mul3A_60 : i32
      %add3A_62 = arith.constant 2 : i32
      %add3A_63 = arith.addi %mul3A_61, %add3A_62 : i32
      %dma_wait3A_64 = arith.constant 0 : i32
      %dma_wait3A_65 = arith.constant 0 : i32
      %dma_wait3A_66 = tpu.memref_slice %arg2[%dma_wait3A_64, %dma_wait3A_65] : memref<10240x128xf32, #tpu.memory_space<hbm>> -> memref<10240x128xf32, #tpu.memory_space<hbm>>
      tpu.wait_indirect_dma semaphore(%arg18 : memref<!tpu.dma_semaphore, #tpu.memory_space<semaphore_mem>>) src(%dma_wait3A_66 : memref<10240x128xf32, #tpu.memory_space<hbm>>) dst(%arg15 : memref<120x128xf32, #tpu.memory_space<vmem>>)
      %dma_start3A_67 = arith.constant 0 : i32
      %dma_start3A_68 = arith.constant 0 : i32
      %dma_start3A_69 = tpu.memref_slice %arg22[%dma_start3A_67, %dma_start3A_68] : memref<10240x128xf32, #tpu.memory_space<vmem_shared>> -> memref<10240x128xf32, #tpu.memory_space<vmem_shared>>
      tpu.enqueue_indirect_dma source(%arg15 : memref<120x128xf32, #tpu.memory_space<vmem>>) target(%dma_start3A_69 : memref<10240x128xf32, #tpu.memory_space<vmem_shared>>) offsets(%arg12 : memref<120xi32, #tpu.memory_space<vmem>>) semaphore(%arg21 : memref<!tpu.dma_semaphore, #tpu.memory_space<semaphore_mem>>) {add = true}
      %add3A_70 = arith.constant 3 : i32
      %add3A_71 = arith.addi %add3A_63, %add3A_70 : i32
      %sub3A_72 = arith.constant 1 : i32
      %sub3A_73 = arith.subi %add3A_71, %sub3A_72 : i32
      %lt3A_74 = arith.constant 84 : i32
      %lt3A_75 = arith.cmpi slt, %sub3A_73, %lt3A_74 : i32
      %convert_element_type3A_76 = arith.extui %lt3A_75 : i1 to i32
      %cond3A_77 = arith.constant 0 : i32
      %cond3A_78 = arith.cmpi ne, %convert_element_type3A_76, %cond3A_77 : i32
      scf.if %cond3A_78 {
        %ge3A = arith.constant 1 : i32
        %ge3A_79 = arith.cmpi sge, %add3A_63, %ge3A : i32
        %convert_element_type3A_80 = arith.extui %ge3A_79 : i1 to i32
        %cond3A_81 = arith.constant 0 : i32
        %cond3A_82 = arith.cmpi ne, %convert_element_type3A_80, %cond3A_81 : i32
        scf.if %cond3A_82 {
          %dma_wait3A_86 = arith.constant 0 : i32
          %dma_wait3A_87 = arith.constant 0 : i32
          %dma_wait3A_88 = tpu.memref_slice %arg22[%dma_wait3A_86, %dma_wait3A_87] : memref<10240x128xf32, #tpu.memory_space<vmem_shared>> -> memref<10240x128xf32, #tpu.memory_space<vmem_shared>>
          tpu.wait_indirect_dma semaphore(%arg20 : memref<!tpu.dma_semaphore, #tpu.memory_space<semaphore_mem>>) src(%arg14 : memref<120x128xf32, #tpu.memory_space<vmem>>) dst(%dma_wait3A_88 : memref<10240x128xf32, #tpu.memory_space<vmem_shared>>)
        } else {
        }
        "tpu.region"() ({
          %run_scoped3A_86 = tpu.sem_alloc : memref<!tpu.dma_semaphore, #tpu.memory_space<semaphore_mem>>
          %dma_start3A_87 = arith.constant 0 : i32
          %dma_start3A_88 = tpu.memref_slice %arg3[%add3A, %sub3A_73, %dma_start3A_87] : memref<32x84x120xi32, #tpu.memory_space<hbm>> -> memref<1x1x120xi32, #tpu.memory_space<hbm>>
          %dma_start3A_89 = tpu.memref_squeeze %dma_start3A_88 : memref<1x1x120xi32, #tpu.memory_space<hbm>> -> memref<120xi32, #tpu.memory_space<hbm>>
          %dma_start3A_90 = arith.constant 0 : i32
          %dma_start3A_91 = tpu.memref_slice %arg3[%add3A, %sub3A_73, %dma_start3A_90] : memref<32x84x120xi32, #tpu.memory_space<hbm>> -> memref<1x1x120xi32, #tpu.memory_space<hbm>>
          %dma_start3A_92 = tpu.memref_squeeze %dma_start3A_91 : memref<1x1x120xi32, #tpu.memory_space<hbm>> -> memref<120xi32, #tpu.memory_space<hbm>>
          tpu.enqueue_dma source(%dma_start3A_92 : memref<120xi32, #tpu.memory_space<hbm>>) target(%arg8 : memref<120xi32, #tpu.memory_space<vmem>>) target_semaphore(%run_scoped3A_86 : memref<!tpu.dma_semaphore, #tpu.memory_space<semaphore_mem>>)
          %dma_wait3A_93 = arith.constant 0 : i32
          %dma_wait3A_94 = tpu.memref_slice %arg3[%add3A, %sub3A_73, %dma_wait3A_93] : memref<32x84x120xi32, #tpu.memory_space<hbm>> -> memref<1x1x120xi32, #tpu.memory_space<hbm>>
          %dma_wait3A_95 = tpu.memref_squeeze %dma_wait3A_94 : memref<1x1x120xi32, #tpu.memory_space<hbm>> -> memref<120xi32, #tpu.memory_space<hbm>>
          %dma_wait3A_96 = arith.constant 0 : i32
          %dma_wait3A_97 = tpu.memref_slice %arg3[%add3A, %sub3A_73, %dma_wait3A_96] : memref<32x84x120xi32, #tpu.memory_space<hbm>> -> memref<1x1x120xi32, #tpu.memory_space<hbm>>
          %dma_wait3A_98 = tpu.memref_squeeze %dma_wait3A_97 : memref<1x1x120xi32, #tpu.memory_space<hbm>> -> memref<120xi32, #tpu.memory_space<hbm>>
          tpu.wait_dma2 semaphore(%run_scoped3A_86 : memref<!tpu.dma_semaphore, #tpu.memory_space<semaphore_mem>>) src(%dma_wait3A_98 : memref<120xi32, #tpu.memory_space<hbm>>) dst(%arg8 : memref<120xi32, #tpu.memory_space<vmem>>)
          tpu.yield
        }) : () -> ()
        "tpu.region"() ({
          %run_scoped3A_86 = tpu.sem_alloc : memref<!tpu.dma_semaphore, #tpu.memory_space<semaphore_mem>>
          %dma_start3A_87 = arith.constant 0 : i32
          %dma_start3A_88 = tpu.memref_slice %arg4[%add3A, %sub3A_73, %dma_start3A_87] : memref<32x84x120xi32, #tpu.memory_space<hbm>> -> memref<1x1x120xi32, #tpu.memory_space<hbm>>
          %dma_start3A_89 = tpu.memref_squeeze %dma_start3A_88 : memref<1x1x120xi32, #tpu.memory_space<hbm>> -> memref<120xi32, #tpu.memory_space<hbm>>
          %dma_start3A_90 = arith.constant 0 : i32
          %dma_start3A_91 = tpu.memref_slice %arg4[%add3A, %sub3A_73, %dma_start3A_90] : memref<32x84x120xi32, #tpu.memory_space<hbm>> -> memref<1x1x120xi32, #tpu.memory_space<hbm>>
          %dma_start3A_92 = tpu.memref_squeeze %dma_start3A_91 : memref<1x1x120xi32, #tpu.memory_space<hbm>> -> memref<120xi32, #tpu.memory_space<hbm>>
          tpu.enqueue_dma source(%dma_start3A_92 : memref<120xi32, #tpu.memory_space<hbm>>) target(%arg11 : memref<120xi32, #tpu.memory_space<vmem>>) target_semaphore(%run_scoped3A_86 : memref<!tpu.dma_semaphore, #tpu.memory_space<semaphore_mem>>)
          %dma_wait3A_93 = arith.constant 0 : i32
          %dma_wait3A_94 = tpu.memref_slice %arg4[%add3A, %sub3A_73, %dma_wait3A_93] : memref<32x84x120xi32, #tpu.memory_space<hbm>> -> memref<1x1x120xi32, #tpu.memory_space<hbm>>
          %dma_wait3A_95 = tpu.memref_squeeze %dma_wait3A_94 : memref<1x1x120xi32, #tpu.memory_space<hbm>> -> memref<120xi32, #tpu.memory_space<hbm>>
          %dma_wait3A_96 = arith.constant 0 : i32
          %dma_wait3A_97 = tpu.memref_slice %arg4[%add3A, %sub3A_73, %dma_wait3A_96] : memref<32x84x120xi32, #tpu.memory_space<hbm>> -> memref<1x1x120xi32, #tpu.memory_space<hbm>>
          %dma_wait3A_98 = tpu.memref_squeeze %dma_wait3A_97 : memref<1x1x120xi32, #tpu.memory_space<hbm>> -> memref<120xi32, #tpu.memory_space<hbm>>
          tpu.wait_dma2 semaphore(%run_scoped3A_86 : memref<!tpu.dma_semaphore, #tpu.memory_space<semaphore_mem>>) src(%dma_wait3A_98 : memref<120xi32, #tpu.memory_space<hbm>>) dst(%arg11 : memref<120xi32, #tpu.memory_space<vmem>>)
          tpu.yield
        }) : () -> ()
        %dma_start3A_83 = arith.constant 0 : i32
        %dma_start3A_84 = arith.constant 0 : i32
        %dma_start3A_85 = tpu.memref_slice %arg2[%dma_start3A_83, %dma_start3A_84] : memref<10240x128xf32, #tpu.memory_space<hbm>> -> memref<10240x128xf32, #tpu.memory_space<hbm>>
        tpu.enqueue_indirect_dma source(%dma_start3A_85 : memref<10240x128xf32, #tpu.memory_space<hbm>>) target(%arg14 : memref<120x128xf32, #tpu.memory_space<vmem>>) offsets(%arg8 : memref<120xi32, #tpu.memory_space<vmem>>) semaphore(%arg17 : memref<!tpu.dma_semaphore, #tpu.memory_space<semaphore_mem>>)
      } else {
      }
    }
    %scan3A_15 = arith.constant 28 : i32
    %dma_wait3A = arith.constant 0 : i32
    %dma_wait3A_16 = arith.constant 0 : i32
    %dma_wait3A_17 = tpu.memref_slice %arg22[%dma_wait3A, %dma_wait3A_16] : memref<10240x128xf32, #tpu.memory_space<vmem_shared>> -> memref<10240x128xf32, #tpu.memory_space<vmem_shared>>
    tpu.wait_indirect_dma semaphore(%arg19 : memref<!tpu.dma_semaphore, #tpu.memory_space<semaphore_mem>>) src(%arg13 : memref<120x128xf32, #tpu.memory_space<vmem>>) dst(%dma_wait3A_17 : memref<10240x128xf32, #tpu.memory_space<vmem_shared>>)
    %dma_wait3A_18 = arith.constant 0 : i32
    %dma_wait3A_19 = arith.constant 0 : i32
    %dma_wait3A_20 = tpu.memref_slice %arg22[%dma_wait3A_18, %dma_wait3A_19] : memref<10240x128xf32, #tpu.memory_space<vmem_shared>> -> memref<10240x128xf32, #tpu.memory_space<vmem_shared>>
    tpu.wait_indirect_dma semaphore(%arg20 : memref<!tpu.dma_semaphore, #tpu.memory_space<semaphore_mem>>) src(%arg14 : memref<120x128xf32, #tpu.memory_space<vmem>>) dst(%dma_wait3A_20 : memref<10240x128xf32, #tpu.memory_space<vmem_shared>>)
    %dma_wait3A_21 = arith.constant 0 : i32
    %dma_wait3A_22 = arith.constant 0 : i32
    %dma_wait3A_23 = tpu.memref_slice %arg22[%dma_wait3A_21, %dma_wait3A_22] : memref<10240x128xf32, #tpu.memory_space<vmem_shared>> -> memref<10240x128xf32, #tpu.memory_space<vmem_shared>>
    tpu.wait_indirect_dma semaphore(%arg21 : memref<!tpu.dma_semaphore, #tpu.memory_space<semaphore_mem>>) src(%arg15 : memref<120x128xf32, #tpu.memory_space<vmem>>) dst(%dma_wait3A_23 : memref<10240x128xf32, #tpu.memory_space<vmem_shared>>)
    %barrier3A_24 = arith.constant 0 : index
    tpu.barrier barrier_id(%barrier3A_24)
    "tpu.region"() ({
      %run_scoped3A_25 = tpu.sem_alloc : memref<!tpu.dma_semaphore, #tpu.memory_space<semaphore_mem>>
      %dma_start3A_26 = arith.constant 0 : i32
      %dma_start3A_27 = tpu.memref_slice %arg6[%arg0, %mul3A_2, %dma_start3A_26] : memref<2x10240x128xf32, #tpu.memory_space<hbm>> -> memref<1x640x128xf32, #tpu.memory_space<hbm>>
      %dma_start3A_28 = tpu.memref_squeeze %dma_start3A_27 : memref<1x640x128xf32, #tpu.memory_space<hbm>> -> memref<640x128xf32, #tpu.memory_space<hbm>>
      %dma_start3A_29 = arith.constant 0 : i32
      %dma_start3A_30 = tpu.memref_slice %arg22[%mul3A_2, %dma_start3A_29] : memref<10240x128xf32, #tpu.memory_space<vmem_shared>> -> memref<640x128xf32, #tpu.memory_space<vmem_shared>>
      tpu.enqueue_dma source(%dma_start3A_30 : memref<640x128xf32, #tpu.memory_space<vmem_shared>>) target(%dma_start3A_28 : memref<640x128xf32, #tpu.memory_space<hbm>>) target_semaphore(%run_scoped3A_25 : memref<!tpu.dma_semaphore, #tpu.memory_space<semaphore_mem>>)
      %dma_wait3A_31 = arith.constant 0 : i32
      %dma_wait3A_32 = tpu.memref_slice %arg6[%arg0, %mul3A_2, %dma_wait3A_31] : memref<2x10240x128xf32, #tpu.memory_space<hbm>> -> memref<1x640x128xf32, #tpu.memory_space<hbm>>
      %dma_wait3A_33 = tpu.memref_squeeze %dma_wait3A_32 : memref<1x640x128xf32, #tpu.memory_space<hbm>> -> memref<640x128xf32, #tpu.memory_space<hbm>>
      %dma_wait3A_34 = arith.constant 0 : i32
      %dma_wait3A_35 = tpu.memref_slice %arg22[%mul3A_2, %dma_wait3A_34] : memref<10240x128xf32, #tpu.memory_space<vmem_shared>> -> memref<640x128xf32, #tpu.memory_space<vmem_shared>>
      tpu.wait_dma2 semaphore(%run_scoped3A_25 : memref<!tpu.dma_semaphore, #tpu.memory_space<semaphore_mem>>) src(%dma_wait3A_35 : memref<640x128xf32, #tpu.memory_space<vmem_shared>>) dst(%dma_wait3A_33 : memref<640x128xf32, #tpu.memory_space<hbm>>)
      tpu.yield
    }) : () -> ()
    return
  }
}

module attributes {stable_mosaic.version = 14 : i64} {
  func.func @body(%arg0: memref<10240x128xf32, #tpu.memory_space<vmem>>, %arg1: memref<128x128xf32, #tpu.memory_space<vmem>>, %arg2: memref<64x128xf32, #tpu.memory_space<vmem>>, %arg3: memref<64xf32, #tpu.memory_space<vmem>>, %arg4: memref<10240x128xf32, #tpu.memory_space<vmem>>, %arg5: memref<10240x64xf32, #tpu.memory_space<vmem>>) attributes {dimension_semantics = [], scalar_prefetch = 0 : i64, scratch_operands = 0 : i64, tpu.core_type = #tpu.core_type<tc>} {
    %get3A = arith.constant 0 : index
    %get3A_0 = arith.constant 0 : index
    %get3A_1 = vector.load %arg0[%get3A, %get3A_0] : memref<10240x128xf32, #tpu.memory_space<vmem>>, vector<10240x128xf32>
    %get3A_2 = arith.constant 0 : index
    %get3A_3 = arith.constant 0 : index
    %get3A_4 = vector.load %arg1[%get3A_2, %get3A_3] : memref<128x128xf32, #tpu.memory_space<vmem>>, vector<128x128xf32>
    %dot_general3A = arith.constant dense<0.000000e+00> : vector<10240x128xf32>
    %dot_general3A_5 = tpu.matmul %get3A_1, %get3A_4, %dot_general3A {dimension_numbers = #tpu.dot_dimension_numbers<[1], [1], [0], [0], [0, 0, 1, 0], [], []>, transpose_lhs_hint = false} : vector<10240x128xf32>, vector<128x128xf32>, vector<10240x128xf32> -> vector<10240x128xf32>
    %swap3A = arith.constant 0 : index
    %swap3A_6 = arith.constant 0 : index
    %swap3A_7 = vector.load %arg4[%swap3A, %swap3A_6] : memref<10240x128xf32, #tpu.memory_space<vmem>>, vector<10240x128xf32>
    tpu.vector_store %arg4[%swap3A, %swap3A_6], %dot_general3A_5 {strides = array<i32>} : memref<10240x128xf32, #tpu.memory_space<vmem>>, vector<10240x128xf32>,
    %get3A_8 = arith.constant 0 : index
    %get3A_9 = arith.constant 0 : index
    %get3A_10 = vector.load %arg2[%get3A_8, %get3A_9] : memref<64x128xf32, #tpu.memory_space<vmem>>, vector<64x128xf32>
    %dot_general3A_11 = arith.constant dense<0.000000e+00> : vector<10240x64xf32>
    %dot_general3A_12 = tpu.matmul %get3A_1, %get3A_10, %dot_general3A_11 {dimension_numbers = #tpu.dot_dimension_numbers<[1], [1], [0], [0], [0, 0, 1, 0], [], []>, transpose_lhs_hint = false} : vector<10240x128xf32>, vector<64x128xf32>, vector<10240x64xf32> -> vector<10240x64xf32>
    %get3A_13 = arith.constant 0 : index
    %get3A_14 = vector.load %arg3[%get3A_13] : memref<64xf32, #tpu.memory_space<vmem>>, vector<64xf32>
    %broadcast_in_dim3A = vector.shape_cast %get3A_14 : vector<64xf32> to vector<1x64xf32>
    %add3A = vector.broadcast %broadcast_in_dim3A : vector<1x64xf32> to vector<10240x64xf32>
    %add3A_15 = arith.addf %dot_general3A_12, %add3A : vector<10240x64xf32>
    %swap3A_16 = arith.constant 0 : index
    %swap3A_17 = arith.constant 0 : index
    %swap3A_18 = vector.load %arg5[%swap3A_16, %swap3A_17] : memref<10240x64xf32, #tpu.memory_space<vmem>>, vector<10240x64xf32>
    tpu.vector_store %arg5[%swap3A_16, %swap3A_17], %add3A_15 {strides = array<i32>} : memref<10240x64xf32, #tpu.memory_space<vmem>>, vector<10240x64xf32>,
    return
  }
}

module attributes {stable_mosaic.version = 14 : i64} {
  func.func @body(%arg0: memref<2x10240x128xf32, #tpu.memory_space<vmem>>, %arg1: memref<10240x128xf32, #tpu.memory_space<vmem>>, %arg2: memref<10240x1xf32, #tpu.memory_space<vmem>>, %arg3: memref<10240x128xf32, #tpu.memory_space<vmem>>) attributes {dimension_semantics = [], scalar_prefetch = 0 : i64, scratch_operands = 0 : i64, tpu.core_type = #tpu.core_type<tc>} {
    %get3A = arith.constant 0 : index
    %get3A_0 = arith.constant 0 : index
    %get3A_1 = arith.constant 0 : index
    %get3A_2 = vector.load %arg0[%get3A, %get3A_0, %get3A_1] : memref<2x10240x128xf32, #tpu.memory_space<vmem>>, vector<1x10240x1xf32>
    %get3A_3 = vector.shape_cast %get3A_2 : vector<1x10240x1xf32> to vector<10240x1xf32>
    %get3A_4 = arith.constant 1 : index
    %get3A_5 = arith.constant 0 : index
    %get3A_6 = arith.constant 0 : index
    %get3A_7 = vector.load %arg0[%get3A_4, %get3A_5, %get3A_6] : memref<2x10240x128xf32, #tpu.memory_space<vmem>>, vector<1x10240x1xf32>
    %get3A_8 = vector.shape_cast %get3A_7 : vector<1x10240x1xf32> to vector<10240x1xf32>
    %add3A = arith.addf %get3A_3, %get3A_8 : vector<10240x1xf32>
    %add3A_9 = arith.constant 1.000000e+00 : f32
    %add3A_10 = vector.broadcast %add3A_9 : f32 to vector<10240x1xf32>
    %add3A_11 = arith.addf %add3A, %add3A_10 : vector<10240x1xf32>
    %rsqrt3A = math.rsqrt %add3A_11 : vector<10240x1xf32>
    %swap3A = arith.constant 0 : index
    %swap3A_12 = arith.constant 0 : index
    %swap3A_13 = vector.load %arg2[%swap3A, %swap3A_12] : memref<10240x1xf32, #tpu.memory_space<vmem>>, vector<10240x1xf32>
    tpu.vector_store %arg2[%swap3A, %swap3A_12], %rsqrt3A {strides = array<i32>} : memref<10240x1xf32, #tpu.memory_space<vmem>>, vector<10240x1xf32>,
    %get3A_14 = arith.constant 0 : index
    %get3A_15 = arith.constant 0 : index
    %get3A_16 = vector.load %arg1[%get3A_14, %get3A_15] : memref<10240x128xf32, #tpu.memory_space<vmem>>, vector<10240x128xf32>
    %mul3A = vector.broadcast %rsqrt3A : vector<10240x1xf32> to vector<10240x128xf32>
    %mul3A_17 = arith.mulf %mul3A, %get3A_16 : vector<10240x128xf32>
    %swap3A_18 = arith.constant 0 : index
    %swap3A_19 = arith.constant 0 : index
    %swap3A_20 = vector.load %arg3[%swap3A_18, %swap3A_19] : memref<10240x128xf32, #tpu.memory_space<vmem>>, vector<10240x128xf32>
    tpu.vector_store %arg3[%swap3A_18, %swap3A_19], %mul3A_17 {strides = array<i32>} : memref<10240x128xf32, #tpu.memory_space<vmem>>, vector<10240x128xf32>,
    return
  }
}

module attributes {stable_mosaic.version = 14 : i64} {
  func.func @body(%arg0: memref<10240x1xf32, #tpu.memory_space<vmem>>, %arg1: memref<2x10240x128xf32, #tpu.memory_space<vmem>>, %arg2: memref<10240x128xf32, #tpu.memory_space<vmem>>, %arg3: memref<128xf32, #tpu.memory_space<vmem>>, %arg4: memref<128xf32, #tpu.memory_space<vmem>>, %arg5: memref<128xf32, #tpu.memory_space<vmem>>, %arg6: memref<128x128xf32, #tpu.memory_space<vmem>>, %arg7: memref<10240x128xf32, #tpu.memory_space<vmem>>) attributes {dimension_semantics = [], scalar_prefetch = 0 : i64, scratch_operands = 0 : i64, tpu.core_type = #tpu.core_type<tc>} {
    %get3A = arith.constant 0 : index
    %get3A_0 = arith.constant 0 : index
    %get3A_1 = vector.load %arg0[%get3A, %get3A_0] : memref<10240x1xf32, #tpu.memory_space<vmem>>, vector<10240x1xf32>
    %get3A_2 = arith.constant 0 : index
    %get3A_3 = arith.constant 0 : index
    %get3A_4 = arith.constant 0 : index
    %get3A_5 = vector.load %arg1[%get3A_2, %get3A_3, %get3A_4] : memref<2x10240x128xf32, #tpu.memory_space<vmem>>, vector<1x10240x128xf32>
    %get3A_6 = vector.shape_cast %get3A_5 : vector<1x10240x128xf32> to vector<10240x128xf32>
    %get3A_7 = arith.constant 1 : index
    %get3A_8 = arith.constant 0 : index
    %get3A_9 = arith.constant 0 : index
    %get3A_10 = vector.load %arg1[%get3A_7, %get3A_8, %get3A_9] : memref<2x10240x128xf32, #tpu.memory_space<vmem>>, vector<1x10240x128xf32>
    %get3A_11 = vector.shape_cast %get3A_10 : vector<1x10240x128xf32> to vector<10240x128xf32>
    %add3A = arith.addf %get3A_6, %get3A_11 : vector<10240x128xf32>
    %get3A_12 = arith.constant 0 : index
    %get3A_13 = arith.constant 0 : index
    %get3A_14 = vector.load %arg2[%get3A_12, %get3A_13] : memref<10240x128xf32, #tpu.memory_space<vmem>>, vector<10240x128xf32>
    %add3A_15 = arith.addf %add3A, %get3A_14 : vector<10240x128xf32>
    %mul3A = vector.broadcast %get3A_1 : vector<10240x1xf32> to vector<10240x128xf32>
    %mul3A_16 = arith.mulf %mul3A, %add3A_15 : vector<10240x128xf32>
    %get3A_17 = arith.constant 0 : index
    %get3A_18 = vector.load %arg3[%get3A_17] : memref<128xf32, #tpu.memory_space<vmem>>, vector<128xf32>
    %broadcast_in_dim3A = vector.shape_cast %get3A_18 : vector<128xf32> to vector<1x128xf32>
    %add3A_19 = vector.broadcast %broadcast_in_dim3A : vector<1x128xf32> to vector<10240x128xf32>
    %add3A_20 = arith.addf %mul3A_16, %add3A_19 : vector<10240x128xf32>
    %slice3A = vector.extract_strided_slice %add3A_20 {offsets = [0, 0], sizes = [10000, 128], strides = [1, 1]} : vector<10240x128xf32> to vector<10000x128xf32>
    %reduce_sum3A = arith.constant dense<0.000000e+00> : vector<128xf32>
    %reduce_sum3A_21 = vector.multi_reduction <add>, %slice3A, %reduce_sum3A [0] : vector<10000x128xf32> to vector<128xf32>
    %broadcast_in_dim3A_22 = vector.shape_cast %reduce_sum3A_21 : vector<128xf32> to vector<1x128xf32>
    %mul3A_23 = arith.constant 9.99999974E-5 : f32
    %mul3A_24 = vector.broadcast %mul3A_23 : f32 to vector<1x128xf32>
    %mul3A_25 = arith.mulf %broadcast_in_dim3A_22, %mul3A_24 : vector<1x128xf32>
    %sub3A = vector.broadcast %mul3A_25 : vector<1x128xf32> to vector<10000x128xf32>
    %sub3A_26 = arith.subf %slice3A, %sub3A : vector<10000x128xf32>
    %integer_pow3A = arith.mulf %sub3A_26, %sub3A_26 : vector<10000x128xf32>
    %reduce_sum3A_27 = arith.constant dense<0.000000e+00> : vector<128xf32>
    %reduce_sum3A_28 = vector.multi_reduction <add>, %integer_pow3A, %reduce_sum3A_27 [0] : vector<10000x128xf32> to vector<128xf32>
    %broadcast_in_dim3A_29 = vector.shape_cast %reduce_sum3A_28 : vector<128xf32> to vector<1x128xf32>
    %mul3A_30 = arith.constant 9.99999974E-5 : f32
    %mul3A_31 = vector.broadcast %mul3A_30 : f32 to vector<1x128xf32>
    %mul3A_32 = arith.mulf %broadcast_in_dim3A_29, %mul3A_31 : vector<1x128xf32>
    %sub3A_33 = vector.broadcast %mul3A_25 : vector<1x128xf32> to vector<10240x128xf32>
    %sub3A_34 = arith.subf %add3A_20, %sub3A_33 : vector<10240x128xf32>
    %add3A_35 = arith.constant 9.99999974E-6 : f32
    %add3A_36 = vector.broadcast %add3A_35 : f32 to vector<1x128xf32>
    %add3A_37 = arith.addf %mul3A_32, %add3A_36 : vector<1x128xf32>
    %rsqrt3A = math.rsqrt %add3A_37 : vector<1x128xf32>
    %mul3A_38 = vector.broadcast %rsqrt3A : vector<1x128xf32> to vector<10240x128xf32>
    %mul3A_39 = arith.mulf %sub3A_34, %mul3A_38 : vector<10240x128xf32>
    %get3A_40 = arith.constant 0 : index
    %get3A_41 = vector.load %arg4[%get3A_40] : memref<128xf32, #tpu.memory_space<vmem>>, vector<128xf32>
    %broadcast_in_dim3A_42 = vector.shape_cast %get3A_41 : vector<128xf32> to vector<1x128xf32>
    %mul3A_43 = vector.broadcast %broadcast_in_dim3A_42 : vector<1x128xf32> to vector<10240x128xf32>
    %mul3A_44 = arith.mulf %mul3A_39, %mul3A_43 : vector<10240x128xf32>
    %get3A_45 = arith.constant 0 : index
    %get3A_46 = vector.load %arg5[%get3A_45] : memref<128xf32, #tpu.memory_space<vmem>>, vector<128xf32>
    %broadcast_in_dim3A_47 = vector.shape_cast %get3A_46 : vector<128xf32> to vector<1x128xf32>
    %add3A_48 = vector.broadcast %broadcast_in_dim3A_47 : vector<1x128xf32> to vector<10240x128xf32>
    %add3A_49 = arith.addf %mul3A_44, %add3A_48 : vector<10240x128xf32>
    %gt3A = arith.constant 0.000000e+00 : f32
    %gt3A_50 = vector.broadcast %gt3A : f32 to vector<10240x128xf32>
    %gt3A_51 = arith.cmpf ogt, %add3A_49, %gt3A_50 : vector<10240x128xf32>
    %min3A = arith.constant 0.000000e+00 : f32
    %min3A_52 = vector.broadcast %min3A : f32 to vector<10240x128xf32>
    %min3A_53 = arith.minimumf %add3A_49, %min3A_52 : vector<10240x128xf32>
    %exp3A = math.exp %min3A_53 : vector<10240x128xf32>
    %sub3A_54 = arith.constant 1.000000e+00 : f32
    %sub3A_55 = vector.broadcast %sub3A_54 : f32 to vector<10240x128xf32>
    %sub3A_56 = arith.subf %exp3A, %sub3A_55 : vector<10240x128xf32>
    %select_n3A = arith.select %gt3A_51, %add3A_49, %sub3A_56 : vector<10240x128xi1>, vector<10240x128xf32>
    %get3A_57 = arith.constant 0 : index
    %get3A_58 = arith.constant 0 : index
    %get3A_59 = vector.load %arg6[%get3A_57, %get3A_58] : memref<128x128xf32, #tpu.memory_space<vmem>>, vector<128x128xf32>
    %dot_general3A = arith.constant dense<0.000000e+00> : vector<10240x128xf32>
    %dot_general3A_60 = tpu.matmul %select_n3A, %get3A_59, %dot_general3A {dimension_numbers = #tpu.dot_dimension_numbers<[1], [1], [0], [0], [0, 0, 1, 0], [], []>, transpose_lhs_hint = false} : vector<10240x128xf32>, vector<128x128xf32>, vector<10240x128xf32> -> vector<10240x128xf32>
    %mul3A_61 = vector.broadcast %get3A_1 : vector<10240x1xf32> to vector<10240x128xf32>
    %mul3A_62 = arith.mulf %mul3A_61, %dot_general3A_60 : vector<10240x128xf32>
    %swap3A = arith.constant 0 : index
    %swap3A_63 = arith.constant 0 : index
    %swap3A_64 = vector.load %arg7[%swap3A, %swap3A_63] : memref<10240x128xf32, #tpu.memory_space<vmem>>, vector<10240x128xf32>
    tpu.vector_store %arg7[%swap3A, %swap3A_63], %mul3A_62 {strides = array<i32>} : memref<10240x128xf32, #tpu.memory_space<vmem>>, vector<10240x128xf32>,
    return
  }
}

module attributes {stable_mosaic.version = 14 : i64} {
  func.func @body(%arg0: memref<10240x1xf32, #tpu.memory_space<vmem>>, %arg1: memref<2x10240x128xf32, #tpu.memory_space<vmem>>, %arg2: memref<10240x128xf32, #tpu.memory_space<vmem>>, %arg3: memref<64xf32, #tpu.memory_space<vmem>>, %arg4: memref<10240x64xf32, #tpu.memory_space<vmem>>, %arg5: memref<10000x64xf32, #tpu.memory_space<vmem>>) attributes {dimension_semantics = [], scalar_prefetch = 0 : i64, scratch_operands = 0 : i64, tpu.core_type = #tpu.core_type<tc>} {
    %get3A = arith.constant 0 : index
    %get3A_0 = arith.constant 0 : index
    %get3A_1 = arith.constant 0 : index
    %get3A_2 = vector.load %arg1[%get3A, %get3A_0, %get3A_1] : memref<2x10240x128xf32, #tpu.memory_space<vmem>>, vector<1x10240x128xf32>
    %get3A_3 = vector.shape_cast %get3A_2 : vector<1x10240x128xf32> to vector<10240x128xf32>
    %get3A_4 = arith.constant 1 : index
    %get3A_5 = arith.constant 0 : index
    %get3A_6 = arith.constant 0 : index
    %get3A_7 = vector.load %arg1[%get3A_4, %get3A_5, %get3A_6] : memref<2x10240x128xf32, #tpu.memory_space<vmem>>, vector<1x10240x128xf32>
    %get3A_8 = vector.shape_cast %get3A_7 : vector<1x10240x128xf32> to vector<10240x128xf32>
    %add3A = arith.addf %get3A_3, %get3A_8 : vector<10240x128xf32>
    %get3A_9 = arith.constant 0 : index
    %get3A_10 = arith.constant 0 : index
    %get3A_11 = vector.load %arg2[%get3A_9, %get3A_10] : memref<10240x128xf32, #tpu.memory_space<vmem>>, vector<10240x128xf32>
    %add3A_12 = arith.addf %add3A, %get3A_11 : vector<10240x128xf32>
    %slice3A = vector.extract_strided_slice %add3A_12 {offsets = [0, 0], sizes = [10240, 64], strides = [1, 1]} : vector<10240x128xf32> to vector<10240x64xf32>
    %get3A_13 = arith.constant 0 : index
    %get3A_14 = arith.constant 0 : index
    %get3A_15 = vector.load %arg0[%get3A_13, %get3A_14] : memref<10240x1xf32, #tpu.memory_space<vmem>>, vector<10240x1xf32>
    %mul3A = vector.broadcast %get3A_15 : vector<10240x1xf32> to vector<10240x64xf32>
    %mul3A_16 = arith.mulf %mul3A, %slice3A : vector<10240x64xf32>
    %get3A_17 = arith.constant 0 : index
    %get3A_18 = vector.load %arg3[%get3A_17] : memref<64xf32, #tpu.memory_space<vmem>>, vector<64xf32>
    %broadcast_in_dim3A = vector.shape_cast %get3A_18 : vector<64xf32> to vector<1x64xf32>
    %add3A_19 = vector.broadcast %broadcast_in_dim3A : vector<1x64xf32> to vector<10240x64xf32>
    %add3A_20 = arith.addf %mul3A_16, %add3A_19 : vector<10240x64xf32>
    %get3A_21 = arith.constant 0 : index
    %get3A_22 = arith.constant 0 : index
    %get3A_23 = vector.load %arg4[%get3A_21, %get3A_22] : memref<10240x64xf32, #tpu.memory_space<vmem>>, vector<10240x64xf32>
    %add3A_24 = arith.addf %add3A_20, %get3A_23 : vector<10240x64xf32>
    %slice3A_25 = vector.extract_strided_slice %add3A_24 {offsets = [0, 0], sizes = [10000, 64], strides = [1, 1]} : vector<10240x64xf32> to vector<10000x64xf32>
    %reduce_max3A = arith.constant dense<0xFF800000> : vector<10000xf32>
    %reduce_max3A_26 = vector.multi_reduction <maximumf>, %slice3A_25, %reduce_max3A [1] : vector<10000x64xf32> to vector<10000xf32>
    %broadcast_in_dim3A_27 = vector.shape_cast %reduce_max3A_26 : vector<10000xf32> to vector<10000x1xf32>
    %sub3A = vector.broadcast %broadcast_in_dim3A_27 : vector<10000x1xf32> to vector<10000x64xf32>
    %sub3A_28 = arith.subf %slice3A_25, %sub3A : vector<10000x64xf32>
    %exp3A = math.exp %sub3A_28 : vector<10000x64xf32>
    %reduce_sum3A = arith.constant dense<0.000000e+00> : vector<10000xf32>
    %reduce_sum3A_29 = vector.multi_reduction <add>, %exp3A, %reduce_sum3A [1] : vector<10000x64xf32> to vector<10000xf32>
    %broadcast_in_dim3A_30 = vector.shape_cast %reduce_sum3A_29 : vector<10000xf32> to vector<10000x1xf32>
    %log3A = math.log %broadcast_in_dim3A_30 : vector<10000x1xf32>
    %add3A_31 = arith.addf %log3A, %broadcast_in_dim3A_27 : vector<10000x1xf32>
    %sub3A_32 = vector.broadcast %add3A_31 : vector<10000x1xf32> to vector<10000x64xf32>
    %sub3A_33 = arith.subf %slice3A_25, %sub3A_32 : vector<10000x64xf32>
    %swap3A = arith.constant 0 : index
    %swap3A_34 = arith.constant 0 : index
    %swap3A_35 = vector.load %arg5[%swap3A, %swap3A_34] : memref<10000x64xf32, #tpu.memory_space<vmem>>, vector<10000x64xf32>
    tpu.vector_store %arg5[%swap3A, %swap3A_34], %sub3A_33 {strides = array<i32>} : memref<10000x64xf32, #tpu.memory_space<vmem>>, vector<10000x64xf32>,
    return
  }
}

</mosaic_0001>

<sc_bundles>
// kernel: kernel.11.cloned.1.call-start
scs
__scs_entry_jumppad:
0x0: {  	(pc) =	sbr.rel $0x88, $3  }
0x1: {  	(tag) =	ssettag $0x0;
	lr =	simm.s32 $0x1  }
0x2: {  	[smem:$0x3F93] =	sst lr;
	_ =	strace $0xD0000000  }
0x3: {  	_ = 	snop  }
0x4: {  	_ = 	snop  }
0x5: {  	_ = 	snop  }
0x6: {  	_ = 	snop  }
0x7: {  	_ = 	snop  }
__scs_overlays_trampoline_lowered:
0x8: {  	[smem:$0x3FA2] =	sst s0  }
0x9: {  	[smem:$0x3FA3] =	sst s1  }
0xa: {  	[smem:$0x3FA4] =	sst s2  }
0xb: {  	[smem:$0x3FA5] =	sst s3  }
0xc: {  	[smem:$0x3FA6] =	sst s4  }
0xd: {  	[smem:$0x3FA7] =	sst s5  }
0xe: {  	[smem:$0x3FA8] =	sst s6  }
0xf: {  	[smem:$0x3FA9] =	sst s7  }
0x10: {  	[smem:$0x3FAA] =	sst s8  }
0x11: {  	[smem:$0x3FAB] =	sst s9;
	s0 =	simm.s32 @!p0 $0x0  }
0x12: {  	s1 =	sld [smem:$0x3F91];
	s0 =	simm.s32 @p0 $0x1  }
0x13: {  	[smem:$0x3FAC] =	sst s0;
	s0 =	simm.s32 @!p1 $0x0  }
0x14: {  	s2 =	sld [smem:$0x3F90];
	s0 =	simm.s32 @p1 $0x1  }
0x15: {  	[smem:$0x3FAD] =	sst s0;
	s0 =	simm.s32 @!p2 $0x0  }
0x16: {  	s3 =	sld [smem:$0x3FDB];
	s0 =	simm.s32 @p2 $0x1  }
0x17: {  	s4 =	simm.s32 $0x1BF5;
	[smem:$0x3FAF] =	sst s0  }
0x18: {  	s0 =	sld [smem:$0x3F92];
	_ =	swait.ge [sflag:s4], $0x0  }
0x19: {  	s7 =	sld [smem:$0x3F93]  }
0x1a: {  	s8 =	sadd.s32 $0xFFFFE003, lr  }
0x1b: {  	s9 =	sadd.s32 $0xFFFFFEF7, lr;
	s5 =	simm.s32 $0xFFFFFFFF;
	p2 =	slt.u32 s8, $0xFFFFF086  }
0x1c: {  	p1 =	slt.u32 s9, $0xF7A;
	s5 =	simm.s32 @!p2 $0x0  }
0x1d: {  	s5 =	simm.s32 @p1 $0x1;
	p0 =	seq.s32 s7, s2  }
0x1e: {  	s7 =	smul.u32 @!p0 $0xF7A, s2;
	p2 =	seq.s32 @!p0 s5, $0x0  }
0x1f: {  	s9 =	smul.u32 $0xF7A, s1;
	s8 =	simm.s32 @!p0 $0x1BF5;
	p2 =	por !p2, p0  }
0x20: {  	[sflag:s8] =	ssyncset.s32 @!p0 $0xFFFFF086;
	s6 =	sadd.s32 @!p0 s3, s7;
	s7 =	simm.s32 @!p0 $0x108  }
0x21: {  	s3 =	sadd.s32 s3, s9;
	s6 =	sadd.s32 @!p0 $0x88, s6;
	s7 =	simm.s32 @p2 $0x1082  }
0x22: {  	[simem:s7], [sflag:s8] =	dma.local @!p0 [hbm:s6], $0xF7A  }
0x23: {  	s9 =	sor.u32 $0xD0000000, s2;
	s6 =	simm.s32 $0x108;
	_ =	swait.ge @!p0 [sflag:s8], $0x0  }
0x24: {  	s3 =	sadd.s32 $0x88, s3;
	s6 =	simm.s32 @!p1 $0x1082;
	[sflag:s4] =	ssyncset.s32 $0xFFFFF086  }
0x25: {  	[simem:s6], [sflag:s4] =	dma.local [hbm:s3], $0xF7A  }
0x26: {  	[smem:$0x3F93] =	sst s1;
	(tag) =	ssettag s2;
	_ =	strace s9  }
0x27: {  	s1 =	sld [smem:$0x3FA3]  }
0x28: {  	s2 =	sld [smem:$0x3FA4]  }
0x29: {  	s4 =	sld [smem:$0x3FA6]  }
0x2a: {  	p0 =	seq.s32 s5, $0x0;
	s5 =	sld [smem:$0x3FA7]  }
0x2b: {  	s6 =	sld [smem:$0x3FA8]  }
0x2c: {  	s7 =	sld [smem:$0x3FA9]  }
0x2d: {  	s3 =	simm.s32 $0x108;
	s8 =	sld [smem:$0x3FAA]  }
0x2e: {  	s3 =	simm.s32 @!p0 $0x1082;
	s9 =	sld [smem:$0x3FAB]  }
0x2f: {  	lr =	sadd.s32 s0, s3;
	s0 =	sld [smem:$0x3FA2]  }
0x30: {  	s3 =	sld [smem:$0x3FA5]  }
0x31: {  	[smem:$0x3FAE] =	sst s10  }
0x32: {  	s10 =	sld [smem:$0x3FAC];
	_ =	sdelay $0x3  }
0x33: {  	p0 =	seq.s32 s10, $0x1;
	s10 =	sld [smem:$0x3FAE];
	_ =	sdelay $0x3  }
0x34: {  	[smem:$0x3FAE] =	sst s10  }
0x35: {  	s10 =	sld [smem:$0x3FAD];
	_ =	sdelay $0x3  }
0x36: {  	p1 =	seq.s32 s10, $0x1;
	s10 =	sld [smem:$0x3FAE];
	_ =	sdelay $0x3  }
0x37: {  	[smem:$0x3FAE] =	sst s10  }
0x38: {  	s10 =	sld [smem:$0x3FAF]  }
0x39: {  	_ = 	snop;
	(pc) =	sbr.ind lr, $3  }
0x3a: {  	_ = 	snop  }
0x3b: {  	_ = 	snop  }
0x3c: {  	p2 =	seq.s32 s10, $0x1;
	s10 =	sld [smem:$0x3FAE]  }
0x3d: {  	_ =	shalt  }
0x3e: {  	_ =	shalt  }
0x3f: {  	_ =	shalt  }
0x40: {  	_ =	shalt  }
0x41: {  	_ =	shalt  }
0x42: {  	_ =	shalt  }
0x43: {  	_ =	shalt  }
0x44: {  	_ =	shalt  }
0x45: {  	_ =	shalt  }
0x46: {  	_ =	shalt  }
0x47: {  	_ =	shalt  }
0x48: {  	_ =	shalt  }
0x49: {  	_ =	shalt  }
0x4a: {  	_ =	shalt  }
0x4b: {  	_ =	shalt  }
0x4c: {  	_ =	shalt  }
0x4d: {  	_ =	shalt  }
0x4e: {  	_ =	shalt  }
0x4f: {  	_ =	shalt  }
0x50: {  	_ =	shalt  }
0x51: {  	_ =	shalt  }
0x52: {  	_ =	shalt  }
0x53: {  	_ =	shalt  }
0x54: {  	_ =	shalt  }
0x55: {  	_ =	shalt  }
0x56: {  	_ =	shalt  }
0x57: {  	_ =	shalt  }
0x58: {  	_ =	shalt  }
0x59: {  	_ =	shalt  }
0x5a: {  	_ =	shalt  }
0x5b: {  	_ =	shalt  }
0x5c: {  	_ =	shalt  }
0x5d: {  	_ =	shalt  }
0x5e: {  	_ =	shalt  }
0x5f: {  	_ =	shalt  }
0x60: {  	_ =	shalt  }
0x61: {  	_ =	shalt  }
0x62: {  	_ =	shalt  }
0x63: {  	_ =	shalt  }
0x64: {  	_ =	shalt  }
0x65: {  	_ =	shalt  }
0x66: {  	_ =	shalt  }
0x67: {  	_ =	shalt  }
0x68: {  	_ =	shalt  }
0x69: {  	_ =	shalt  }
0x6a: {  	_ =	shalt  }
0x6b: {  	_ =	shalt  }
0x6c: {  	_ =	shalt  }
0x6d: {  	_ =	shalt  }
0x6e: {  	_ =	shalt  }
0x6f: {  	_ =	shalt  }
0x70: {  	_ =	shalt  }
0x71: {  	_ =	shalt  }
0x72: {  	_ =	shalt  }
0x73: {  	_ =	shalt  }
0x74: {  	_ =	shalt  }
0x75: {  	_ =	shalt  }
0x76: {  	_ =	shalt  }
0x77: {  	_ =	shalt  }
0x78: {  	_ =	shalt  }
0x79: {  	_ =	shalt  }
0x7a: {  	_ =	shalt  }
0x7b: {  	_ =	shalt  }
0x7c: {  	_ =	shalt  }
0x7d: {  	_ =	shalt  }
0x7e: {  	_ =	shalt  }
0x7f: {  	_ =	shalt  }
0x80: {  	_ =	shalt  }
0x81: {  	_ =	shalt  }
0x82: {  	_ =	shalt  }
0x83: {  	_ =	shalt  }
0x84: {  	_ =	shalt  }
0x85: {  	_ =	shalt  }
0x86: {  	_ =	shalt  }
0x87: {  	_ =	shalt  }
.Lfunc_end0:
.L_simem_size_0:
called_computation_lowered:
.L_overlay_start_0:
0x88: {  	s2 =	sld [smem:$0x3FD9]  }
0x89: {  	s3 =	sld [smem:$0x3FFE];
	_ =	sdelay $0x1  }
0x8a: {  	s1 =	srdreg.scid  }
0x8b: {  	s0 =	sand.u32 $0x1, s1  }
0x8c: {  	s17 =	sshll.u32 s0, $0xA;
	s2 =	sadd.s32 s3, s2  }
0x8d: {  	s2 =	sadd.s32 s2, s17  }
0x8e: {  	[smem:$0x3FBA] =	sst s2  }
0x8f: {  	_ = 	snop  }
0x90: {  	s2 =	sld [smem:$0x3FD0];
	(tm) =	ssettm $0x1  }
0x91: {  	s18 =	sld [smem:$0x3FFB];
	_ =	sdelay $0x3  }
0x92: {  	_ =	strace s18  }
0x93: {  	s3 =	sld [smem:$0x3FFC];
	_ =	sdelay $0x3  }
0x94: {  	_ =	strace s3  }
0x95: {  	s3 =	sld [smem:$0x3FFD];
	_ =	sdelay $0x3  }
0x96: {  	_ =	strace s3  }
0x97: {  	_ =	strace $0x8FFFFFFF  }
0x98: {  	s19 =	sld [smem:$0x3FDB];
	_ =	sdelay $0x1  }
0x99: {  	s4 =	simm.s32 $_scs_section_size  }
0x9a: {  	s5 =	simm.s32 $_size__tile_overlayer_lowered;
	s6 =	simm.s32 $_tile_overlayer_lowered  }
0x9b: {  	s22 =	simm.s32 $0x1BFF;
	s21 =	sshll.u32 s6, $0x1;
	s3 =	sadd.s32 s4, s19  }
0x9c: {  	s7 =	simm.s32 $0x0;
	s20 =	sshll.u32 s5, $0x1;
	s5 =	sadd.s32 s21, s3  }
0x9d: {  	[timem:s7], [sflag:s22] =	dma.local [hbm:s5], s20  }
0x9e: {  	_ =	swait.ge [sflag:s22], s20  }
0x9f: {  	s4 =	ssub.s32 $0x0, s20;
	[sflag:s22] =	ssyncset.done $0x0  }
0xa0: {  	[sflag:s22] =	ssyncadd.s32 s4;
	_ =	sdelay $0x1  }
0xa1: {  	s23 =	simm.s32 $0x1B8B  }
0xa2: {  	_ =	swait.ge [sflag:s23], $0x1  }
0xa3: {  	[sflag:s23] =	ssyncset.done $0x0  }
0xa4: {  	s25 =	simm.s32 $0x1B8E;
	s24 =	sld [smem:$0x3FFE];
	[sflag:s23] =	ssyncadd.s32 $0xFFFFFFFF  }
0xa5: {  	s26 =	simm.s32 $execute0_lowered;
	[smem:$0x3FD2] =	sst s25  }
0xa6: {  	s5 =	sshll.u32 s26, $0x1;
	_ =	strace $0x80000046;
	[dreg:$0x1] =	wrdreg $0xFFFFFFFF  }
0xa7: {  	s28 =	simm.s32 $_size_execute0_lowered;
	s3 =	sadd.s32 s3, s5;
	[dreg:$0x0] =	wrdreg $0x0  }
0xa8: {  	s5 =	sshll.u32 s28, $0x1;
	[dreg:$0x2] =	wrdreg s3  }
0xa9: {  	[dreg:$0x3] =	wrdreg s5  }
0xaa: {  	[dreg:$0x4] =	wrdreg $0xC0  }
0xab: {  	_ =	task [dreg:s7], $0x5FFFF  }
0xac: {  	[dreg:$0x1] =	wrdreg $0xFFFFFFFF  }
0xad: {  	[dreg:$0x0] =	wrdreg $0x60  }
0xae: {  	[dreg:$0x2] =	wrdreg s24  }
0xaf: {  	[dreg:$0x3] =	wrdreg s2  }
0xb0: {  	[dreg:$0x4] =	wrdreg $0x68000  }
0xb1: {  	[dreg:$0x5] =	wrdreg $0x9  }
0xb2: {  	_ =	task.clear_ibuf [dreg:s7], $0x6FFFF;
	_ =	strace $0x90000046  }
0xb3: {  	s29 =	simm.s32 $0x9;
	_ =	strace $0x80000048  }
0xb4: {  	_ =	swait.ge [sflag:s29], $0x1  }
0xb5: {  	[sflag:s29] =	ssyncadd.s32 $0xFFFFFFFF  }
0xb6: {  	_ =	strace $0x90000048  }
0xb7: {  	_ =	sfence  }
0xb8: {  	s30 =	sld [smem:$0x0];
	_ =	sdelay $0x2  }
0xb9: {  	s31 =	sshll.u32 s1, $0xD;
	s1 =	sshrl.u32 s1, $0x2  }
0xba: {  	s3 =	sand.u32 $0x4000, s31;
	s1 =	sadd.s32 s1, s30  }
0xbb: {  	s0 =	sor.u32 s3, s0;
	s1 =	sshll.u32 s1, $0x11  }
0xbc: {  	s0 =	sor.u32 s1, s0  }
0xbd: {  	s0 =	sadd.s32 $0x8F2B, s0  }
0xbe: {  	[sflag:s0] =	ssyncadd.remote.s32 $0x1  }
0xbf: {  	_ =	sfence.sel $0xFFFF  }
0xc0: {  	[dreg:$0x0] =	wrdreg $0xFFFFFFFF;
	(pc) =	sbr.abs _section_cstart, $3  }
0xc1: {  	[dreg:$0x1] =	wrdreg $0xFFFFFFFF  }
0xc2: {  	_ =	task.clear_ibuf [dreg:s7], $0x2FFFF;
	_ =	strace $0x9FFFFFFF  }
0xc3: {  	(tm) =	ssettm $0x7FFFFFFF  }
tec
execute0_lowered:
.L_overlay_start_1:
0x0: {  	(tag) =	ssettag $0x1  }
0x1: {  	s5 =	rddreg [dreg:$0x0]  }
0x2: {  	s6 =	rddreg [dreg:$0x1]  }
0x3: {  	s2 =	rddreg [dreg:$0x2]  }
0x4: {  	s0 =	rddreg [dreg:$0x3]  }
0x5: {  	s1 =	stileid.u32;
	s4 =	srdreg.scid  }
0x6: {  	s3 =	simm.s32 $0x0;
	s13 =	simm.s32 $0x78;
	s14 =	simm.s32 $0x1  }
0x7: {  	s15 =	simm.s32 $0x0;
	s7 =	smul.u32 $0x14000, s1;
	s8 =	sand.u32 $0x1, s4  }
0x8: {  	[smem:$0x7FF] =	sst s3;
	s4 =	sadd.s32 $0x4200, s5;
	s28 =	smul.u32 $0x50000, s1  }
0x9: {  	s31 =	sshll.u32 s1, $0x6;
	s9 =	smul.u32 $0x140000, s8;
	s10 =	sshll.u32 s8, $0x4  }
0xa: {  	_ =	strace $0x80000047;
	s8 =	ssub.s32 $0x2, s8;
	s10 =	sor.u32 s1, s10  }
0xb: {  	s11 =	sshrl.u32 s7, $0x3;
	s29 =	sshrl.u32 s8, $0x1;
	s30 =	sshrl.u32 s28, $0x2  }
0xc: {  	s7 =	sadd.s32 s7, s9;
	s26 =	smul.u32 $0x580, s10;
	s11 =	sadd.s32 s11, s5  }
0xd: {  	s8 =	ssub.s32 s8, s29;
	s12 =	sadd.s32 s30, s2;
	s9 =	simm.s32 $0x2  }
0xe: {  	s10 =	simm.s32 $0x2C00;
	s7 =	sshrl.u32 s7, $0x3;
	s8 =	smax.u32 s8, $0x1  }
0xf: {  	s12 =	sshrl.u32 s12, $0x3;
	s7 =	sadd.s32 s7, s5;
	s5 =	sadd.s32 s6, s26  }
0x10: {  	s6 =	sadd.s32 $0x4A00, s11;
	s11 =	sor.u32 $0x1C02, s31;
	s7 =	sadd.s32 $0x2CA00, s7  }
.LBB2_1:
0x11: {  	[tilespmem:s3], [sflag:$0x2] =	stream.linear.gather [hbm4b:s5+s3], $0x2A00, $0x38;
	[tilespmem:$0x1A800] =	vst v63  }
0x12: {  	_ =	swait.ge [sflag:s9], $0x2A00  }
0x13: {  	[sflag:s9] =	ssyncset.done $0x0  }
0x14: {  	[sflag:s9] =	ssyncadd.s32 $0xFFFFD600  }
0x15: {  	[tilespmem:s10], [sflag:$0x2] =	stream.linear.gather [hbm4b:s4+s3], $0x3C00, $0x38;
	[tilespmem:$0x1A800] =	vst v63  }
0x16: {  	_ =	swait.ge [sflag:s9], $0x3C00  }
0x17: {  	[sflag:s9] =	ssyncset.done $0x0  }
0x18: {  	[sflag:s9] =	ssyncadd.s32 $0xFFFFC400  }
0x19: {  	[spmem:s12], [sflag:s11] =	dma.local [hbm:s6], $0x2800  }
0x1a: {  	_ =	swait.ge [sflag:s9], $0x2800  }
0x1b: {  	[sflag:s9] =	ssyncset.done $0x0  }
0x1c: {  	[sflag:s9] =	ssyncadd.s32 $0xFFFFD800  }
0x1d: {  	s16 =	simm.s32 $0x0;
	[bflag:$0x0] =	sbarrier.arrive $0xFFFF  }
0x1e: {  	[spmem:s2] =	stream.indirect.scatter.add.f32 [tilespmem:s10], [sflag:$0x1], $0x80, s16, s13, $0xb8;
	[tilespmem:$0x1A800] =	vst v63  }
0x1f: {  	s26 =	simm.s32 $0x80  }
0x20: {  	[spmem:s2] =	stream.indirect.scatter.add.f32 [tilespmem:s10], [sflag:$0x1], $0x80, s26, s13, $0xb8;
	[tilespmem:$0x1A800] =	vst v63  }
0x21: {  	s28 =	simm.s32 $0x100  }
0x22: {  	[spmem:s2] =	stream.indirect.scatter.add.f32 [tilespmem:s10], [sflag:$0x1], $0x80, s28, s13, $0xb8;
	[tilespmem:$0x1A800] =	vst v63  }
0x23: {  	s29 =	simm.s32 $0x180  }
0x24: {  	[spmem:s2] =	stream.indirect.scatter.add.f32 [tilespmem:s10], [sflag:$0x1], $0x80, s29, s13, $0xb8;
	[tilespmem:$0x1A800] =	vst v63  }
0x25: {  	s30 =	simm.s32 $0x200  }
0x26: {  	[spmem:s2] =	stream.indirect.scatter.add.f32 [tilespmem:s10], [sflag:$0x1], $0x80, s30, s13, $0xb8;
	[tilespmem:$0x1A800] =	vst v63  }
0x27: {  	s31 =	simm.s32 $0x280  }
0x28: {  	[spmem:s2] =	stream.indirect.scatter.add.f32 [tilespmem:s10], [sflag:$0x1], $0x80, s31, s13, $0xb8;
	[tilespmem:$0x1A800] =	vst v63  }
0x29: {  	_ =	swait.ge [sflag:s14], $0x3C00  }
0x2a: {  	[sflag:s14] =	ssyncset.done $0x0  }
0x2b: {  	[sflag:s14] =	ssyncadd.s32 $0xFFFFC400  }
0x2c: {  	_ =	swait.ge [sflag:s14], $0x3C00  }
0x2d: {  	[sflag:s14] =	ssyncset.done $0x0  }
0x2e: {  	[sflag:s14] =	ssyncadd.s32 $0xFFFFC400  }
0x2f: {  	_ =	swait.ge [sflag:s14], $0x3C00  }
0x30: {  	[sflag:s14] =	ssyncset.done $0x0  }
0x31: {  	[sflag:s14] =	ssyncadd.s32 $0xFFFFC400  }
0x32: {  	_ =	swait.ge [sflag:s14], $0x3C00  }
0x33: {  	[sflag:s14] =	ssyncset.done $0x0  }
0x34: {  	[sflag:s14] =	ssyncadd.s32 $0xFFFFC400  }
0x35: {  	_ =	swait.ge [sflag:s14], $0x3C00  }
0x36: {  	[sflag:s14] =	ssyncset.done $0x0  }
0x37: {  	[sflag:s14] =	ssyncadd.s32 $0xFFFFC400  }
0x38: {  	_ =	swait.ge [sflag:s14], $0x3C00  }
0x39: {  	s17 =	simm.s32 $0x1800;
	s16 =	simm.s32 $0xC00;
	[sflag:s14] =	ssyncset.done $0x0  }
.LBB2_2:
0x3a: {  	s18 =	sshra.s32 s16, $0x2  }
0x3b: {  	[sflag:s14] =	ssyncadd.s32 $0xFFFFC400;
	s16 =	smov.u32 s17;
	s19 =	sadd.s32 $0xC00, s17  }
0x3c: {  	[spmem:s2] =	stream.indirect.scatter.add.f32 [tilespmem:s10], [sflag:$0x1], $0x80, s18, s13, $0xb8;
	[tilespmem:$0x1A800] =	vst v63  }
0x3d: {  	p0 =	sne.s32 s17, $0x9C00;
	s17 =	sadd.s32 $0x80, s18  }
0x3e: {  	[spmem:s2] =	stream.indirect.scatter.add.f32 [tilespmem:s10], [sflag:$0x1], $0x80, s17, s13, $0xb8;
	[tilespmem:$0x1A800] =	vst v63  }
0x3f: {  	s17 =	sadd.s32 $0x100, s18  }
0x40: {  	[spmem:s2] =	stream.indirect.scatter.add.f32 [tilespmem:s10], [sflag:$0x1], $0x80, s17, s13, $0xb8;
	[tilespmem:$0x1A800] =	vst v63  }
0x41: {  	s17 =	sadd.s32 $0x180, s18  }
0x42: {  	[spmem:s2] =	stream.indirect.scatter.add.f32 [tilespmem:s10], [sflag:$0x1], $0x80, s17, s13, $0xb8;
	[tilespmem:$0x1A800] =	vst v63  }
0x43: {  	s17 =	sadd.s32 $0x200, s18  }
0x44: {  	[spmem:s2] =	stream.indirect.scatter.add.f32 [tilespmem:s10], [sflag:$0x1], $0x80, s17, s13, $0xb8;
	[tilespmem:$0x1A800] =	vst v63  }
0x45: {  	s17 =	sadd.s32 $0x280, s18  }
0x46: {  	[spmem:s2] =	stream.indirect.scatter.add.f32 [tilespmem:s10], [sflag:$0x1], $0x80, s17, s13, $0xb8;
	[tilespmem:$0x1A800] =	vst v63  }
0x47: {  	_ =	swait.ge [sflag:s14], $0x3C00  }
0x48: {  	[sflag:s14] =	ssyncset.done $0x0  }
0x49: {  	[sflag:s14] =	ssyncadd.s32 $0xFFFFC400  }
0x4a: {  	_ =	swait.ge [sflag:s14], $0x3C00  }
0x4b: {  	[sflag:s14] =	ssyncset.done $0x0  }
0x4c: {  	[sflag:s14] =	ssyncadd.s32 $0xFFFFC400  }
0x4d: {  	_ =	swait.ge [sflag:s14], $0x3C00  }
0x4e: {  	[sflag:s14] =	ssyncset.done $0x0  }
0x4f: {  	[sflag:s14] =	ssyncadd.s32 $0xFFFFC400  }
0x50: {  	_ =	swait.ge [sflag:s14], $0x3C00  }
0x51: {  	[sflag:s14] =	ssyncset.done $0x0  }
0x52: {  	[sflag:s14] =	ssyncadd.s32 $0xFFFFC400  }
.Ltmp0:
0x53: {  	_ =	swait.ge [sflag:s14], $0x3C00;
	(pc) =	sbr.rel @p0 .LBB2_2-.Ltmp0, $4  }
0x54: {  	[sflag:s14] =	ssyncset.done $0x0  }
0x55: {  	[sflag:s14] =	ssyncadd.s32 $0xFFFFC400  }
0x56: {  	_ =	swait.ge [sflag:s14], $0x3C00  }
0x57: {  	s17 =	smov.u32 s19;
	[sflag:s14] =	ssyncset.done $0x0  }
0x58: {  	s16 =	sshra.s32 s16, $0x2;
	[sflag:s14] =	ssyncadd.s32 $0xFFFFC400  }
0x59: {  	[spmem:s2] =	stream.indirect.scatter.add.f32 [tilespmem:s10], [sflag:$0x1], $0x80, s16, s13, $0xb8;
	[tilespmem:$0x1A800] =	vst v63  }
0x5a: {  	s17 =	sadd.s32 $0x80, s16  }
0x5b: {  	[spmem:s2] =	stream.indirect.scatter.add.f32 [tilespmem:s10], [sflag:$0x1], $0x80, s17, s13, $0xb8;
	[tilespmem:$0x1A800] =	vst v63  }
0x5c: {  	s29 =	sadd.s32 $0x100, s16  }
0x5d: {  	[spmem:s2] =	stream.indirect.scatter.add.f32 [tilespmem:s10], [sflag:$0x1], $0x80, s29, s13, $0xb8;
	[tilespmem:$0x1A800] =	vst v63  }
0x5e: {  	s30 =	sadd.s32 $0x180, s16  }
0x5f: {  	[spmem:s2] =	stream.indirect.scatter.add.f32 [tilespmem:s10], [sflag:$0x1], $0x80, s30, s13, $0xb8;
	[tilespmem:$0x1A800] =	vst v63  }
0x60: {  	s31 =	sadd.s32 $0x200, s16  }
0x61: {  	[spmem:s2] =	stream.indirect.scatter.add.f32 [tilespmem:s10], [sflag:$0x1], $0x80, s31, s13, $0xb8;
	[tilespmem:$0x1A800] =	vst v63  }
0x62: {  	s16 =	sadd.s32 $0x280, s16  }
0x63: {  	[spmem:s2] =	stream.indirect.scatter.add.f32 [tilespmem:s10], [sflag:$0x1], $0x80, s16, s13, $0xb8;
	[tilespmem:$0x1A800] =	vst v63  }
0x64: {  	_ =	swait.ge [sflag:s14], $0x3C00  }
0x65: {  	[sflag:s14] =	ssyncset.done $0x0  }
0x66: {  	[sflag:s14] =	ssyncadd.s32 $0xFFFFC400  }
0x67: {  	_ =	swait.ge [sflag:s14], $0x3C00  }
0x68: {  	[sflag:s14] =	ssyncset.done $0x0  }
0x69: {  	[sflag:s14] =	ssyncadd.s32 $0xFFFFC400  }
0x6a: {  	_ =	swait.ge [sflag:s14], $0x3C00  }
0x6b: {  	[sflag:s14] =	ssyncset.done $0x0  }
0x6c: {  	[sflag:s14] =	ssyncadd.s32 $0xFFFFC400  }
0x6d: {  	_ =	swait.ge [sflag:s14], $0x3C00  }
0x6e: {  	[sflag:s14] =	ssyncset.done $0x0  }
0x6f: {  	[sflag:s14] =	ssyncadd.s32 $0xFFFFC400  }
0x70: {  	_ =	swait.ge [sflag:s14], $0x3C00  }
0x71: {  	[sflag:s14] =	ssyncset.done $0x0  }
0x72: {  	[sflag:s14] =	ssyncadd.s32 $0xFFFFC400  }
0x73: {  	_ =	swait.ge [sflag:s14], $0x3C00  }
0x74: {  	s15 =	sadd.s32 $0x1, s15;
	[sflag:s14] =	ssyncset.done $0x0  }
0x75: {  	p0 =	sne.s32 s15, s8;
	[sflag:s14] =	ssyncadd.s32 $0xFFFFC400  }
.Ltmp1:
0x76: {  	[bflag:$0x0] =	sbarrier.arrive $0xFFFF;
	(pc) =	sbr.rel @p0 .LBB2_1-.Ltmp1, $4  }
0x77: {  	[hbm:s7], [sflag:s11] =	dma.local [spmem:s12], $0x2800  }
0x78: {  	_ =	swait.ge [sflag:s9], $0x2800  }
0x79: {  	[sflag:s9] =	ssyncset.done $0x0  }
0x7a: {  	[sflag:s9] =	ssyncadd.s32 $0xFFFFD800  }
0x7b: {  	_ =	sfence.sel $0x180000  }
0x7c: {  	[bflag:$0x0] =	sbarrier.arrive $0xFFFF  }
0x7d: {  	p0 =	sne.s32 s1, $0x0;
	_ =	strace $0x90000047  }
0x7e: {  	s0 =	sadd.s32 @!p0 $0x100000, s0;
	[bflag:$0x2] =	sbarrier.arrive $0xFFFF  }
0x7f: {  	[sflag:s0] =	ssyncadd.tile.s32 @!p0 $0x1;
	_ =	shalt  }
.Lfunc_end2:
_tile_overlayer_lowered:
.L_overlay_start_2:
0x80: {  	(tag) =	ssettag $0x2  }
0x81: {  	s0 =	rddreg [dreg:$0x0];
	s2 =	stileid.u32  }
0x82: {  	s1 =	rddreg [dreg:$0x1];
	p0 =	sne.s32 s2, $0x0  }
0x83: {  	s3 =	rddreg [dreg:$0x2];
	[bflag:$0x3] =	sbarrier.arrive $0xFFFF;
	s2 =	simm.s32 @!p0 $0x1C02  }
0x84: {  	[timem:s3], [sflag:s2] =	dma.local @!p0 [hbm:s0], s1  }
0x85: {  	s0 =	simm.s32 @!p0 $0x2  }
0x86: {  	_ =	swait.ge @!p0 [sflag:s0], s1  }
0x87: {  	s1 =	ssub.s32 @!p0 $0x0, s1;
	[sflag:s0] =	ssyncset.done @!p0 $0x0  }
0x88: {  	[sflag:s0] =	ssyncadd.s32 @!p0 s1  }
0x89: {  	[bflag:$0x3] =	sbarrier.arrive $0xFFFF  }
0x8a: {  	_ =	shalt  }

// kernel: kernel.14.cloned.1.call-start
scs
__scs_entry_jumppad:
0x0: {  	(pc) =	sbr.rel $0x88, $3  }
0x1: {  	(tag) =	ssettag $0x0;
	lr =	simm.s32 $0x1  }
0x2: {  	[smem:$0x3F93] =	sst lr;
	_ =	strace $0xD0000000  }
0x3: {  	_ = 	snop  }
0x4: {  	_ = 	snop  }
0x5: {  	_ = 	snop  }
0x6: {  	_ = 	snop  }
0x7: {  	_ = 	snop  }
__scs_overlays_trampoline_lowered:
0x8: {  	[smem:$0x3FA2] =	sst s0  }
0x9: {  	[smem:$0x3FA3] =	sst s1  }
0xa: {  	[smem:$0x3FA4] =	sst s2  }
0xb: {  	[smem:$0x3FA5] =	sst s3  }
0xc: {  	[smem:$0x3FA6] =	sst s4  }
0xd: {  	[smem:$0x3FA7] =	sst s5  }
0xe: {  	[smem:$0x3FA8] =	sst s6  }
0xf: {  	[smem:$0x3FA9] =	sst s7  }
0x10: {  	[smem:$0x3FAA] =	sst s8  }
0x11: {  	[smem:$0x3FAB] =	sst s9;
	s0 =	simm.s32 @!p0 $0x0  }
0x12: {  	s1 =	sld [smem:$0x3F91];
	s0 =	simm.s32 @p0 $0x1  }
0x13: {  	[smem:$0x3FAC] =	sst s0;
	s0 =	simm.s32 @!p1 $0x0  }
0x14: {  	s2 =	sld [smem:$0x3F90];
	s0 =	simm.s32 @p1 $0x1  }
0x15: {  	[smem:$0x3FAD] =	sst s0;
	s0 =	simm.s32 @!p2 $0x0  }
0x16: {  	s3 =	sld [smem:$0x3FDB];
	s0 =	simm.s32 @p2 $0x1  }
0x17: {  	s4 =	simm.s32 $0x1BF5;
	[smem:$0x3FAF] =	sst s0  }
0x18: {  	s0 =	sld [smem:$0x3F92];
	_ =	swait.ge [sflag:s4], $0x0  }
0x19: {  	s7 =	sld [smem:$0x3F93]  }
0x1a: {  	s8 =	sadd.s32 $0xFFFFE003, lr  }
0x1b: {  	s9 =	sadd.s32 $0xFFFFFEF7, lr;
	s5 =	simm.s32 $0xFFFFFFFF;
	p2 =	slt.u32 s8, $0xFFFFF086  }
0x1c: {  	p1 =	slt.u32 s9, $0xF7A;
	s5 =	simm.s32 @!p2 $0x0  }
0x1d: {  	s5 =	simm.s32 @p1 $0x1;
	p0 =	seq.s32 s7, s2  }
0x1e: {  	s7 =	smul.u32 @!p0 $0xF7A, s2;
	p2 =	seq.s32 @!p0 s5, $0x0  }
0x1f: {  	s9 =	smul.u32 $0xF7A, s1;
	s8 =	simm.s32 @!p0 $0x1BF5;
	p2 =	por !p2, p0  }
0x20: {  	[sflag:s8] =	ssyncset.s32 @!p0 $0xFFFFF086;
	s6 =	sadd.s32 @!p0 s3, s7;
	s7 =	simm.s32 @!p0 $0x108  }
0x21: {  	s3 =	sadd.s32 s3, s9;
	s6 =	sadd.s32 @!p0 $0x88, s6;
	s7 =	simm.s32 @p2 $0x1082  }
0x22: {  	[simem:s7], [sflag:s8] =	dma.local @!p0 [hbm:s6], $0xF7A  }
0x23: {  	s9 =	sor.u32 $0xD0000000, s2;
	s6 =	simm.s32 $0x108;
	_ =	swait.ge @!p0 [sflag:s8], $0x0  }
0x24: {  	s3 =	sadd.s32 $0x88, s3;
	s6 =	simm.s32 @!p1 $0x1082;
	[sflag:s4] =	ssyncset.s32 $0xFFFFF086  }
0x25: {  	[simem:s6], [sflag:s4] =	dma.local [hbm:s3], $0xF7A  }
0x26: {  	[smem:$0x3F93] =	sst s1;
	(tag) =	ssettag s2;
	_ =	strace s9  }
0x27: {  	s1 =	sld [smem:$0x3FA3]  }
0x28: {  	s2 =	sld [smem:$0x3FA4]  }
0x29: {  	s4 =	sld [smem:$0x3FA6]  }
0x2a: {  	p0 =	seq.s32 s5, $0x0;
	s5 =	sld [smem:$0x3FA7]  }
0x2b: {  	s6 =	sld [smem:$0x3FA8]  }
0x2c: {  	s7 =	sld [smem:$0x3FA9]  }
0x2d: {  	s3 =	simm.s32 $0x108;
	s8 =	sld [smem:$0x3FAA]  }
0x2e: {  	s3 =	simm.s32 @!p0 $0x1082;
	s9 =	sld [smem:$0x3FAB]  }
0x2f: {  	lr =	sadd.s32 s0, s3;
	s0 =	sld [smem:$0x3FA2]  }
0x30: {  	s3 =	sld [smem:$0x3FA5]  }
0x31: {  	[smem:$0x3FAE] =	sst s10  }
0x32: {  	s10 =	sld [smem:$0x3FAC];
	_ =	sdelay $0x3  }
0x33: {  	p0 =	seq.s32 s10, $0x1;
	s10 =	sld [smem:$0x3FAE];
	_ =	sdelay $0x3  }
0x34: {  	[smem:$0x3FAE] =	sst s10  }
0x35: {  	s10 =	sld [smem:$0x3FAD];
	_ =	sdelay $0x3  }
0x36: {  	p1 =	seq.s32 s10, $0x1;
	s10 =	sld [smem:$0x3FAE];
	_ =	sdelay $0x3  }
0x37: {  	[smem:$0x3FAE] =	sst s10  }
0x38: {  	s10 =	sld [smem:$0x3FAF]  }
0x39: {  	_ = 	snop;
	(pc) =	sbr.ind lr, $3  }
0x3a: {  	_ = 	snop  }
0x3b: {  	_ = 	snop  }
0x3c: {  	p2 =	seq.s32 s10, $0x1;
	s10 =	sld [smem:$0x3FAE]  }
0x3d: {  	_ =	shalt  }
0x3e: {  	_ =	shalt  }
0x3f: {  	_ =	shalt  }
0x40: {  	_ =	shalt  }
0x41: {  	_ =	shalt  }
0x42: {  	_ =	shalt  }
0x43: {  	_ =	shalt  }
0x44: {  	_ =	shalt  }
0x45: {  	_ =	shalt  }
0x46: {  	_ =	shalt  }
0x47: {  	_ =	shalt  }
0x48: {  	_ =	shalt  }
0x49: {  	_ =	shalt  }
0x4a: {  	_ =	shalt  }
0x4b: {  	_ =	shalt  }
0x4c: {  	_ =	shalt  }
0x4d: {  	_ =	shalt  }
0x4e: {  	_ =	shalt  }
0x4f: {  	_ =	shalt  }
0x50: {  	_ =	shalt  }
0x51: {  	_ =	shalt  }
0x52: {  	_ =	shalt  }
0x53: {  	_ =	shalt  }
0x54: {  	_ =	shalt  }
0x55: {  	_ =	shalt  }
0x56: {  	_ =	shalt  }
0x57: {  	_ =	shalt  }
0x58: {  	_ =	shalt  }
0x59: {  	_ =	shalt  }
0x5a: {  	_ =	shalt  }
0x5b: {  	_ =	shalt  }
0x5c: {  	_ =	shalt  }
0x5d: {  	_ =	shalt  }
0x5e: {  	_ =	shalt  }
0x5f: {  	_ =	shalt  }
0x60: {  	_ =	shalt  }
0x61: {  	_ =	shalt  }
0x62: {  	_ =	shalt  }
0x63: {  	_ =	shalt  }
0x64: {  	_ =	shalt  }
0x65: {  	_ =	shalt  }
0x66: {  	_ =	shalt  }
0x67: {  	_ =	shalt  }
0x68: {  	_ =	shalt  }
0x69: {  	_ =	shalt  }
0x6a: {  	_ =	shalt  }
0x6b: {  	_ =	shalt  }
0x6c: {  	_ =	shalt  }
0x6d: {  	_ =	shalt  }
0x6e: {  	_ =	shalt  }
0x6f: {  	_ =	shalt  }
0x70: {  	_ =	shalt  }
0x71: {  	_ =	shalt  }
0x72: {  	_ =	shalt  }
0x73: {  	_ =	shalt  }
0x74: {  	_ =	shalt  }
0x75: {  	_ =	shalt  }
0x76: {  	_ =	shalt  }
0x77: {  	_ =	shalt  }
0x78: {  	_ =	shalt  }
0x79: {  	_ =	shalt  }
0x7a: {  	_ =	shalt  }
0x7b: {  	_ =	shalt  }
0x7c: {  	_ =	shalt  }
0x7d: {  	_ =	shalt  }
0x7e: {  	_ =	shalt  }
0x7f: {  	_ =	shalt  }
0x80: {  	_ =	shalt  }
0x81: {  	_ =	shalt  }
0x82: {  	_ =	shalt  }
0x83: {  	_ =	shalt  }
0x84: {  	_ =	shalt  }
0x85: {  	_ =	shalt  }
0x86: {  	_ =	shalt  }
0x87: {  	_ =	shalt  }
.Lfunc_end0:
.L_simem_size_0:
called_computation.1_lowered:
.L_overlay_start_0:
0x88: {  	s2 =	sld [smem:$0x3FD9]  }
0x89: {  	s3 =	sld [smem:$0x3FFE];
	_ =	sdelay $0x1  }
0x8a: {  	s1 =	srdreg.scid  }
0x8b: {  	s0 =	sand.u32 $0x1, s1  }
0x8c: {  	s17 =	sshll.u32 s0, $0xA;
	s2 =	sadd.s32 s3, s2  }
0x8d: {  	s2 =	sadd.s32 s2, s17  }
0x8e: {  	[smem:$0x3FBA] =	sst s2  }
0x8f: {  	_ = 	snop  }
0x90: {  	s2 =	sld [smem:$0x3FD0];
	(tm) =	ssettm $0x1  }
0x91: {  	s18 =	sld [smem:$0x3FFB];
	_ =	sdelay $0x3  }
0x92: {  	_ =	strace s18  }
0x93: {  	s3 =	sld [smem:$0x3FFC];
	_ =	sdelay $0x3  }
0x94: {  	_ =	strace s3  }
0x95: {  	s3 =	sld [smem:$0x3FFD];
	_ =	sdelay $0x3  }
0x96: {  	_ =	strace s3  }
0x97: {  	_ =	strace $0x8FFFFFFF  }
0x98: {  	s19 =	sld [smem:$0x3FDB];
	_ =	sdelay $0x1  }
0x99: {  	s4 =	simm.s32 $_scs_section_size  }
0x9a: {  	s5 =	simm.s32 $_size__tile_overlayer_lowered;
	s6 =	simm.s32 $_tile_overlayer_lowered  }
0x9b: {  	s22 =	simm.s32 $0x1BFF;
	s21 =	sshll.u32 s6, $0x1;
	s3 =	sadd.s32 s4, s19  }
0x9c: {  	s7 =	simm.s32 $0x0;
	s20 =	sshll.u32 s5, $0x1;
	s5 =	sadd.s32 s21, s3  }
0x9d: {  	[timem:s7], [sflag:s22] =	dma.local [hbm:s5], s20  }
0x9e: {  	_ =	swait.ge [sflag:s22], s20  }
0x9f: {  	s4 =	ssub.s32 $0x0, s20;
	[sflag:s22] =	ssyncset.done $0x0  }
0xa0: {  	[sflag:s22] =	ssyncadd.s32 s4;
	_ =	sdelay $0x1  }
0xa1: {  	s23 =	simm.s32 $0x1B8B  }
0xa2: {  	_ =	swait.ge [sflag:s23], $0x1  }
0xa3: {  	[sflag:s23] =	ssyncset.done $0x0  }
0xa4: {  	s25 =	simm.s32 $0x1B8E;
	s24 =	sld [smem:$0x3FFE];
	[sflag:s23] =	ssyncadd.s32 $0xFFFFFFFF  }
0xa5: {  	s26 =	simm.s32 $execute0_lowered;
	[smem:$0x3FD2] =	sst s25  }
0xa6: {  	s5 =	sshll.u32 s26, $0x1;
	_ =	strace $0x80000049;
	[dreg:$0x1] =	wrdreg $0xFFFFFFFF  }
0xa7: {  	s28 =	simm.s32 $_size_execute0_lowered;
	s3 =	sadd.s32 s3, s5;
	[dreg:$0x0] =	wrdreg $0x0  }
0xa8: {  	s5 =	sshll.u32 s28, $0x1;
	[dreg:$0x2] =	wrdreg s3  }
0xa9: {  	[dreg:$0x3] =	wrdreg s5  }
0xaa: {  	[dreg:$0x4] =	wrdreg $0xC0  }
0xab: {  	_ =	task [dreg:s7], $0x5FFFF  }
0xac: {  	[dreg:$0x1] =	wrdreg $0xFFFFFFFF  }
0xad: {  	[dreg:$0x0] =	wrdreg $0x60  }
0xae: {  	[dreg:$0x2] =	wrdreg s24  }
0xaf: {  	[dreg:$0x3] =	wrdreg s2  }
0xb0: {  	[dreg:$0x4] =	wrdreg $0xB7000  }
0xb1: {  	[dreg:$0x5] =	wrdreg $0x9  }
0xb2: {  	_ =	task.clear_ibuf [dreg:s7], $0x6FFFF;
	_ =	strace $0x90000049  }
0xb3: {  	s29 =	simm.s32 $0x9;
	_ =	strace $0x8000004B  }
0xb4: {  	_ =	swait.ge [sflag:s29], $0x1  }
0xb5: {  	[sflag:s29] =	ssyncadd.s32 $0xFFFFFFFF  }
0xb6: {  	_ =	strace $0x9000004B  }
0xb7: {  	_ =	sfence  }
0xb8: {  	s30 =	sld [smem:$0x0];
	_ =	sdelay $0x2  }
0xb9: {  	s31 =	sshll.u32 s1, $0xD;
	s1 =	sshrl.u32 s1, $0x2  }
0xba: {  	s3 =	sand.u32 $0x4000, s31;
	s1 =	sadd.s32 s1, s30  }
0xbb: {  	s0 =	sor.u32 s3, s0;
	s1 =	sshll.u32 s1, $0x11  }
0xbc: {  	s0 =	sor.u32 s1, s0  }
0xbd: {  	s0 =	sadd.s32 $0x8F2B, s0  }
0xbe: {  	[sflag:s0] =	ssyncadd.remote.s32 $0x1  }
0xbf: {  	_ =	sfence.sel $0xFFFF  }
0xc0: {  	[dreg:$0x0] =	wrdreg $0xFFFFFFFF;
	(pc) =	sbr.abs _section_cstart, $3  }
0xc1: {  	[dreg:$0x1] =	wrdreg $0xFFFFFFFF  }
0xc2: {  	_ =	task.clear_ibuf [dreg:s7], $0x2FFFF;
	_ =	strace $0x9FFFFFFF  }
0xc3: {  	(tm) =	ssettm $0x7FFFFFFF  }
tec
execute0_lowered:
.L_overlay_start_1:
0x0: {  	(tag) =	ssettag $0x1  }
0x1: {  	s0 =	rddreg [dreg:$0x0]  }
0x2: {  	s2 =	rddreg [dreg:$0x1]  }
0x3: {  	s3 =	rddreg [dreg:$0x2];
	s4 =	simm.s32 $0x0;
	s13 =	stileid.u32  }
0x4: {  	s1 =	srdreg.scid;
	s17 =	simm.s32 $0x7;
	s18 =	simm.s32 $0x180  }
0x5: {  	s19 =	simm.s32 $0x78;
	s28 =	simm.s32 $0x2;
	s29 =	simm.s32 $0x200  }
0x6: {  	s30 =	simm.s32 $0x3;
	s31 =	simm.s32 $0x4;
	[smem:$0x7FF] =	sst s4  }
0x7: {  	s7 =	smul.u32 $0x14000, s13;
	s1 =	sand.u32 $0x1, s1;
	s5 =	sadd.s32 $0x2CA00, s0  }
0x8: {  	s6 =	sadd.s32 $0x7CA00, s0;
	s10 =	smul.u32 $0x50000, s13;
	s22 =	sshll.u32 s13, $0x6  }
0x9: {  	s8 =	smul.u32 $0x140000, s1;
	s20 =	sshll.u32 s1, $0x4;
	s1 =	ssub.s32 $0x2, s1  }
0xa: {  	_ =	strace $0x8000004A;
	s9 =	sshrl.u32 s7, $0x3;
	s12 =	sshrl.u32 s1, $0x1  }
0xb: {  	s21 =	sshrl.u32 s10, $0x2;
	s9 =	sadd.s32 s9, s0;
	s7 =	sadd.s32 s7, s8  }
0xc: {  	s8 =	sor.u32 s13, s20;
	s1 =	ssub.s32 s1, s12;
	s20 =	simm.s32 $0x300  }
0xd: {  	s11 =	sshrl.u32 s7, $0x3;
	s7 =	smul.u32 $0x2C00, s8;
	s8 =	sadd.s32 s21, s3  }
0xe: {  	s9 =	sadd.s32 $0x4A00, s9;
	s15 =	smax.u32 s1, $0x1;
	s21 =	simm.s32 $0x80  }
0xf: {  	s1 =	simm.s32 $0x6;
	s0 =	sadd.s32 s11, s0;
	[dreg:$0x4] =	wrdreg s9  }
0x10: {  	s9 =	sor.u32 $0x1C07, s22;
	s16 =	sshrl.u32 s8, $0x3;
	s22 =	simm.s32 $0x3F00  }
0x11: {  	s8 =	simm.s32 $0x0;
	s23 =	sshrl.u32 s7, $0x3;
	s14 =	sadd.s32 $0x87A00, s0  }
.Ltmp0:
0x12: {  	s0 =	simm.s32 $0x5;
	s25 =	sadd.s32 s6, s23;
	(pc) =	sbr.rel .LBB2_1-.Ltmp0, $4  }
0x13: {  	s24 =	sor.u32 $0x10, s23;
	s11 =	sadd.s32 s2, s23;
	[dreg:$0x5] =	wrdreg s25  }
0x14: {  	s23 =	simm.s32 $0x1;
	[dreg:$0x6] =	wrdreg s11;
	s26 =	sadd.s32 s6, s24  }
0x15: {  	s10 =	sadd.s32 s2, s24;
	s24 =	simm.s32 $0x100;
	[dreg:$0x7] =	wrdreg s26  }
0x16: {  	s25 =	simm.s32 $0x280;
	[dreg:$0x8] =	wrdreg s10;
	s26 =	simm.s32 $0x7B00  }
.LBB2_4:
0x17: {  	_ =	swait.ge [sflag:s30], $0x3C00  }
0x18: {  	[sflag:s30] =	ssyncset.done $0x0  }
0x19: {  	[sflag:s30] =	ssyncadd.s32 $0xFFFFC400  }
0x1a: {  	[spmem:s3] =	stream.indirect.scatter.add.f32 [tilespmem:s26], [sflag:$0x6], $0x80, s25, s19, $0xb8;
	[tilespmem:$0x1F700] =	vst v63  }
0x1b: {  	_ =	swait.ge [sflag:s31], $0x3C00  }
0x1c: {  	[sflag:s31] =	ssyncset.done $0x0  }
0x1d: {  	[sflag:s31] =	ssyncadd.s32 $0xFFFFC400  }
0x1e: {  	_ =	swait.ge [sflag:s0], $0x3C00  }
0x1f: {  	[sflag:s0] =	ssyncset.done $0x0  }
0x20: {  	[sflag:s0] =	ssyncadd.s32 $0xFFFFC400  }
0x21: {  	_ =	swait.ge [sflag:s1], $0x3C00  }
0x22: {  	s8 =	sadd.s32 $0x1, s8;
	[sflag:s1] =	ssyncset.done $0x0  }
0x23: {  	p0 =	sne.s32 s8, s15;
	[sflag:s1] =	ssyncadd.s32 $0xFFFFC400  }
.Ltmp1:
0x24: {  	[bflag:$0x0] =	sbarrier.arrive $0xFFFF;
	(pc) =	sbr.rel @!p0 .LBB2_5-.Ltmp1, $4  }
0x25: {  	[hbm:s14], [sflag:s9] =	dma.local [spmem:s16], $0x2800  }
0x26: {  	_ =	swait.ge [sflag:s17], $0x2800  }
0x27: {  	[sflag:s17] =	ssyncset.done $0x0  }
0x28: {  	[sflag:s17] =	ssyncadd.s32 $0xFFFFD800  }
.LBB2_1:
0x29: {  	s10 =	rddreg [dreg:$0x4]  }
0x2a: {  	[spmem:s16], [sflag:s9] =	dma.local [hbm:s10], $0x2800  }
0x2b: {  	_ =	swait.ge [sflag:s17], $0x2800  }
0x2c: {  	[sflag:s17] =	ssyncset.done $0x0  }
0x2d: {  	[sflag:s17] =	ssyncadd.s32 $0xFFFFD800  }
0x2e: {  	[bflag:$0x0] =	sbarrier.arrive $0xFFFF  }
0x2f: {  	s13 =	rddreg [dreg:$0x5]  }
0x30: {  	[tilespmem:s4], [sflag:$0x7] =	stream.linear.gather [hbm4b:s13+s4], $0x80, $0x38;
	[tilespmem:$0x1F700] =	vst v63  }
0x31: {  	_ =	swait.ge [sflag:s17], $0x80  }
0x32: {  	[sflag:s17] =	ssyncset.done $0x0  }
0x33: {  	s11 =	rddreg [dreg:$0x6];
	[sflag:s17] =	ssyncadd.s32 $0xFFFFFF80  }
0x34: {  	[tilespmem:s18], [sflag:$0x7] =	stream.linear.gather [hbm4b:s11+s4], $0x80, $0x38;
	[tilespmem:$0x1F700] =	vst v63  }
0x35: {  	_ =	swait.ge [sflag:s17], $0x80  }
0x36: {  	[sflag:s17] =	ssyncset.done $0x0  }
0x37: {  	[sflag:s17] =	ssyncadd.s32 $0xFFFFFF80  }
0x38: {  	[tilespmem:s20], [sflag:$0x1] =	stream.indirect.gather [hbm4b:s5+s19], $0x80, s4, s19, $0xb8;
	[tilespmem:$0x1F700] =	vst v63  }
0x39: {  	s12 =	rddreg [dreg:$0x7]  }
0x3a: {  	[tilespmem:s21], [sflag:$0x7] =	stream.linear.gather [hbm4b:s12+s4], $0x80, $0x38;
	[tilespmem:$0x1F700] =	vst v63  }
0x3b: {  	_ =	swait.ge [sflag:s17], $0x80  }
0x3c: {  	[sflag:s17] =	ssyncset.done $0x0  }
0x3d: {  	s13 =	rddreg [dreg:$0x8];
	[sflag:s17] =	ssyncadd.s32 $0xFFFFFF80  }
0x3e: {  	[tilespmem:s29], [sflag:$0x7] =	stream.linear.gather [hbm4b:s13+s4], $0x80, $0x38;
	[tilespmem:$0x1F700] =	vst v63  }
0x3f: {  	_ =	swait.ge [sflag:s17], $0x80  }
0x40: {  	[sflag:s17] =	ssyncset.done $0x0  }
0x41: {  	s10 =	simm.s32 $0x200;
	[sflag:s17] =	ssyncadd.s32 $0xFFFFFF80  }
0x42: {  	[tilespmem:s22], [sflag:$0x2] =	stream.indirect.gather [hbm4b:s5+s19], $0x80, s21, s19, $0xb8;
	[tilespmem:$0x1F700] =	vst v63  }
.LBB2_2:
0x43: {  	_ =	swait.ge [sflag:s23], $0x3C00;
	s11 =	sadd.s32 $0xFFFFFF00, s10;
	p0 =	seq.s32 s10, $0x200  }
0x44: {  	[sflag:s23] =	ssyncset.done $0x0;
	s12 =	sand.u32 $0x7C00, s11;
	s13 =	simm.s32 @!p0 $0x6  }
0x45: {  	s11 =	sand.u32 $0x380, s11;
	[sflag:s23] =	ssyncadd.s32 $0xFFFFC400;
	s12 =	sadd.s32 s7, s12  }
0x46: {  	[spmem:s3] =	stream.indirect.scatter.add.f32 [tilespmem:s20], [sflag:$0x4], $0x80, s18, s19, $0xb8;
	[tilespmem:$0x1F700] =	vst v63  }
0x47: {  	s11 =	sor.u32 s11, s12;
	_ =	swait.ge @!p0 [sflag:s13], $0x3C00  }
0x48: {  	s11 =	sshrl.u32 s11, $0x3;
	[sflag:s13] =	ssyncset.done @!p0 $0x0  }
0x49: {  	[sflag:s13] =	ssyncadd.s32 @!p0 $0xFFFFC400;
	s13 =	sadd.s32 s6, s11  }
0x4a: {  	[tilespmem:s24], [sflag:$0x7] =	stream.linear.gather [hbm4b:s13+s4], $0x80, $0x38;
	[tilespmem:$0x1F700] =	vst v63  }
0x4b: {  	_ =	swait.ge [sflag:s17], $0x80  }
0x4c: {  	[sflag:s17] =	ssyncset.done $0x0  }
0x4d: {  	s11 =	sadd.s32 s2, s11;
	[sflag:s17] =	ssyncadd.s32 $0xFFFFFF80  }
0x4e: {  	[tilespmem:s25], [sflag:$0x7] =	stream.linear.gather [hbm4b:s11+s4], $0x80, $0x38;
	[tilespmem:$0x1F700] =	vst v63  }
0x4f: {  	_ =	swait.ge [sflag:s17], $0x80  }
0x50: {  	[sflag:s17] =	ssyncset.done $0x0  }
0x51: {  	p0 =	seq.s32 s10, $0x2A80;
	[sflag:s17] =	ssyncadd.s32 $0xFFFFFF80  }
0x52: {  	[tilespmem:s26], [sflag:$0x3] =	stream.indirect.gather [hbm4b:s5+s19], $0x80, s24, s19, $0xb8;
	[tilespmem:$0x1F700] =	vst v63  }
.Ltmp2:
0x53: {  	_ = 	snop;
	(pc) =	sbr.rel @p0 .LBB2_4-.Ltmp2, $4  }
0x54: {  	_ =	swait.ge [sflag:s28], $0x3C00  }
0x55: {  	[sflag:s28] =	ssyncset.done $0x0  }
0x56: {  	[sflag:s28] =	ssyncadd.s32 $0xFFFFC400  }
0x57: {  	[spmem:s3] =	stream.indirect.scatter.add.f32 [tilespmem:s22], [sflag:$0x5], $0x80, s29, s19, $0xb8;
	[tilespmem:$0x1F700] =	vst v63  }
0x58: {  	s11 =	sadd.s32 $0xFFFFFF80, s10  }
0x59: {  	s12 =	sand.u32 $0x7C00, s11  }
0x5a: {  	s11 =	sand.u32 $0x380, s11;
	s12 =	sadd.s32 s7, s12  }
0x5b: {  	_ =	swait.ge [sflag:s31], $0x3C00;
	s11 =	sor.u32 s11, s12  }
0x5c: {  	[sflag:s31] =	ssyncset.done $0x0;
	s11 =	sshrl.u32 s11, $0x3  }
0x5d: {  	[sflag:s31] =	ssyncadd.s32 $0xFFFFC400;
	s13 =	sadd.s32 s6, s11  }
0x5e: {  	[tilespmem:s4], [sflag:$0x7] =	stream.linear.gather [hbm4b:s13+s4], $0x80, $0x38;
	[tilespmem:$0x1F700] =	vst v63  }
0x5f: {  	_ =	swait.ge [sflag:s17], $0x80  }
0x60: {  	[sflag:s17] =	ssyncset.done $0x0  }
0x61: {  	s11 =	sadd.s32 s2, s11;
	[sflag:s17] =	ssyncadd.s32 $0xFFFFFF80  }
0x62: {  	[tilespmem:s18], [sflag:$0x7] =	stream.linear.gather [hbm4b:s11+s4], $0x80, $0x38;
	[tilespmem:$0x1F700] =	vst v63  }
0x63: {  	_ =	swait.ge [sflag:s17], $0x80  }
0x64: {  	[sflag:s17] =	ssyncset.done $0x0  }
0x65: {  	[sflag:s17] =	ssyncadd.s32 $0xFFFFFF80  }
0x66: {  	[tilespmem:s20], [sflag:$0x1] =	stream.indirect.gather [hbm4b:s5+s19], $0x80, s4, s19, $0xb8;
	[tilespmem:$0x1F700] =	vst v63  }
0x67: {  	_ =	swait.ge [sflag:s30], $0x3C00  }
0x68: {  	s12 =	sand.u32 $0x7C00, s10;
	[sflag:s30] =	ssyncset.done $0x0  }
0x69: {  	s13 =	sand.u32 $0x380, s10;
	s11 =	sadd.s32 s7, s12;
	[sflag:s30] =	ssyncadd.s32 $0xFFFFC400  }
0x6a: {  	[spmem:s3] =	stream.indirect.scatter.add.f32 [tilespmem:s26], [sflag:$0x6], $0x80, s25, s19, $0xb8;
	[tilespmem:$0x1F700] =	vst v63  }
0x6b: {  	s11 =	sor.u32 s13, s11;
	_ =	swait.ge [sflag:s0], $0x3C00  }
0x6c: {  	s11 =	sshrl.u32 s11, $0x3;
	[sflag:s0] =	ssyncset.done $0x0  }
0x6d: {  	s13 =	sadd.s32 s6, s11;
	[sflag:s0] =	ssyncadd.s32 $0xFFFFC400  }
0x6e: {  	[tilespmem:s21], [sflag:$0x7] =	stream.linear.gather [hbm4b:s13+s4], $0x80, $0x38;
	[tilespmem:$0x1F700] =	vst v63  }
0x6f: {  	_ =	swait.ge [sflag:s17], $0x80  }
0x70: {  	[sflag:s17] =	ssyncset.done $0x0  }
0x71: {  	s11 =	sadd.s32 s2, s11;
	[sflag:s17] =	ssyncadd.s32 $0xFFFFFF80  }
0x72: {  	[tilespmem:s29], [sflag:$0x7] =	stream.linear.gather [hbm4b:s11+s4], $0x80, $0x38;
	[tilespmem:$0x1F700] =	vst v63  }
.Ltmp3:
0x73: {  	_ = 	snop;
	(pc) =	sbr.rel .LBB2_2-.Ltmp3, $4  }
0x74: {  	_ =	swait.ge [sflag:s17], $0x80  }
0x75: {  	[sflag:s17] =	ssyncset.done $0x0  }
0x76: {  	s10 =	sadd.s32 $0x180, s10;
	[sflag:s17] =	ssyncadd.s32 $0xFFFFFF80  }
0x77: {  	[tilespmem:s22], [sflag:$0x2] =	stream.indirect.gather [hbm4b:s5+s19], $0x80, s21, s19, $0xb8;
	[tilespmem:$0x1F700] =	vst v63  }
.LBB2_5:
0x78: {  	_ =	sfence.sel $0x180000  }
0x79: {  	[bflag:$0x0] =	sbarrier.arrive $0xFFFF  }
0x7a: {  	_ =	strace $0x9000004A  }
0x7b: {  	s0 =	stileid.u32;
	[bflag:$0x2] =	sbarrier.arrive $0xFFFF  }
0x7c: {  	p0 =	sne.s32 s0, $0x0;
	s0 =	rddreg [dreg:$0x3]  }
0x7d: {  	s0 =	sadd.s32 @!p0 $0x100000, s0  }
0x7e: {  	[sflag:s0] =	ssyncadd.tile.s32 @!p0 $0x1;
	_ =	shalt  }
.Lfunc_end2:
_tile_overlayer_lowered:
.L_overlay_start_2:
0x7f: {  	(tag) =	ssettag $0x2  }
0x80: {  	s0 =	rddreg [dreg:$0x0];
	s2 =	stileid.u32  }
0x81: {  	s1 =	rddreg [dreg:$0x1];
	p0 =	sne.s32 s2, $0x0  }
0x82: {  	s3 =	rddreg [dreg:$0x2];
	[bflag:$0x3] =	sbarrier.arrive $0xFFFF;
	s2 =	simm.s32 @!p0 $0x1C07  }
0x83: {  	[timem:s3], [sflag:s2] =	dma.local @!p0 [hbm:s0], s1  }
0x84: {  	s0 =	simm.s32 @!p0 $0x7  }
0x85: {  	_ =	swait.ge @!p0 [sflag:s0], s1  }
0x86: {  	s1 =	ssub.s32 @!p0 $0x0, s1;
	[sflag:s0] =	ssyncset.done @!p0 $0x0  }
0x87: {  	[sflag:s0] =	ssyncadd.s32 @!p0 s1  }
0x88: {  	[bflag:$0x3] =	sbarrier.arrive $0xFFFF  }
0x89: {  	_ =	shalt  }

// kernel: kernel.17.cloned.1.call-start
scs
__scs_entry_jumppad:
0x0: {  	(pc) =	sbr.rel $0x88, $3  }
0x1: {  	(tag) =	ssettag $0x0;
	lr =	simm.s32 $0x1  }
0x2: {  	[smem:$0x3F93] =	sst lr;
	_ =	strace $0xD0000000  }
0x3: {  	_ = 	snop  }
0x4: {  	_ = 	snop  }
0x5: {  	_ = 	snop  }
0x6: {  	_ = 	snop  }
0x7: {  	_ = 	snop  }
__scs_overlays_trampoline_lowered:
0x8: {  	[smem:$0x3FA2] =	sst s0  }
0x9: {  	[smem:$0x3FA3] =	sst s1  }
0xa: {  	[smem:$0x3FA4] =	sst s2  }
0xb: {  	[smem:$0x3FA5] =	sst s3  }
0xc: {  	[smem:$0x3FA6] =	sst s4  }
0xd: {  	[smem:$0x3FA7] =	sst s5  }
0xe: {  	[smem:$0x3FA8] =	sst s6  }
0xf: {  	[smem:$0x3FA9] =	sst s7  }
0x10: {  	[smem:$0x3FAA] =	sst s8  }
0x11: {  	[smem:$0x3FAB] =	sst s9;
	s0 =	simm.s32 @!p0 $0x0  }
0x12: {  	s1 =	sld [smem:$0x3F91];
	s0 =	simm.s32 @p0 $0x1  }
0x13: {  	[smem:$0x3FAC] =	sst s0;
	s0 =	simm.s32 @!p1 $0x0  }
0x14: {  	s2 =	sld [smem:$0x3F90];
	s0 =	simm.s32 @p1 $0x1  }
0x15: {  	[smem:$0x3FAD] =	sst s0;
	s0 =	simm.s32 @!p2 $0x0  }
0x16: {  	s3 =	sld [smem:$0x3FDB];
	s0 =	simm.s32 @p2 $0x1  }
0x17: {  	s4 =	simm.s32 $0x1BF5;
	[smem:$0x3FAF] =	sst s0  }
0x18: {  	s0 =	sld [smem:$0x3F92];
	_ =	swait.ge [sflag:s4], $0x0  }
0x19: {  	s7 =	sld [smem:$0x3F93]  }
0x1a: {  	s8 =	sadd.s32 $0xFFFFE003, lr  }
0x1b: {  	s9 =	sadd.s32 $0xFFFFFEF7, lr;
	s5 =	simm.s32 $0xFFFFFFFF;
	p2 =	slt.u32 s8, $0xFFFFF086  }
0x1c: {  	p1 =	slt.u32 s9, $0xF7A;
	s5 =	simm.s32 @!p2 $0x0  }
0x1d: {  	s5 =	simm.s32 @p1 $0x1;
	p0 =	seq.s32 s7, s2  }
0x1e: {  	s7 =	smul.u32 @!p0 $0xF7A, s2;
	p2 =	seq.s32 @!p0 s5, $0x0  }
0x1f: {  	s9 =	smul.u32 $0xF7A, s1;
	s8 =	simm.s32 @!p0 $0x1BF5;
	p2 =	por !p2, p0  }
0x20: {  	[sflag:s8] =	ssyncset.s32 @!p0 $0xFFFFF086;
	s6 =	sadd.s32 @!p0 s3, s7;
	s7 =	simm.s32 @!p0 $0x108  }
0x21: {  	s3 =	sadd.s32 s3, s9;
	s6 =	sadd.s32 @!p0 $0x88, s6;
	s7 =	simm.s32 @p2 $0x1082  }
0x22: {  	[simem:s7], [sflag:s8] =	dma.local @!p0 [hbm:s6], $0xF7A  }
0x23: {  	s9 =	sor.u32 $0xD0000000, s2;
	s6 =	simm.s32 $0x108;
	_ =	swait.ge @!p0 [sflag:s8], $0x0  }
0x24: {  	s3 =	sadd.s32 $0x88, s3;
	s6 =	simm.s32 @!p1 $0x1082;
	[sflag:s4] =	ssyncset.s32 $0xFFFFF086  }
0x25: {  	[simem:s6], [sflag:s4] =	dma.local [hbm:s3], $0xF7A  }
0x26: {  	[smem:$0x3F93] =	sst s1;
	(tag) =	ssettag s2;
	_ =	strace s9  }
0x27: {  	s1 =	sld [smem:$0x3FA3]  }
0x28: {  	s2 =	sld [smem:$0x3FA4]  }
0x29: {  	s4 =	sld [smem:$0x3FA6]  }
0x2a: {  	p0 =	seq.s32 s5, $0x0;
	s5 =	sld [smem:$0x3FA7]  }
0x2b: {  	s6 =	sld [smem:$0x3FA8]  }
0x2c: {  	s7 =	sld [smem:$0x3FA9]  }
0x2d: {  	s3 =	simm.s32 $0x108;
	s8 =	sld [smem:$0x3FAA]  }
0x2e: {  	s3 =	simm.s32 @!p0 $0x1082;
	s9 =	sld [smem:$0x3FAB]  }
0x2f: {  	lr =	sadd.s32 s0, s3;
	s0 =	sld [smem:$0x3FA2]  }
0x30: {  	s3 =	sld [smem:$0x3FA5]  }
0x31: {  	[smem:$0x3FAE] =	sst s10  }
0x32: {  	s10 =	sld [smem:$0x3FAC];
	_ =	sdelay $0x3  }
0x33: {  	p0 =	seq.s32 s10, $0x1;
	s10 =	sld [smem:$0x3FAE];
	_ =	sdelay $0x3  }
0x34: {  	[smem:$0x3FAE] =	sst s10  }
0x35: {  	s10 =	sld [smem:$0x3FAD];
	_ =	sdelay $0x3  }
0x36: {  	p1 =	seq.s32 s10, $0x1;
	s10 =	sld [smem:$0x3FAE];
	_ =	sdelay $0x3  }
0x37: {  	[smem:$0x3FAE] =	sst s10  }
0x38: {  	s10 =	sld [smem:$0x3FAF]  }
0x39: {  	_ = 	snop;
	(pc) =	sbr.ind lr, $3  }
0x3a: {  	_ = 	snop  }
0x3b: {  	_ = 	snop  }
0x3c: {  	p2 =	seq.s32 s10, $0x1;
	s10 =	sld [smem:$0x3FAE]  }
0x3d: {  	_ =	shalt  }
0x3e: {  	_ =	shalt  }
0x3f: {  	_ =	shalt  }
0x40: {  	_ =	shalt  }
0x41: {  	_ =	shalt  }
0x42: {  	_ =	shalt  }
0x43: {  	_ =	shalt  }
0x44: {  	_ =	shalt  }
0x45: {  	_ =	shalt  }
0x46: {  	_ =	shalt  }
0x47: {  	_ =	shalt  }
0x48: {  	_ =	shalt  }
0x49: {  	_ =	shalt  }
0x4a: {  	_ =	shalt  }
0x4b: {  	_ =	shalt  }
0x4c: {  	_ =	shalt  }
0x4d: {  	_ =	shalt  }
0x4e: {  	_ =	shalt  }
0x4f: {  	_ =	shalt  }
0x50: {  	_ =	shalt  }
0x51: {  	_ =	shalt  }
0x52: {  	_ =	shalt  }
0x53: {  	_ =	shalt  }
0x54: {  	_ =	shalt  }
0x55: {  	_ =	shalt  }
0x56: {  	_ =	shalt  }
0x57: {  	_ =	shalt  }
0x58: {  	_ =	shalt  }
0x59: {  	_ =	shalt  }
0x5a: {  	_ =	shalt  }
0x5b: {  	_ =	shalt  }
0x5c: {  	_ =	shalt  }
0x5d: {  	_ =	shalt  }
0x5e: {  	_ =	shalt  }
0x5f: {  	_ =	shalt  }
0x60: {  	_ =	shalt  }
0x61: {  	_ =	shalt  }
0x62: {  	_ =	shalt  }
0x63: {  	_ =	shalt  }
0x64: {  	_ =	shalt  }
0x65: {  	_ =	shalt  }
0x66: {  	_ =	shalt  }
0x67: {  	_ =	shalt  }
0x68: {  	_ =	shalt  }
0x69: {  	_ =	shalt  }
0x6a: {  	_ =	shalt  }
0x6b: {  	_ =	shalt  }
0x6c: {  	_ =	shalt  }
0x6d: {  	_ =	shalt  }
0x6e: {  	_ =	shalt  }
0x6f: {  	_ =	shalt  }
0x70: {  	_ =	shalt  }
0x71: {  	_ =	shalt  }
0x72: {  	_ =	shalt  }
0x73: {  	_ =	shalt  }
0x74: {  	_ =	shalt  }
0x75: {  	_ =	shalt  }
0x76: {  	_ =	shalt  }
0x77: {  	_ =	shalt  }
0x78: {  	_ =	shalt  }
0x79: {  	_ =	shalt  }
0x7a: {  	_ =	shalt  }
0x7b: {  	_ =	shalt  }
0x7c: {  	_ =	shalt  }
0x7d: {  	_ =	shalt  }
0x7e: {  	_ =	shalt  }
0x7f: {  	_ =	shalt  }
0x80: {  	_ =	shalt  }
0x81: {  	_ =	shalt  }
0x82: {  	_ =	shalt  }
0x83: {  	_ =	shalt  }
0x84: {  	_ =	shalt  }
0x85: {  	_ =	shalt  }
0x86: {  	_ =	shalt  }
0x87: {  	_ =	shalt  }
.Lfunc_end0:
.L_simem_size_0:
called_computation.2_lowered:
.L_overlay_start_0:
0x88: {  	s2 =	sld [smem:$0x3FD9]  }
0x89: {  	s3 =	sld [smem:$0x3FFE];
	_ =	sdelay $0x1  }
0x8a: {  	s1 =	srdreg.scid  }
0x8b: {  	s0 =	sand.u32 $0x1, s1  }
0x8c: {  	s17 =	sshll.u32 s0, $0xA;
	s2 =	sadd.s32 s3, s2  }
0x8d: {  	s2 =	sadd.s32 s2, s17  }
0x8e: {  	[smem:$0x3FBA] =	sst s2  }
0x8f: {  	_ = 	snop  }
0x90: {  	s2 =	sld [smem:$0x3FD0];
	(tm) =	ssettm $0x1  }
0x91: {  	s18 =	sld [smem:$0x3FFB];
	_ =	sdelay $0x3  }
0x92: {  	_ =	strace s18  }
0x93: {  	s3 =	sld [smem:$0x3FFC];
	_ =	sdelay $0x3  }
0x94: {  	_ =	strace s3  }
0x95: {  	s3 =	sld [smem:$0x3FFD];
	_ =	sdelay $0x3  }
0x96: {  	_ =	strace s3  }
0x97: {  	_ =	strace $0x8FFFFFFF  }
0x98: {  	s19 =	sld [smem:$0x3FDB];
	_ =	sdelay $0x1  }
0x99: {  	s4 =	simm.s32 $_scs_section_size  }
0x9a: {  	s5 =	simm.s32 $_size__tile_overlayer_lowered;
	s6 =	simm.s32 $_tile_overlayer_lowered  }
0x9b: {  	s22 =	simm.s32 $0x1BFF;
	s21 =	sshll.u32 s6, $0x1;
	s3 =	sadd.s32 s4, s19  }
0x9c: {  	s7 =	simm.s32 $0x0;
	s20 =	sshll.u32 s5, $0x1;
	s5 =	sadd.s32 s21, s3  }
0x9d: {  	[timem:s7], [sflag:s22] =	dma.local [hbm:s5], s20  }
0x9e: {  	_ =	swait.ge [sflag:s22], s20  }
0x9f: {  	s4 =	ssub.s32 $0x0, s20;
	[sflag:s22] =	ssyncset.done $0x0  }
0xa0: {  	[sflag:s22] =	ssyncadd.s32 s4;
	_ =	sdelay $0x1  }
0xa1: {  	s23 =	simm.s32 $0x1B8B  }
0xa2: {  	_ =	swait.ge [sflag:s23], $0x1  }
0xa3: {  	[sflag:s23] =	ssyncset.done $0x0  }
0xa4: {  	s25 =	simm.s32 $0x1B8E;
	s24 =	sld [smem:$0x3FFE];
	[sflag:s23] =	ssyncadd.s32 $0xFFFFFFFF  }
0xa5: {  	s26 =	simm.s32 $execute0_lowered;
	[smem:$0x3FD2] =	sst s25  }
0xa6: {  	s5 =	sshll.u32 s26, $0x1;
	_ =	strace $0x8000004C;
	[dreg:$0x1] =	wrdreg $0xFFFFFFFF  }
0xa7: {  	s28 =	simm.s32 $_size_execute0_lowered;
	s3 =	sadd.s32 s3, s5;
	[dreg:$0x0] =	wrdreg $0x0  }
0xa8: {  	s5 =	sshll.u32 s28, $0x1;
	[dreg:$0x2] =	wrdreg s3  }
0xa9: {  	[dreg:$0x3] =	wrdreg s5  }
0xaa: {  	[dreg:$0x4] =	wrdreg $0xC0  }
0xab: {  	_ =	task [dreg:s7], $0x5FFFF  }
0xac: {  	[dreg:$0x1] =	wrdreg $0xFFFFFFFF  }
0xad: {  	[dreg:$0x0] =	wrdreg $0x60  }
0xae: {  	[dreg:$0x2] =	wrdreg s24  }
0xaf: {  	[dreg:$0x3] =	wrdreg s2  }
0xb0: {  	[dreg:$0x4] =	wrdreg $0xB7000  }
0xb1: {  	[dreg:$0x5] =	wrdreg $0x9  }
0xb2: {  	_ =	task.clear_ibuf [dreg:s7], $0x6FFFF;
	_ =	strace $0x9000004C  }
0xb3: {  	s29 =	simm.s32 $0x9;
	_ =	strace $0x8000004E  }
0xb4: {  	_ =	swait.ge [sflag:s29], $0x1  }
0xb5: {  	[sflag:s29] =	ssyncadd.s32 $0xFFFFFFFF  }
0xb6: {  	_ =	strace $0x9000004E  }
0xb7: {  	_ =	sfence  }
0xb8: {  	s30 =	sld [smem:$0x0];
	_ =	sdelay $0x2  }
0xb9: {  	s31 =	sshll.u32 s1, $0xD;
	s1 =	sshrl.u32 s1, $0x2  }
0xba: {  	s3 =	sand.u32 $0x4000, s31;
	s1 =	sadd.s32 s1, s30  }
0xbb: {  	s0 =	sor.u32 s3, s0;
	s1 =	sshll.u32 s1, $0x11  }
0xbc: {  	s0 =	sor.u32 s1, s0  }
0xbd: {  	s0 =	sadd.s32 $0x8F2B, s0  }
0xbe: {  	[sflag:s0] =	ssyncadd.remote.s32 $0x1  }
0xbf: {  	_ =	sfence.sel $0xFFFF  }
0xc0: {  	[dreg:$0x0] =	wrdreg $0xFFFFFFFF;
	(pc) =	sbr.abs _section_cstart, $3  }
0xc1: {  	[dreg:$0x1] =	wrdreg $0xFFFFFFFF  }
0xc2: {  	_ =	task.clear_ibuf [dreg:s7], $0x2FFFF;
	_ =	strace $0x9FFFFFFF  }
0xc3: {  	(tm) =	ssettm $0x7FFFFFFF  }
tec
execute0_lowered:
.L_overlay_start_1:
0x0: {  	(tag) =	ssettag $0x1  }
0x1: {  	s0 =	rddreg [dreg:$0x0]  }
0x2: {  	s2 =	rddreg [dreg:$0x1]  }
0x3: {  	s3 =	rddreg [dreg:$0x2];
	s4 =	simm.s32 $0x0;
	s13 =	stileid.u32  }
0x4: {  	s1 =	srdreg.scid;
	s17 =	simm.s32 $0x7;
	s18 =	simm.s32 $0x180  }
0x5: {  	s19 =	simm.s32 $0x78;
	s28 =	simm.s32 $0x2;
	s29 =	simm.s32 $0x200  }
0x6: {  	s30 =	simm.s32 $0x3;
	s31 =	simm.s32 $0x4;
	[smem:$0x7FF] =	sst s4  }
0x7: {  	s7 =	smul.u32 $0x14000, s13;
	s1 =	sand.u32 $0x1, s1;
	s5 =	sadd.s32 $0x2CA00, s0  }
0x8: {  	s6 =	sadd.s32 $0x7CA00, s0;
	s10 =	smul.u32 $0x50000, s13;
	s22 =	sshll.u32 s13, $0x6  }
0x9: {  	s8 =	smul.u32 $0x140000, s1;
	s20 =	sshll.u32 s1, $0x4;
	s1 =	ssub.s32 $0x2, s1  }
0xa: {  	_ =	strace $0x8000004D;
	s9 =	sshrl.u32 s7, $0x3;
	s12 =	sshrl.u32 s1, $0x1  }
0xb: {  	s21 =	sshrl.u32 s10, $0x2;
	s9 =	sadd.s32 s9, s0;
	s7 =	sadd.s32 s7, s8  }
0xc: {  	s8 =	sor.u32 s13, s20;
	s1 =	ssub.s32 s1, s12;
	s20 =	simm.s32 $0x300  }
0xd: {  	s11 =	sshrl.u32 s7, $0x3;
	s7 =	smul.u32 $0x2C00, s8;
	s8 =	sadd.s32 s21, s3  }
0xe: {  	s9 =	sadd.s32 $0x4A00, s9;
	s15 =	smax.u32 s1, $0x1;
	s21 =	simm.s32 $0x80  }
0xf: {  	s1 =	simm.s32 $0x6;
	s0 =	sadd.s32 s11, s0;
	[dreg:$0x4] =	wrdreg s9  }
0x10: {  	s9 =	sor.u32 $0x1C07, s22;
	s16 =	sshrl.u32 s8, $0x3;
	s22 =	simm.s32 $0x3F00  }
0x11: {  	s8 =	simm.s32 $0x0;
	s23 =	sshrl.u32 s7, $0x3;
	s14 =	sadd.s32 $0x87A00, s0  }
.Ltmp0:
0x12: {  	s0 =	simm.s32 $0x5;
	s25 =	sadd.s32 s6, s23;
	(pc) =	sbr.rel .LBB2_1-.Ltmp0, $4  }
0x13: {  	s24 =	sor.u32 $0x10, s23;
	s11 =	sadd.s32 s2, s23;
	[dreg:$0x5] =	wrdreg s25  }
0x14: {  	s23 =	simm.s32 $0x1;
	[dreg:$0x6] =	wrdreg s11;
	s26 =	sadd.s32 s6, s24  }
0x15: {  	s10 =	sadd.s32 s2, s24;
	s24 =	simm.s32 $0x100;
	[dreg:$0x7] =	wrdreg s26  }
0x16: {  	s25 =	simm.s32 $0x280;
	[dreg:$0x8] =	wrdreg s10;
	s26 =	simm.s32 $0x7B00  }
.LBB2_4:
0x17: {  	_ =	swait.ge [sflag:s30], $0x3C00  }
0x18: {  	[sflag:s30] =	ssyncset.done $0x0  }
0x19: {  	[sflag:s30] =	ssyncadd.s32 $0xFFFFC400  }
0x1a: {  	[spmem:s3] =	stream.indirect.scatter.add.f32 [tilespmem:s26], [sflag:$0x6], $0x80, s25, s19, $0xb8;
	[tilespmem:$0x1F700] =	vst v63  }
0x1b: {  	_ =	swait.ge [sflag:s31], $0x3C00  }
0x1c: {  	[sflag:s31] =	ssyncset.done $0x0  }
0x1d: {  	[sflag:s31] =	ssyncadd.s32 $0xFFFFC400  }
0x1e: {  	_ =	swait.ge [sflag:s0], $0x3C00  }
0x1f: {  	[sflag:s0] =	ssyncset.done $0x0  }
0x20: {  	[sflag:s0] =	ssyncadd.s32 $0xFFFFC400  }
0x21: {  	_ =	swait.ge [sflag:s1], $0x3C00  }
0x22: {  	s8 =	sadd.s32 $0x1, s8;
	[sflag:s1] =	ssyncset.done $0x0  }
0x23: {  	p0 =	sne.s32 s8, s15;
	[sflag:s1] =	ssyncadd.s32 $0xFFFFC400  }
.Ltmp1:
0x24: {  	[bflag:$0x0] =	sbarrier.arrive $0xFFFF;
	(pc) =	sbr.rel @!p0 .LBB2_5-.Ltmp1, $4  }
0x25: {  	[hbm:s14], [sflag:s9] =	dma.local [spmem:s16], $0x2800  }
0x26: {  	_ =	swait.ge [sflag:s17], $0x2800  }
0x27: {  	[sflag:s17] =	ssyncset.done $0x0  }
0x28: {  	[sflag:s17] =	ssyncadd.s32 $0xFFFFD800  }
.LBB2_1:
0x29: {  	s10 =	rddreg [dreg:$0x4]  }
0x2a: {  	[spmem:s16], [sflag:s9] =	dma.local [hbm:s10], $0x2800  }
0x2b: {  	_ =	swait.ge [sflag:s17], $0x2800  }
0x2c: {  	[sflag:s17] =	ssyncset.done $0x0  }
0x2d: {  	[sflag:s17] =	ssyncadd.s32 $0xFFFFD800  }
0x2e: {  	[bflag:$0x0] =	sbarrier.arrive $0xFFFF  }
0x2f: {  	s13 =	rddreg [dreg:$0x5]  }
0x30: {  	[tilespmem:s4], [sflag:$0x7] =	stream.linear.gather [hbm4b:s13+s4], $0x80, $0x38;
	[tilespmem:$0x1F700] =	vst v63  }
0x31: {  	_ =	swait.ge [sflag:s17], $0x80  }
0x32: {  	[sflag:s17] =	ssyncset.done $0x0  }
0x33: {  	s11 =	rddreg [dreg:$0x6];
	[sflag:s17] =	ssyncadd.s32 $0xFFFFFF80  }
0x34: {  	[tilespmem:s18], [sflag:$0x7] =	stream.linear.gather [hbm4b:s11+s4], $0x80, $0x38;
	[tilespmem:$0x1F700] =	vst v63  }
0x35: {  	_ =	swait.ge [sflag:s17], $0x80  }
0x36: {  	[sflag:s17] =	ssyncset.done $0x0  }
0x37: {  	[sflag:s17] =	ssyncadd.s32 $0xFFFFFF80  }
0x38: {  	[tilespmem:s20], [sflag:$0x1] =	stream.indirect.gather [hbm4b:s5+s19], $0x80, s4, s19, $0xb8;
	[tilespmem:$0x1F700] =	vst v63  }
0x39: {  	s12 =	rddreg [dreg:$0x7]  }
0x3a: {  	[tilespmem:s21], [sflag:$0x7] =	stream.linear.gather [hbm4b:s12+s4], $0x80, $0x38;
	[tilespmem:$0x1F700] =	vst v63  }
0x3b: {  	_ =	swait.ge [sflag:s17], $0x80  }
0x3c: {  	[sflag:s17] =	ssyncset.done $0x0  }
0x3d: {  	s13 =	rddreg [dreg:$0x8];
	[sflag:s17] =	ssyncadd.s32 $0xFFFFFF80  }
0x3e: {  	[tilespmem:s29], [sflag:$0x7] =	stream.linear.gather [hbm4b:s13+s4], $0x80, $0x38;
	[tilespmem:$0x1F700] =	vst v63  }
0x3f: {  	_ =	swait.ge [sflag:s17], $0x80  }
0x40: {  	[sflag:s17] =	ssyncset.done $0x0  }
0x41: {  	s10 =	simm.s32 $0x200;
	[sflag:s17] =	ssyncadd.s32 $0xFFFFFF80  }
0x42: {  	[tilespmem:s22], [sflag:$0x2] =	stream.indirect.gather [hbm4b:s5+s19], $0x80, s21, s19, $0xb8;
	[tilespmem:$0x1F700] =	vst v63  }
.LBB2_2:
0x43: {  	_ =	swait.ge [sflag:s23], $0x3C00;
	s11 =	sadd.s32 $0xFFFFFF00, s10;
	p0 =	seq.s32 s10, $0x200  }
0x44: {  	[sflag:s23] =	ssyncset.done $0x0;
	s12 =	sand.u32 $0x7C00, s11;
	s13 =	simm.s32 @!p0 $0x6  }
0x45: {  	s11 =	sand.u32 $0x380, s11;
	[sflag:s23] =	ssyncadd.s32 $0xFFFFC400;
	s12 =	sadd.s32 s7, s12  }
0x46: {  	[spmem:s3] =	stream.indirect.scatter.add.f32 [tilespmem:s20], [sflag:$0x4], $0x80, s18, s19, $0xb8;
	[tilespmem:$0x1F700] =	vst v63  }
0x47: {  	s11 =	sor.u32 s11, s12;
	_ =	swait.ge @!p0 [sflag:s13], $0x3C00  }
0x48: {  	s11 =	sshrl.u32 s11, $0x3;
	[sflag:s13] =	ssyncset.done @!p0 $0x0  }
0x49: {  	[sflag:s13] =	ssyncadd.s32 @!p0 $0xFFFFC400;
	s13 =	sadd.s32 s6, s11  }
0x4a: {  	[tilespmem:s24], [sflag:$0x7] =	stream.linear.gather [hbm4b:s13+s4], $0x80, $0x38;
	[tilespmem:$0x1F700] =	vst v63  }
0x4b: {  	_ =	swait.ge [sflag:s17], $0x80  }
0x4c: {  	[sflag:s17] =	ssyncset.done $0x0  }
0x4d: {  	s11 =	sadd.s32 s2, s11;
	[sflag:s17] =	ssyncadd.s32 $0xFFFFFF80  }
0x4e: {  	[tilespmem:s25], [sflag:$0x7] =	stream.linear.gather [hbm4b:s11+s4], $0x80, $0x38;
	[tilespmem:$0x1F700] =	vst v63  }
0x4f: {  	_ =	swait.ge [sflag:s17], $0x80  }
0x50: {  	[sflag:s17] =	ssyncset.done $0x0  }
0x51: {  	p0 =	seq.s32 s10, $0x2A80;
	[sflag:s17] =	ssyncadd.s32 $0xFFFFFF80  }
0x52: {  	[tilespmem:s26], [sflag:$0x3] =	stream.indirect.gather [hbm4b:s5+s19], $0x80, s24, s19, $0xb8;
	[tilespmem:$0x1F700] =	vst v63  }
.Ltmp2:
0x53: {  	_ = 	snop;
	(pc) =	sbr.rel @p0 .LBB2_4-.Ltmp2, $4  }
0x54: {  	_ =	swait.ge [sflag:s28], $0x3C00  }
0x55: {  	[sflag:s28] =	ssyncset.done $0x0  }
0x56: {  	[sflag:s28] =	ssyncadd.s32 $0xFFFFC400  }
0x57: {  	[spmem:s3] =	stream.indirect.scatter.add.f32 [tilespmem:s22], [sflag:$0x5], $0x80, s29, s19, $0xb8;
	[tilespmem:$0x1F700] =	vst v63  }
0x58: {  	s11 =	sadd.s32 $0xFFFFFF80, s10  }
0x59: {  	s12 =	sand.u32 $0x7C00, s11  }
0x5a: {  	s11 =	sand.u32 $0x380, s11;
	s12 =	sadd.s32 s7, s12  }
0x5b: {  	_ =	swait.ge [sflag:s31], $0x3C00;
	s11 =	sor.u32 s11, s12  }
0x5c: {  	[sflag:s31] =	ssyncset.done $0x0;
	s11 =	sshrl.u32 s11, $0x3  }
0x5d: {  	[sflag:s31] =	ssyncadd.s32 $0xFFFFC400;
	s13 =	sadd.s32 s6, s11  }
0x5e: {  	[tilespmem:s4], [sflag:$0x7] =	stream.linear.gather [hbm4b:s13+s4], $0x80, $0x38;
	[tilespmem:$0x1F700] =	vst v63  }
0x5f: {  	_ =	swait.ge [sflag:s17], $0x80  }
0x60: {  	[sflag:s17] =	ssyncset.done $0x0  }
0x61: {  	s11 =	sadd.s32 s2, s11;
	[sflag:s17] =	ssyncadd.s32 $0xFFFFFF80  }
0x62: {  	[tilespmem:s18], [sflag:$0x7] =	stream.linear.gather [hbm4b:s11+s4], $0x80, $0x38;
	[tilespmem:$0x1F700] =	vst v63  }
0x63: {  	_ =	swait.ge [sflag:s17], $0x80  }
0x64: {  	[sflag:s17] =	ssyncset.done $0x0  }
0x65: {  	[sflag:s17] =	ssyncadd.s32 $0xFFFFFF80  }
0x66: {  	[tilespmem:s20], [sflag:$0x1] =	stream.indirect.gather [hbm4b:s5+s19], $0x80, s4, s19, $0xb8;
	[tilespmem:$0x1F700] =	vst v63  }
0x67: {  	_ =	swait.ge [sflag:s30], $0x3C00  }
0x68: {  	s12 =	sand.u32 $0x7C00, s10;
	[sflag:s30] =	ssyncset.done $0x0  }
0x69: {  	s13 =	sand.u32 $0x380, s10;
	s11 =	sadd.s32 s7, s12;
	[sflag:s30] =	ssyncadd.s32 $0xFFFFC400  }
0x6a: {  	[spmem:s3] =	stream.indirect.scatter.add.f32 [tilespmem:s26], [sflag:$0x6], $0x80, s25, s19, $0xb8;
	[tilespmem:$0x1F700] =	vst v63  }
0x6b: {  	s11 =	sor.u32 s13, s11;
	_ =	swait.ge [sflag:s0], $0x3C00  }
0x6c: {  	s11 =	sshrl.u32 s11, $0x3;
	[sflag:s0] =	ssyncset.done $0x0  }
0x6d: {  	s13 =	sadd.s32 s6, s11;
	[sflag:s0] =	ssyncadd.s32 $0xFFFFC400  }
0x6e: {  	[tilespmem:s21], [sflag:$0x7] =	stream.linear.gather [hbm4b:s13+s4], $0x80, $0x38;
	[tilespmem:$0x1F700] =	vst v63  }
0x6f: {  	_ =	swait.ge [sflag:s17], $0x80  }
0x70: {  	[sflag:s17] =	ssyncset.done $0x0  }
0x71: {  	s11 =	sadd.s32 s2, s11;
	[sflag:s17] =	ssyncadd.s32 $0xFFFFFF80  }
0x72: {  	[tilespmem:s29], [sflag:$0x7] =	stream.linear.gather [hbm4b:s11+s4], $0x80, $0x38;
	[tilespmem:$0x1F700] =	vst v63  }
.Ltmp3:
0x73: {  	_ = 	snop;
	(pc) =	sbr.rel .LBB2_2-.Ltmp3, $4  }
0x74: {  	_ =	swait.ge [sflag:s17], $0x80  }
0x75: {  	[sflag:s17] =	ssyncset.done $0x0  }
0x76: {  	s10 =	sadd.s32 $0x180, s10;
	[sflag:s17] =	ssyncadd.s32 $0xFFFFFF80  }
0x77: {  	[tilespmem:s22], [sflag:$0x2] =	stream.indirect.gather [hbm4b:s5+s19], $0x80, s21, s19, $0xb8;
	[tilespmem:$0x1F700] =	vst v63  }
.LBB2_5:
0x78: {  	_ =	sfence.sel $0x180000  }
0x79: {  	[bflag:$0x0] =	sbarrier.arrive $0xFFFF  }
0x7a: {  	_ =	strace $0x9000004D  }
0x7b: {  	s0 =	stileid.u32;
	[bflag:$0x2] =	sbarrier.arrive $0xFFFF  }
0x7c: {  	p0 =	sne.s32 s0, $0x0;
	s0 =	rddreg [dreg:$0x3]  }
0x7d: {  	s0 =	sadd.s32 @!p0 $0x100000, s0  }
0x7e: {  	[sflag:s0] =	ssyncadd.tile.s32 @!p0 $0x1;
	_ =	shalt  }
.Lfunc_end2:
_tile_overlayer_lowered:
.L_overlay_start_2:
0x7f: {  	(tag) =	ssettag $0x2  }
0x80: {  	s0 =	rddreg [dreg:$0x0];
	s2 =	stileid.u32  }
0x81: {  	s1 =	rddreg [dreg:$0x1];
	p0 =	sne.s32 s2, $0x0  }
0x82: {  	s3 =	rddreg [dreg:$0x2];
	[bflag:$0x3] =	sbarrier.arrive $0xFFFF;
	s2 =	simm.s32 @!p0 $0x1C07  }
0x83: {  	[timem:s3], [sflag:s2] =	dma.local @!p0 [hbm:s0], s1  }
0x84: {  	s0 =	simm.s32 @!p0 $0x7  }
0x85: {  	_ =	swait.ge @!p0 [sflag:s0], s1  }
0x86: {  	s1 =	ssub.s32 @!p0 $0x0, s1;
	[sflag:s0] =	ssyncset.done @!p0 $0x0  }
0x87: {  	[sflag:s0] =	ssyncadd.s32 @!p0 s1  }
0x88: {  	[bflag:$0x3] =	sbarrier.arrive $0xFFFF  }
0x89: {  	_ =	shalt  }

// kernel: kernel.20.cloned.1.call-start
scs
__scs_entry_jumppad:
0x0: {  	(pc) =	sbr.rel $0x88, $3  }
0x1: {  	(tag) =	ssettag $0x0;
	lr =	simm.s32 $0x1  }
0x2: {  	[smem:$0x3F93] =	sst lr;
	_ =	strace $0xD0000000  }
0x3: {  	_ = 	snop  }
0x4: {  	_ = 	snop  }
0x5: {  	_ = 	snop  }
0x6: {  	_ = 	snop  }
0x7: {  	_ = 	snop  }
__scs_overlays_trampoline_lowered:
0x8: {  	[smem:$0x3FA2] =	sst s0  }
0x9: {  	[smem:$0x3FA3] =	sst s1  }
0xa: {  	[smem:$0x3FA4] =	sst s2  }
0xb: {  	[smem:$0x3FA5] =	sst s3  }
0xc: {  	[smem:$0x3FA6] =	sst s4  }
0xd: {  	[smem:$0x3FA7] =	sst s5  }
0xe: {  	[smem:$0x3FA8] =	sst s6  }
0xf: {  	[smem:$0x3FA9] =	sst s7  }
0x10: {  	[smem:$0x3FAA] =	sst s8  }
0x11: {  	[smem:$0x3FAB] =	sst s9;
	s0 =	simm.s32 @!p0 $0x0  }
0x12: {  	s1 =	sld [smem:$0x3F91];
	s0 =	simm.s32 @p0 $0x1  }
0x13: {  	[smem:$0x3FAC] =	sst s0;
	s0 =	simm.s32 @!p1 $0x0  }
0x14: {  	s2 =	sld [smem:$0x3F90];
	s0 =	simm.s32 @p1 $0x1  }
0x15: {  	[smem:$0x3FAD] =	sst s0;
	s0 =	simm.s32 @!p2 $0x0  }
0x16: {  	s3 =	sld [smem:$0x3FDB];
	s0 =	simm.s32 @p2 $0x1  }
0x17: {  	s4 =	simm.s32 $0x1BF5;
	[smem:$0x3FAF] =	sst s0  }
0x18: {  	s0 =	sld [smem:$0x3F92];
	_ =	swait.ge [sflag:s4], $0x0  }
0x19: {  	s7 =	sld [smem:$0x3F93]  }
0x1a: {  	s8 =	sadd.s32 $0xFFFFE003, lr  }
0x1b: {  	s9 =	sadd.s32 $0xFFFFFEF7, lr;
	s5 =	simm.s32 $0xFFFFFFFF;
	p2 =	slt.u32 s8, $0xFFFFF086  }
0x1c: {  	p1 =	slt.u32 s9, $0xF7A;
	s5 =	simm.s32 @!p2 $0x0  }
0x1d: {  	s5 =	simm.s32 @p1 $0x1;
	p0 =	seq.s32 s7, s2  }
0x1e: {  	s7 =	smul.u32 @!p0 $0xF7A, s2;
	p2 =	seq.s32 @!p0 s5, $0x0  }
0x1f: {  	s9 =	smul.u32 $0xF7A, s1;
	s8 =	simm.s32 @!p0 $0x1BF5;
	p2 =	por !p2, p0  }
0x20: {  	[sflag:s8] =	ssyncset.s32 @!p0 $0xFFFFF086;
	s6 =	sadd.s32 @!p0 s3, s7;
	s7 =	simm.s32 @!p0 $0x108  }
0x21: {  	s3 =	sadd.s32 s3, s9;
	s6 =	sadd.s32 @!p0 $0x88, s6;
	s7 =	simm.s32 @p2 $0x1082  }
0x22: {  	[simem:s7], [sflag:s8] =	dma.local @!p0 [hbm:s6], $0xF7A  }
0x23: {  	s9 =	sor.u32 $0xD0000000, s2;
	s6 =	simm.s32 $0x108;
	_ =	swait.ge @!p0 [sflag:s8], $0x0  }
0x24: {  	s3 =	sadd.s32 $0x88, s3;
	s6 =	simm.s32 @!p1 $0x1082;
	[sflag:s4] =	ssyncset.s32 $0xFFFFF086  }
0x25: {  	[simem:s6], [sflag:s4] =	dma.local [hbm:s3], $0xF7A  }
0x26: {  	[smem:$0x3F93] =	sst s1;
	(tag) =	ssettag s2;
	_ =	strace s9  }
0x27: {  	s1 =	sld [smem:$0x3FA3]  }
0x28: {  	s2 =	sld [smem:$0x3FA4]  }
0x29: {  	s4 =	sld [smem:$0x3FA6]  }
0x2a: {  	p0 =	seq.s32 s5, $0x0;
	s5 =	sld [smem:$0x3FA7]  }
0x2b: {  	s6 =	sld [smem:$0x3FA8]  }
0x2c: {  	s7 =	sld [smem:$0x3FA9]  }
0x2d: {  	s3 =	simm.s32 $0x108;
	s8 =	sld [smem:$0x3FAA]  }
0x2e: {  	s3 =	simm.s32 @!p0 $0x1082;
	s9 =	sld [smem:$0x3FAB]  }
0x2f: {  	lr =	sadd.s32 s0, s3;
	s0 =	sld [smem:$0x3FA2]  }
0x30: {  	s3 =	sld [smem:$0x3FA5]  }
0x31: {  	[smem:$0x3FAE] =	sst s10  }
0x32: {  	s10 =	sld [smem:$0x3FAC];
	_ =	sdelay $0x3  }
0x33: {  	p0 =	seq.s32 s10, $0x1;
	s10 =	sld [smem:$0x3FAE];
	_ =	sdelay $0x3  }
0x34: {  	[smem:$0x3FAE] =	sst s10  }
0x35: {  	s10 =	sld [smem:$0x3FAD];
	_ =	sdelay $0x3  }
0x36: {  	p1 =	seq.s32 s10, $0x1;
	s10 =	sld [smem:$0x3FAE];
	_ =	sdelay $0x3  }
0x37: {  	[smem:$0x3FAE] =	sst s10  }
0x38: {  	s10 =	sld [smem:$0x3FAF]  }
0x39: {  	_ = 	snop;
	(pc) =	sbr.ind lr, $3  }
0x3a: {  	_ = 	snop  }
0x3b: {  	_ = 	snop  }
0x3c: {  	p2 =	seq.s32 s10, $0x1;
	s10 =	sld [smem:$0x3FAE]  }
0x3d: {  	_ =	shalt  }
0x3e: {  	_ =	shalt  }
0x3f: {  	_ =	shalt  }
0x40: {  	_ =	shalt  }
0x41: {  	_ =	shalt  }
0x42: {  	_ =	shalt  }
0x43: {  	_ =	shalt  }
0x44: {  	_ =	shalt  }
0x45: {  	_ =	shalt  }
0x46: {  	_ =	shalt  }
0x47: {  	_ =	shalt  }
0x48: {  	_ =	shalt  }
0x49: {  	_ =	shalt  }
0x4a: {  	_ =	shalt  }
0x4b: {  	_ =	shalt  }
0x4c: {  	_ =	shalt  }
0x4d: {  	_ =	shalt  }
0x4e: {  	_ =	shalt  }
0x4f: {  	_ =	shalt  }
0x50: {  	_ =	shalt  }
0x51: {  	_ =	shalt  }
0x52: {  	_ =	shalt  }
0x53: {  	_ =	shalt  }
0x54: {  	_ =	shalt  }
0x55: {  	_ =	shalt  }
0x56: {  	_ =	shalt  }
0x57: {  	_ =	shalt  }
0x58: {  	_ =	shalt  }
0x59: {  	_ =	shalt  }
0x5a: {  	_ =	shalt  }
0x5b: {  	_ =	shalt  }
0x5c: {  	_ =	shalt  }
0x5d: {  	_ =	shalt  }
0x5e: {  	_ =	shalt  }
0x5f: {  	_ =	shalt  }
0x60: {  	_ =	shalt  }
0x61: {  	_ =	shalt  }
0x62: {  	_ =	shalt  }
0x63: {  	_ =	shalt  }
0x64: {  	_ =	shalt  }
0x65: {  	_ =	shalt  }
0x66: {  	_ =	shalt  }
0x67: {  	_ =	shalt  }
0x68: {  	_ =	shalt  }
0x69: {  	_ =	shalt  }
0x6a: {  	_ =	shalt  }
0x6b: {  	_ =	shalt  }
0x6c: {  	_ =	shalt  }
0x6d: {  	_ =	shalt  }
0x6e: {  	_ =	shalt  }
0x6f: {  	_ =	shalt  }
0x70: {  	_ =	shalt  }
0x71: {  	_ =	shalt  }
0x72: {  	_ =	shalt  }
0x73: {  	_ =	shalt  }
0x74: {  	_ =	shalt  }
0x75: {  	_ =	shalt  }
0x76: {  	_ =	shalt  }
0x77: {  	_ =	shalt  }
0x78: {  	_ =	shalt  }
0x79: {  	_ =	shalt  }
0x7a: {  	_ =	shalt  }
0x7b: {  	_ =	shalt  }
0x7c: {  	_ =	shalt  }
0x7d: {  	_ =	shalt  }
0x7e: {  	_ =	shalt  }
0x7f: {  	_ =	shalt  }
0x80: {  	_ =	shalt  }
0x81: {  	_ =	shalt  }
0x82: {  	_ =	shalt  }
0x83: {  	_ =	shalt  }
0x84: {  	_ =	shalt  }
0x85: {  	_ =	shalt  }
0x86: {  	_ =	shalt  }
0x87: {  	_ =	shalt  }
.Lfunc_end0:
.L_simem_size_0:
called_computation.3_lowered:
.L_overlay_start_0:
0x88: {  	s2 =	sld [smem:$0x3FD9]  }
0x89: {  	s3 =	sld [smem:$0x3FFE];
	_ =	sdelay $0x1  }
0x8a: {  	s1 =	srdreg.scid  }
0x8b: {  	s0 =	sand.u32 $0x1, s1  }
0x8c: {  	s17 =	sshll.u32 s0, $0xA;
	s2 =	sadd.s32 s3, s2  }
0x8d: {  	s2 =	sadd.s32 s2, s17  }
0x8e: {  	[smem:$0x3FBA] =	sst s2  }
0x8f: {  	_ = 	snop  }
0x90: {  	s2 =	sld [smem:$0x3FD0];
	(tm) =	ssettm $0x1  }
0x91: {  	s18 =	sld [smem:$0x3FFB];
	_ =	sdelay $0x3  }
0x92: {  	_ =	strace s18  }
0x93: {  	s3 =	sld [smem:$0x3FFC];
	_ =	sdelay $0x3  }
0x94: {  	_ =	strace s3  }
0x95: {  	s3 =	sld [smem:$0x3FFD];
	_ =	sdelay $0x3  }
0x96: {  	_ =	strace s3  }
0x97: {  	_ =	strace $0x8FFFFFFF  }
0x98: {  	s19 =	sld [smem:$0x3FDB];
	_ =	sdelay $0x1  }
0x99: {  	s4 =	simm.s32 $_scs_section_size  }
0x9a: {  	s5 =	simm.s32 $_size__tile_overlayer_lowered;
	s6 =	simm.s32 $_tile_overlayer_lowered  }
0x9b: {  	s22 =	simm.s32 $0x1BFF;
	s21 =	sshll.u32 s6, $0x1;
	s3 =	sadd.s32 s4, s19  }
0x9c: {  	s7 =	simm.s32 $0x0;
	s20 =	sshll.u32 s5, $0x1;
	s5 =	sadd.s32 s21, s3  }
0x9d: {  	[timem:s7], [sflag:s22] =	dma.local [hbm:s5], s20  }
0x9e: {  	_ =	swait.ge [sflag:s22], s20  }
0x9f: {  	s4 =	ssub.s32 $0x0, s20;
	[sflag:s22] =	ssyncset.done $0x0  }
0xa0: {  	[sflag:s22] =	ssyncadd.s32 s4;
	_ =	sdelay $0x1  }
0xa1: {  	s23 =	simm.s32 $0x1B8B  }
0xa2: {  	_ =	swait.ge [sflag:s23], $0x1  }
0xa3: {  	[sflag:s23] =	ssyncset.done $0x0  }
0xa4: {  	s25 =	simm.s32 $0x1B8E;
	s24 =	sld [smem:$0x3FFE];
	[sflag:s23] =	ssyncadd.s32 $0xFFFFFFFF  }
0xa5: {  	s26 =	simm.s32 $execute0_lowered;
	[smem:$0x3FD2] =	sst s25  }
0xa6: {  	s5 =	sshll.u32 s26, $0x1;
	_ =	strace $0x8000004F;
	[dreg:$0x1] =	wrdreg $0xFFFFFFFF  }
0xa7: {  	s28 =	simm.s32 $_size_execute0_lowered;
	s3 =	sadd.s32 s3, s5;
	[dreg:$0x0] =	wrdreg $0x0  }
0xa8: {  	s5 =	sshll.u32 s28, $0x1;
	[dreg:$0x2] =	wrdreg s3  }
0xa9: {  	[dreg:$0x3] =	wrdreg s5  }
0xaa: {  	[dreg:$0x4] =	wrdreg $0xC0  }
0xab: {  	_ =	task [dreg:s7], $0x5FFFF  }
0xac: {  	[dreg:$0x1] =	wrdreg $0xFFFFFFFF  }
0xad: {  	[dreg:$0x0] =	wrdreg $0x60  }
0xae: {  	[dreg:$0x2] =	wrdreg s24  }
0xaf: {  	[dreg:$0x3] =	wrdreg s2  }
0xb0: {  	[dreg:$0x4] =	wrdreg $0xB7000  }
0xb1: {  	[dreg:$0x5] =	wrdreg $0x9  }
0xb2: {  	_ =	task.clear_ibuf [dreg:s7], $0x6FFFF;
	_ =	strace $0x9000004F  }
0xb3: {  	s29 =	simm.s32 $0x9;
	_ =	strace $0x80000051  }
0xb4: {  	_ =	swait.ge [sflag:s29], $0x1  }
0xb5: {  	[sflag:s29] =	ssyncadd.s32 $0xFFFFFFFF  }
0xb6: {  	_ =	strace $0x90000051  }
0xb7: {  	_ =	sfence  }
0xb8: {  	s30 =	sld [smem:$0x0];
	_ =	sdelay $0x2  }
0xb9: {  	s31 =	sshll.u32 s1, $0xD;
	s1 =	sshrl.u32 s1, $0x2  }
0xba: {  	s3 =	sand.u32 $0x4000, s31;
	s1 =	sadd.s32 s1, s30  }
0xbb: {  	s0 =	sor.u32 s3, s0;
	s1 =	sshll.u32 s1, $0x11  }
0xbc: {  	s0 =	sor.u32 s1, s0  }
0xbd: {  	s0 =	sadd.s32 $0x8F2B, s0  }
0xbe: {  	[sflag:s0] =	ssyncadd.remote.s32 $0x1  }
0xbf: {  	_ =	sfence.sel $0xFFFF  }
0xc0: {  	[dreg:$0x0] =	wrdreg $0xFFFFFFFF;
	(pc) =	sbr.abs _section_cstart, $3  }
0xc1: {  	[dreg:$0x1] =	wrdreg $0xFFFFFFFF  }
0xc2: {  	_ =	task.clear_ibuf [dreg:s7], $0x2FFFF;
	_ =	strace $0x9FFFFFFF  }
0xc3: {  	(tm) =	ssettm $0x7FFFFFFF  }
tec
execute0_lowered:
.L_overlay_start_1:
0x0: {  	(tag) =	ssettag $0x1  }
0x1: {  	s0 =	rddreg [dreg:$0x0]  }
0x2: {  	s2 =	rddreg [dreg:$0x1]  }
0x3: {  	s3 =	rddreg [dreg:$0x2];
	s4 =	simm.s32 $0x0;
	s13 =	stileid.u32  }
0x4: {  	s1 =	srdreg.scid;
	s17 =	simm.s32 $0x7;
	s18 =	simm.s32 $0x180  }
0x5: {  	s19 =	simm.s32 $0x78;
	s28 =	simm.s32 $0x2;
	s29 =	simm.s32 $0x200  }
0x6: {  	s30 =	simm.s32 $0x3;
	s31 =	simm.s32 $0x4;
	[smem:$0x7FF] =	sst s4  }
0x7: {  	s7 =	smul.u32 $0x14000, s13;
	s1 =	sand.u32 $0x1, s1;
	s5 =	sadd.s32 $0x2CA00, s0  }
0x8: {  	s6 =	sadd.s32 $0x7CA00, s0;
	s10 =	smul.u32 $0x50000, s13;
	s22 =	sshll.u32 s13, $0x6  }
0x9: {  	s8 =	smul.u32 $0x140000, s1;
	s20 =	sshll.u32 s1, $0x4;
	s1 =	ssub.s32 $0x2, s1  }
0xa: {  	_ =	strace $0x80000050;
	s9 =	sshrl.u32 s7, $0x3;
	s12 =	sshrl.u32 s1, $0x1  }
0xb: {  	s21 =	sshrl.u32 s10, $0x2;
	s9 =	sadd.s32 s9, s0;
	s7 =	sadd.s32 s7, s8  }
0xc: {  	s8 =	sor.u32 s13, s20;
	s1 =	ssub.s32 s1, s12;
	s20 =	simm.s32 $0x300  }
0xd: {  	s11 =	sshrl.u32 s7, $0x3;
	s7 =	smul.u32 $0x2C00, s8;
	s8 =	sadd.s32 s21, s3  }
0xe: {  	s9 =	sadd.s32 $0x4A00, s9;
	s15 =	smax.u32 s1, $0x1;
	s21 =	simm.s32 $0x80  }
0xf: {  	s1 =	simm.s32 $0x6;
	s0 =	sadd.s32 s11, s0;
	[dreg:$0x4] =	wrdreg s9  }
0x10: {  	s9 =	sor.u32 $0x1C07, s22;
	s16 =	sshrl.u32 s8, $0x3;
	s22 =	simm.s32 $0x3F00  }
0x11: {  	s8 =	simm.s32 $0x0;
	s23 =	sshrl.u32 s7, $0x3;
	s14 =	sadd.s32 $0x87A00, s0  }
.Ltmp0:
0x12: {  	s0 =	simm.s32 $0x5;
	s25 =	sadd.s32 s6, s23;
	(pc) =	sbr.rel .LBB2_1-.Ltmp0, $4  }
0x13: {  	s24 =	sor.u32 $0x10, s23;
	s11 =	sadd.s32 s2, s23;
	[dreg:$0x5] =	wrdreg s25  }
0x14: {  	s23 =	simm.s32 $0x1;
	[dreg:$0x6] =	wrdreg s11;
	s26 =	sadd.s32 s6, s24  }
0x15: {  	s10 =	sadd.s32 s2, s24;
	s24 =	simm.s32 $0x100;
	[dreg:$0x7] =	wrdreg s26  }
0x16: {  	s25 =	simm.s32 $0x280;
	[dreg:$0x8] =	wrdreg s10;
	s26 =	simm.s32 $0x7B00  }
.LBB2_4:
0x17: {  	_ =	swait.ge [sflag:s30], $0x3C00  }
0x18: {  	[sflag:s30] =	ssyncset.done $0x0  }
0x19: {  	[sflag:s30] =	ssyncadd.s32 $0xFFFFC400  }
0x1a: {  	[spmem:s3] =	stream.indirect.scatter.add.f32 [tilespmem:s26], [sflag:$0x6], $0x80, s25, s19, $0xb8;
	[tilespmem:$0x1F700] =	vst v63  }
0x1b: {  	_ =	swait.ge [sflag:s31], $0x3C00  }
0x1c: {  	[sflag:s31] =	ssyncset.done $0x0  }
0x1d: {  	[sflag:s31] =	ssyncadd.s32 $0xFFFFC400  }
0x1e: {  	_ =	swait.ge [sflag:s0], $0x3C00  }
0x1f: {  	[sflag:s0] =	ssyncset.done $0x0  }
0x20: {  	[sflag:s0] =	ssyncadd.s32 $0xFFFFC400  }
0x21: {  	_ =	swait.ge [sflag:s1], $0x3C00  }
0x22: {  	s8 =	sadd.s32 $0x1, s8;
	[sflag:s1] =	ssyncset.done $0x0  }
0x23: {  	p0 =	sne.s32 s8, s15;
	[sflag:s1] =	ssyncadd.s32 $0xFFFFC400  }
.Ltmp1:
0x24: {  	[bflag:$0x0] =	sbarrier.arrive $0xFFFF;
	(pc) =	sbr.rel @!p0 .LBB2_5-.Ltmp1, $4  }
0x25: {  	[hbm:s14], [sflag:s9] =	dma.local [spmem:s16], $0x2800  }
0x26: {  	_ =	swait.ge [sflag:s17], $0x2800  }
0x27: {  	[sflag:s17] =	ssyncset.done $0x0  }
0x28: {  	[sflag:s17] =	ssyncadd.s32 $0xFFFFD800  }
.LBB2_1:
0x29: {  	s10 =	rddreg [dreg:$0x4]  }
0x2a: {  	[spmem:s16], [sflag:s9] =	dma.local [hbm:s10], $0x2800  }
0x2b: {  	_ =	swait.ge [sflag:s17], $0x2800  }
0x2c: {  	[sflag:s17] =	ssyncset.done $0x0  }
0x2d: {  	[sflag:s17] =	ssyncadd.s32 $0xFFFFD800  }
0x2e: {  	[bflag:$0x0] =	sbarrier.arrive $0xFFFF  }
0x2f: {  	s13 =	rddreg [dreg:$0x5]  }
0x30: {  	[tilespmem:s4], [sflag:$0x7] =	stream.linear.gather [hbm4b:s13+s4], $0x80, $0x38;
	[tilespmem:$0x1F700] =	vst v63  }
0x31: {  	_ =	swait.ge [sflag:s17], $0x80  }
0x32: {  	[sflag:s17] =	ssyncset.done $0x0  }
0x33: {  	s11 =	rddreg [dreg:$0x6];
	[sflag:s17] =	ssyncadd.s32 $0xFFFFFF80  }
0x34: {  	[tilespmem:s18], [sflag:$0x7] =	stream.linear.gather [hbm4b:s11+s4], $0x80, $0x38;
	[tilespmem:$0x1F700] =	vst v63  }
0x35: {  	_ =	swait.ge [sflag:s17], $0x80  }
0x36: {  	[sflag:s17] =	ssyncset.done $0x0  }
0x37: {  	[sflag:s17] =	ssyncadd.s32 $0xFFFFFF80  }
0x38: {  	[tilespmem:s20], [sflag:$0x1] =	stream.indirect.gather [hbm4b:s5+s19], $0x80, s4, s19, $0xb8;
	[tilespmem:$0x1F700] =	vst v63  }
0x39: {  	s12 =	rddreg [dreg:$0x7]  }
0x3a: {  	[tilespmem:s21], [sflag:$0x7] =	stream.linear.gather [hbm4b:s12+s4], $0x80, $0x38;
	[tilespmem:$0x1F700] =	vst v63  }
0x3b: {  	_ =	swait.ge [sflag:s17], $0x80  }
0x3c: {  	[sflag:s17] =	ssyncset.done $0x0  }
0x3d: {  	s13 =	rddreg [dreg:$0x8];
	[sflag:s17] =	ssyncadd.s32 $0xFFFFFF80  }
0x3e: {  	[tilespmem:s29], [sflag:$0x7] =	stream.linear.gather [hbm4b:s13+s4], $0x80, $0x38;
	[tilespmem:$0x1F700] =	vst v63  }
0x3f: {  	_ =	swait.ge [sflag:s17], $0x80  }
0x40: {  	[sflag:s17] =	ssyncset.done $0x0  }
0x41: {  	s10 =	simm.s32 $0x200;
	[sflag:s17] =	ssyncadd.s32 $0xFFFFFF80  }
0x42: {  	[tilespmem:s22], [sflag:$0x2] =	stream.indirect.gather [hbm4b:s5+s19], $0x80, s21, s19, $0xb8;
	[tilespmem:$0x1F700] =	vst v63  }
.LBB2_2:
0x43: {  	_ =	swait.ge [sflag:s23], $0x3C00;
	s11 =	sadd.s32 $0xFFFFFF00, s10;
	p0 =	seq.s32 s10, $0x200  }
0x44: {  	[sflag:s23] =	ssyncset.done $0x0;
	s12 =	sand.u32 $0x7C00, s11;
	s13 =	simm.s32 @!p0 $0x6  }
0x45: {  	s11 =	sand.u32 $0x380, s11;
	[sflag:s23] =	ssyncadd.s32 $0xFFFFC400;
	s12 =	sadd.s32 s7, s12  }
0x46: {  	[spmem:s3] =	stream.indirect.scatter.add.f32 [tilespmem:s20], [sflag:$0x4], $0x80, s18, s19, $0xb8;
	[tilespmem:$0x1F700] =	vst v63  }
0x47: {  	s11 =	sor.u32 s11, s12;
	_ =	swait.ge @!p0 [sflag:s13], $0x3C00  }
0x48: {  	s11 =	sshrl.u32 s11, $0x3;
	[sflag:s13] =	ssyncset.done @!p0 $0x0  }
0x49: {  	[sflag:s13] =	ssyncadd.s32 @!p0 $0xFFFFC400;
	s13 =	sadd.s32 s6, s11  }
0x4a: {  	[tilespmem:s24], [sflag:$0x7] =	stream.linear.gather [hbm4b:s13+s4], $0x80, $0x38;
	[tilespmem:$0x1F700] =	vst v63  }
0x4b: {  	_ =	swait.ge [sflag:s17], $0x80  }
0x4c: {  	[sflag:s17] =	ssyncset.done $0x0  }
0x4d: {  	s11 =	sadd.s32 s2, s11;
	[sflag:s17] =	ssyncadd.s32 $0xFFFFFF80  }
0x4e: {  	[tilespmem:s25], [sflag:$0x7] =	stream.linear.gather [hbm4b:s11+s4], $0x80, $0x38;
	[tilespmem:$0x1F700] =	vst v63  }
0x4f: {  	_ =	swait.ge [sflag:s17], $0x80  }
0x50: {  	[sflag:s17] =	ssyncset.done $0x0  }
0x51: {  	p0 =	seq.s32 s10, $0x2A80;
	[sflag:s17] =	ssyncadd.s32 $0xFFFFFF80  }
0x52: {  	[tilespmem:s26], [sflag:$0x3] =	stream.indirect.gather [hbm4b:s5+s19], $0x80, s24, s19, $0xb8;
	[tilespmem:$0x1F700] =	vst v63  }
.Ltmp2:
0x53: {  	_ = 	snop;
	(pc) =	sbr.rel @p0 .LBB2_4-.Ltmp2, $4  }
0x54: {  	_ =	swait.ge [sflag:s28], $0x3C00  }
0x55: {  	[sflag:s28] =	ssyncset.done $0x0  }
0x56: {  	[sflag:s28] =	ssyncadd.s32 $0xFFFFC400  }
0x57: {  	[spmem:s3] =	stream.indirect.scatter.add.f32 [tilespmem:s22], [sflag:$0x5], $0x80, s29, s19, $0xb8;
	[tilespmem:$0x1F700] =	vst v63  }
0x58: {  	s11 =	sadd.s32 $0xFFFFFF80, s10  }
0x59: {  	s12 =	sand.u32 $0x7C00, s11  }
0x5a: {  	s11 =	sand.u32 $0x380, s11;
	s12 =	sadd.s32 s7, s12  }
0x5b: {  	_ =	swait.ge [sflag:s31], $0x3C00;
	s11 =	sor.u32 s11, s12  }
0x5c: {  	[sflag:s31] =	ssyncset.done $0x0;
	s11 =	sshrl.u32 s11, $0x3  }
0x5d: {  	[sflag:s31] =	ssyncadd.s32 $0xFFFFC400;
	s13 =	sadd.s32 s6, s11  }
0x5e: {  	[tilespmem:s4], [sflag:$0x7] =	stream.linear.gather [hbm4b:s13+s4], $0x80, $0x38;
	[tilespmem:$0x1F700] =	vst v63  }
0x5f: {  	_ =	swait.ge [sflag:s17], $0x80  }
0x60: {  	[sflag:s17] =	ssyncset.done $0x0  }
0x61: {  	s11 =	sadd.s32 s2, s11;
	[sflag:s17] =	ssyncadd.s32 $0xFFFFFF80  }
0x62: {  	[tilespmem:s18], [sflag:$0x7] =	stream.linear.gather [hbm4b:s11+s4], $0x80, $0x38;
	[tilespmem:$0x1F700] =	vst v63  }
0x63: {  	_ =	swait.ge [sflag:s17], $0x80  }
0x64: {  	[sflag:s17] =	ssyncset.done $0x0  }
0x65: {  	[sflag:s17] =	ssyncadd.s32 $0xFFFFFF80  }
0x66: {  	[tilespmem:s20], [sflag:$0x1] =	stream.indirect.gather [hbm4b:s5+s19], $0x80, s4, s19, $0xb8;
	[tilespmem:$0x1F700] =	vst v63  }
0x67: {  	_ =	swait.ge [sflag:s30], $0x3C00  }
0x68: {  	s12 =	sand.u32 $0x7C00, s10;
	[sflag:s30] =	ssyncset.done $0x0  }
0x69: {  	s13 =	sand.u32 $0x380, s10;
	s11 =	sadd.s32 s7, s12;
	[sflag:s30] =	ssyncadd.s32 $0xFFFFC400  }
0x6a: {  	[spmem:s3] =	stream.indirect.scatter.add.f32 [tilespmem:s26], [sflag:$0x6], $0x80, s25, s19, $0xb8;
	[tilespmem:$0x1F700] =	vst v63  }
0x6b: {  	s11 =	sor.u32 s13, s11;
	_ =	swait.ge [sflag:s0], $0x3C00  }
0x6c: {  	s11 =	sshrl.u32 s11, $0x3;
	[sflag:s0] =	ssyncset.done $0x0  }
0x6d: {  	s13 =	sadd.s32 s6, s11;
	[sflag:s0] =	ssyncadd.s32 $0xFFFFC400  }
0x6e: {  	[tilespmem:s21], [sflag:$0x7] =	stream.linear.gather [hbm4b:s13+s4], $0x80, $0x38;
	[tilespmem:$0x1F700] =	vst v63  }
0x6f: {  	_ =	swait.ge [sflag:s17], $0x80  }
0x70: {  	[sflag:s17] =	ssyncset.done $0x0  }
0x71: {  	s11 =	sadd.s32 s2, s11;
	[sflag:s17] =	ssyncadd.s32 $0xFFFFFF80  }
0x72: {  	[tilespmem:s29], [sflag:$0x7] =	stream.linear.gather [hbm4b:s11+s4], $0x80, $0x38;
	[tilespmem:$0x1F700] =	vst v63  }
.Ltmp3:
0x73: {  	_ = 	snop;
	(pc) =	sbr.rel .LBB2_2-.Ltmp3, $4  }
0x74: {  	_ =	swait.ge [sflag:s17], $0x80  }
0x75: {  	[sflag:s17] =	ssyncset.done $0x0  }
0x76: {  	s10 =	sadd.s32 $0x180, s10;
	[sflag:s17] =	ssyncadd.s32 $0xFFFFFF80  }
0x77: {  	[tilespmem:s22], [sflag:$0x2] =	stream.indirect.gather [hbm4b:s5+s19], $0x80, s21, s19, $0xb8;
	[tilespmem:$0x1F700] =	vst v63  }
.LBB2_5:
0x78: {  	_ =	sfence.sel $0x180000  }
0x79: {  	[bflag:$0x0] =	sbarrier.arrive $0xFFFF  }
0x7a: {  	_ =	strace $0x90000050  }
0x7b: {  	s0 =	stileid.u32;
	[bflag:$0x2] =	sbarrier.arrive $0xFFFF  }
0x7c: {  	p0 =	sne.s32 s0, $0x0;
	s0 =	rddreg [dreg:$0x3]  }
0x7d: {  	s0 =	sadd.s32 @!p0 $0x100000, s0  }
0x7e: {  	[sflag:s0] =	ssyncadd.tile.s32 @!p0 $0x1;
	_ =	shalt  }
.Lfunc_end2:
_tile_overlayer_lowered:
.L_overlay_start_2:
0x7f: {  	(tag) =	ssettag $0x2  }
0x80: {  	s0 =	rddreg [dreg:$0x0];
	s2 =	stileid.u32  }
0x81: {  	s1 =	rddreg [dreg:$0x1];
	p0 =	sne.s32 s2, $0x0  }
0x82: {  	s3 =	rddreg [dreg:$0x2];
	[bflag:$0x3] =	sbarrier.arrive $0xFFFF;
	s2 =	simm.s32 @!p0 $0x1C07  }
0x83: {  	[timem:s3], [sflag:s2] =	dma.local @!p0 [hbm:s0], s1  }
0x84: {  	s0 =	simm.s32 @!p0 $0x7  }
0x85: {  	_ =	swait.ge @!p0 [sflag:s0], s1  }
0x86: {  	s1 =	ssub.s32 @!p0 $0x0, s1;
	[sflag:s0] =	ssyncset.done @!p0 $0x0  }
0x87: {  	[sflag:s0] =	ssyncadd.s32 @!p0 s1  }
0x88: {  	[bflag:$0x3] =	sbarrier.arrive $0xFFFF  }
0x89: {  	_ =	shalt  }

</sc_bundles>
